<compile_context>
chip_gen: v7x
topology: tpu7x:2x2x1
jax: 0.10.2.dev20260603
libtpu: 0.0.44.dev20260713+nightly
codegen_flags: <defaults>
</compile_context>

<pallas_src>
import functools
import math

import jax
import jax.numpy as jnp
from jax import lax
from jax.experimental import pallas as pl
from jax.experimental.pallas import tpu as pltpu
from jax.experimental.pallas import tpu_sc as plsc

_NC = 2
_NS = 16
_NW = _NC * _NS
_L = 16


def _pe_tc_body(hidden, out_ref):
    rows, cols = out_ref.shape
    r = lax.broadcasted_iota(jnp.int32, (rows, cols), 0)
    c = lax.broadcasted_iota(jnp.int32, (rows, cols), 1)
    i = r * cols + c
    h = i % hidden
    pos = (i // hidden + 1).astype(jnp.float32)
    jeven = (h - (h % 2)).astype(jnp.float32)
    inv_divisor = jnp.exp(jeven * (-math.log(10000.0) / hidden))
    angle = pos * inv_divisor
    out_ref[...] = jnp.where(h % 2 == 0, jnp.sin(angle), jnp.cos(angle))


def _position_encoding(seq, hidden):
    rows = seq * hidden // 128
    return pl.pallas_call(
        functools.partial(_pe_tc_body, hidden),
        out_shape=jax.ShapeDtypeStruct((rows, 128), jnp.float32),
    )()


def _detile_tc_body(hidden, xa_ref, xb_ref, out_ref):
    out_ref[:, 0:hidden] = xa_ref[...].T
    out_ref[:, hidden:] = xb_ref[...].T


def _detile_table(table_t, blk=1536):
    hidden, vocab = table_t.shape
    half = 128 // hidden
    grid = -(-vocab // (2 * blk))
    v2 = grid * blk
    return pl.pallas_call(
        functools.partial(_detile_tc_body, hidden),
        grid=(grid,),
        in_specs=[
            pl.BlockSpec((hidden, blk), lambda g: (0, g)),
            pl.BlockSpec((hidden, blk), lambda g, _grid=grid: (0, g + _grid)),
        ],
        out_specs=pl.BlockSpec((blk, 128), lambda g: (g, 0)),
        out_shape=jax.ShapeDtypeStruct((v2, 128), jnp.float32),
    )(table_t, table_t)


def _sc_body(seq, hidden, bpw, v2, idx_hbm, table_hbm, pe_hbm, out_hbm,
             idx_v, pbufs, gbufs, obufs, gsems, osems):
    cid = lax.axis_index("c")
    sid = lax.axis_index("s")
    wid = sid * _NC + cid
    hb = hidden // 8
    nh = hidden // _L

    pltpu.sync_copy(idx_hbm.at[:, pl.ds(wid * bpw, bpw)], idx_v)

    @plsc.parallel_loop(0, seq)
    def _(s):
        for k in range(bpw // _L):
            v = idx_v[s, pl.ds(k * _L, _L)]
            idx_v[s, pl.ds(k * _L, _L)] = (
                v + v - jnp.where(v < v2, 0, 2 * v2 - 1))

    iota = lax.broadcasted_iota(jnp.int32, (_L,), 0)
    hvecs = [hh * _L + iota for hh in range(nh)]
    h8vecs = [hv // 8 for hv in hvecs]
    hrvecs = [hv % 8 for hv in hvecs]

    def pe_slice(s):
        return pe_hbm.at[s * hidden // 128, pl.ds(s * hidden % 128, hidden)]

    half = bpw // 2

    def gather(s, b):
        pltpu.async_copy(table_hbm.at[idx_v.at[s, pl.ds(0, half)]],
                         gbufs[b].at[pl.ds(0, half), :], gsems[b])
        pltpu.async_copy(table_hbm.at[idx_v.at[s, pl.ds(half, half)]],
                         gbufs[b].at[pl.ds(half, half), :], gsems[b])
        pltpu.async_copy(pe_slice(s), pbufs[b], gsems[b])

    def wait_gather(s, b):
        pltpu.make_async_copy(table_hbm.at[idx_v.at[s, pl.ds(0, half)]],
                              gbufs[b].at[pl.ds(0, half), :],
                              gsems[b]).wait()
        pltpu.make_async_copy(table_hbm.at[idx_v.at[s, pl.ds(half, half)]],
                              gbufs[b].at[pl.ds(half, half), :],
                              gsems[b]).wait()
        pltpu.make_async_copy(pe_slice(s), pbufs[b], gsems[b]).wait()

    def put(s, b):
        pltpu.async_copy(obufs[b].at[:, :, pl.ds(0, 128)],
                         out_hbm.at[s, :, wid], osems[b])

    def wait_put(s, b):
        pltpu.make_async_copy(obufs[b].at[:, :, pl.ds(0, 128)],
                              out_hbm.at[s, :, wid], osems[b]).wait()

    def transpose_pe(s, b):
        gbuf, obuf, pbuf = gbufs[b], obufs[b], pbufs[b]
        pes = [pbuf[pl.ds(hh * _L, _L)] for hh in range(nh)]

        @plsc.parallel_loop(0, bpw)
        def _(r):
            cvec = jnp.full((_L,), r, jnp.int32)
            for hh in range(nh):
                v = gbuf[r, pl.ds(hh * _L, _L)]
                plsc.store_scatter(obuf, [h8vecs[hh], hrvecs[hh], cvec],
                                   v + pes[hh])

    nbuf, lead = 5, 4
    for s0 in range(lead):
        gather(s0, s0)

    def group(g, carry):
        for b in range(nbuf):
            s = g * nbuf + b

            @pl.when(s + lead < seq)
            def _():
                gather(s + lead, (b + lead) % nbuf)

            wait_gather(s, b)

            @pl.when(s >= nbuf)
            def _():
                wait_put(s - nbuf, b)

            transpose_pe(s, b)
            put(s, b)
        return carry

    lax.fori_loop(0, seq // nbuf, group, 0, unroll=False)

    for s in range(seq - nbuf, seq):
        wait_put(s, s % nbuf)


def _sc_gather(idx_t, table, pe, v2):
    seq, batch = idx_t.shape
    hidden = table.shape[1]
    bpw = batch // _NW
    mesh = plsc.VectorSubcoreMesh(
        core_axis_name="c", subcore_axis_name="s",
        num_cores=_NC, num_subcores=_NS)
    body = functools.partial(_sc_body, seq, hidden, bpw, v2)
    return pl.kernel(
        body,
        out_type=jax.ShapeDtypeStruct((seq, hidden // 8, _NW, 8, 128),
                                      jnp.float32),
        mesh=mesh,
        scratch_types=[
            pltpu.VMEM((seq, bpw), jnp.int32),
            [pltpu.VMEM((hidden,), jnp.float32) for _ in range(5)],
            [pltpu.VMEM((bpw, hidden), jnp.float32) for _ in range(5)],
            [pltpu.VMEM((hidden // 8, 8, 129), jnp.float32)
             for _ in range(5)],
            [pltpu.SemaphoreType.DMA for _ in range(5)],
            [pltpu.SemaphoreType.DMA for _ in range(5)],
        ],
        compiler_params=pltpu.CompilerParams(use_tc_tiling_on_sc=False,
                                             needs_layout_passes=False),
    )(idx_t, table, pe)


def kernel(inputs, table):
    batch, seq = inputs.shape
    hidden = table.shape[1]
    pe = _position_encoding(seq, hidden)
    idx_t = inputs.T
    t128 = _detile_table(table.T)
    table_rm = t128.reshape(t128.shape[0] * 128 // hidden, hidden)
    out5 = _sc_gather(idx_t, table_rm, pe, t128.shape[0])
    out = out5.transpose(2, 4, 0, 1, 3).reshape(batch, seq, hidden)
    return out

# --- scband reference (transcript-rebuilt; emitter-appended) ---
"""Pipeline reference for scband-position-embedding-84542136254506 (READ-ONLY COPY).

The authoritative reference and input builder live on the scoring server;
editing this copy changes nothing except your own understanding.
"""

import jax, jax.numpy as jnp
import numpy as np

N_SYMBOLS = 100000
HIDDEN = 64
BATCH = 4096
SEQ = 200


def setup_inputs(seed: int = 0) -> dict:
    key = jax.random.key(seed)
    k1, k2 = jax.random.split(key)
    inputs = jax.random.randint(k1, (BATCH, SEQ), 0, N_SYMBOLS + 1, dtype=jnp.int32)
    # Embedding table for n_symbols + 1 rows (mask_zero=True reserves row 0)
    table = jax.random.normal(k2, (N_SYMBOLS + 1, HIDDEN), dtype=jnp.float32) * 0.05
    return {"inputs": inputs, "table": table}


def _position_embedding(sequence_length, hidden_size):
    power = jnp.arange(0, hidden_size, 2, dtype=jnp.float32) / hidden_size
    divisor = 10000.0 ** power
    seq_pos = (jnp.arange(sequence_length)[None, :] + 1).astype(jnp.float32)
    embedding = seq_pos[:, :, None] / divisor
    sin_embedding = jnp.sin(embedding)
    cos_embedding = jnp.cos(embedding)
    position_embedding = jnp.stack((sin_embedding, cos_embedding), -1)
    return position_embedding.reshape(1, sequence_length, hidden_size)


def reference(inputs, table):
    sequence_length = inputs.shape[1]
    hidden_size = table.shape[1]
    position_embedding = _position_embedding(sequence_length, hidden_size)
    embedding = jnp.take(table, inputs, axis=0)
    embedding = embedding + position_embedding
    # mask=None in the discrete path, so no masking applied
    return embedding

if __name__ == "__main__":
    import jax
    _d = setup_inputs()
    print(jax.jit(kernel)(*tuple(_d.values())))

</pallas_src>

<mosaic_0001>
#map = affine_map<(d0, d1) -> (0, 0)>
#map1 = affine_map<(d0, d1) -> (0, 0, 0, 0, 0)>
module attributes {stable_mosaic.version = 14 : i64} {
  func.func @_sc_body(%arg0: i32, %arg1: i32, %arg2: memref<200x4096xi32, #tpu.memory_space<hbm>>, %arg3: memref<101376x64xf32, #tpu.memory_space<hbm>>, %arg4: memref<100x128xf32, #tpu.memory_space<hbm>>, %arg5: memref<200x8x32x8x128xf32, #tpu.memory_space<hbm>>, %arg6: memref<200x128xi32, #tpu.memory_space<vmem>>, %arg7: memref<64xf32, #tpu.memory_space<vmem>>, %arg8: memref<64xf32, #tpu.memory_space<vmem>>, %arg9: memref<64xf32, #tpu.memory_space<vmem>>, %arg10: memref<64xf32, #tpu.memory_space<vmem>>, %arg11: memref<64xf32, #tpu.memory_space<vmem>>, %arg12: memref<128x64xf32, #tpu.memory_space<vmem>>, %arg13: memref<128x64xf32, #tpu.memory_space<vmem>>, %arg14: memref<128x64xf32, #tpu.memory_space<vmem>>, %arg15: memref<128x64xf32, #tpu.memory_space<vmem>>, %arg16: memref<128x64xf32, #tpu.memory_space<vmem>>, %arg17: memref<8x8x129xf32, #tpu.memory_space<vmem>>, %arg18: memref<8x8x129xf32, #tpu.memory_space<vmem>>, %arg19: memref<8x8x129xf32, #tpu.memory_space<vmem>>, %arg20: memref<8x8x129xf32, #tpu.memory_space<vmem>>, %arg21: memref<8x8x129xf32, #tpu.memory_space<vmem>>, %arg22: memref<!tpu.dma_semaphore, #tpu.memory_space<semaphore_mem>>, %arg23: memref<!tpu.dma_semaphore, #tpu.memory_space<semaphore_mem>>, %arg24: memref<!tpu.dma_semaphore, #tpu.memory_space<semaphore_mem>>, %arg25: memref<!tpu.dma_semaphore, #tpu.memory_space<semaphore_mem>>, %arg26: memref<!tpu.dma_semaphore, #tpu.memory_space<semaphore_mem>>, %arg27: memref<!tpu.dma_semaphore, #tpu.memory_space<semaphore_mem>>, %arg28: memref<!tpu.dma_semaphore, #tpu.memory_space<semaphore_mem>>, %arg29: memref<!tpu.dma_semaphore, #tpu.memory_space<semaphore_mem>>, %arg30: memref<!tpu.dma_semaphore, #tpu.memory_space<semaphore_mem>>, %arg31: memref<!tpu.dma_semaphore, #tpu.memory_space<semaphore_mem>>) attributes {dimension_semantics = [#tpu.dimension_semantics<core_parallel>, #tpu.dimension_semantics<subcore_parallel>], iteration_bounds = array<i64: 2, 16>, scalar_prefetch = 0 : i64, scratch_operands = 26 : i64, tpu.core_type = #tpu.core_type<sc_vector_subcore>, window_params = [{transform_indices = #map}, {transform_indices = #map}, {transform_indices = #map}, {transform_indices = #map1}]} {
    %mul3A = arith.constant 2 : i32
    %mul3A_0 = arith.muli %arg1, %mul3A : i32
    %add3A = arith.addi %mul3A_0, %arg0 : i32
    %mul3A_1 = arith.constant 128 : i32
    %mul3A_2 = arith.muli %add3A, %mul3A_1 : i32
    "tpu.region"() ({
      %run_scoped3A = tpu.sem_alloc : memref<!tpu.dma_semaphore, #tpu.memory_space<semaphore_mem>>
      %dma_start3A_425 = arith.constant 0 : i32
      %dma_start3A_426 = tpu.memref_slice %arg2[%dma_start3A_425, %mul3A_2] : memref<200x4096xi32, #tpu.memory_space<hbm>> -> memref<200x128xi32, #tpu.memory_space<hbm>>
      %dma_start3A_427 = arith.constant 0 : i32
      %dma_start3A_428 = tpu.memref_slice %arg2[%dma_start3A_427, %mul3A_2] : memref<200x4096xi32, #tpu.memory_space<hbm>> -> memref<200x128xi32, #tpu.memory_space<hbm>>
      tpu.enqueue_dma source(%dma_start3A_428 : memref<200x128xi32, #tpu.memory_space<hbm>>) target(%arg6 : memref<200x128xi32, #tpu.memory_space<vmem>>) target_semaphore(%run_scoped3A : memref<!tpu.dma_semaphore, #tpu.memory_space<semaphore_mem>>)
      %dma_wait3A_429 = arith.constant 0 : i32
      %dma_wait3A_430 = tpu.memref_slice %arg2[%dma_wait3A_429, %mul3A_2] : memref<200x4096xi32, #tpu.memory_space<hbm>> -> memref<200x128xi32, #tpu.memory_space<hbm>>
      %dma_wait3A_431 = arith.constant 0 : i32
      %dma_wait3A_432 = tpu.memref_slice %arg2[%dma_wait3A_431, %mul3A_2] : memref<200x4096xi32, #tpu.memory_space<hbm>> -> memref<200x128xi32, #tpu.memory_space<hbm>>
      tpu.wait_dma2 semaphore(%run_scoped3A : memref<!tpu.dma_semaphore, #tpu.memory_space<semaphore_mem>>) src(%dma_wait3A_432 : memref<200x128xi32, #tpu.memory_space<hbm>>) dst(%arg6 : memref<200x128xi32, #tpu.memory_space<vmem>>)
      tpu.yield
    }) : () -> ()
    %parallel_loop3A = arith.constant 0 : i32
    %parallel_loop3A_3 = arith.constant 200 : i32
    %parallel_loop3A_4 = arith.constant 1 : i32
    scf.for %parallel_loop3A_425 = %parallel_loop3A to %parallel_loop3A_3 step %parallel_loop3A_4  : i32 {
      %parallel_loop3A_426 = arith.index_cast %parallel_loop3A_425 : i32 to index
      %parallel_loop3A_427 = arith.constant 0 : index
      %parallel_loop3A_428 = tpu.vector_load %arg6[%parallel_loop3A_426, %parallel_loop3A_427] {strides = array<i32>} : memref<200x128xi32, #tpu.memory_space<vmem>>, vector<16xi32>,
      %parallel_loop3A_429 = arith.addi %parallel_loop3A_428, %parallel_loop3A_428 : vector<16xi32>
      %parallel_loop3A_430 = arith.constant 50688 : i32
      %parallel_loop3A_431 = vector.broadcast %parallel_loop3A_430 : i32 to vector<16xi32>
      %parallel_loop3A_432 = arith.cmpi slt, %parallel_loop3A_428, %parallel_loop3A_431 : vector<16xi32>
      %parallel_loop3A_433 = arith.constant 0 : i32
      %parallel_loop3A_434 = arith.constant 101375 : i32
      %parallel_loop3A_435 = vector.broadcast %parallel_loop3A_433 : i32 to vector<16xi32>
      %parallel_loop3A_436 = vector.broadcast %parallel_loop3A_434 : i32 to vector<16xi32>
      %parallel_loop3A_437 = arith.select %parallel_loop3A_432, %parallel_loop3A_435, %parallel_loop3A_436 : vector<16xi1>, vector<16xi32>
      %parallel_loop3A_438 = arith.subi %parallel_loop3A_429, %parallel_loop3A_437 : vector<16xi32>
      %parallel_loop3A_439 = arith.index_cast %parallel_loop3A_425 : i32 to index
      %parallel_loop3A_440 = arith.constant 0 : index
      %parallel_loop3A_441 = tpu.vector_load %arg6[%parallel_loop3A_439, %parallel_loop3A_440] {strides = array<i32>} : memref<200x128xi32, #tpu.memory_space<vmem>>, vector<16xi32>,
      tpu.vector_store %arg6[%parallel_loop3A_439, %parallel_loop3A_440], %parallel_loop3A_438 {strides = array<i32>} : memref<200x128xi32, #tpu.memory_space<vmem>>, vector<16xi32>,
      %parallel_loop3A_442 = arith.index_cast %parallel_loop3A_425 : i32 to index
      %parallel_loop3A_443 = arith.constant 16 : index
      %parallel_loop3A_444 = tpu.vector_load %arg6[%parallel_loop3A_442, %parallel_loop3A_443] {strides = array<i32>} : memref<200x128xi32, #tpu.memory_space<vmem>>, vector<16xi32>,
      %parallel_loop3A_445 = arith.addi %parallel_loop3A_444, %parallel_loop3A_444 : vector<16xi32>
      %parallel_loop3A_446 = arith.constant 50688 : i32
      %parallel_loop3A_447 = vector.broadcast %parallel_loop3A_446 : i32 to vector<16xi32>
      %parallel_loop3A_448 = arith.cmpi slt, %parallel_loop3A_444, %parallel_loop3A_447 : vector<16xi32>
      %parallel_loop3A_449 = arith.constant 0 : i32
      %parallel_loop3A_450 = arith.constant 101375 : i32
      %parallel_loop3A_451 = vector.broadcast %parallel_loop3A_449 : i32 to vector<16xi32>
      %parallel_loop3A_452 = vector.broadcast %parallel_loop3A_450 : i32 to vector<16xi32>
      %parallel_loop3A_453 = arith.select %parallel_loop3A_448, %parallel_loop3A_451, %parallel_loop3A_452 : vector<16xi1>, vector<16xi32>
      %parallel_loop3A_454 = arith.subi %parallel_loop3A_445, %parallel_loop3A_453 : vector<16xi32>
      %parallel_loop3A_455 = arith.index_cast %parallel_loop3A_425 : i32 to index
      %parallel_loop3A_456 = arith.constant 16 : index
      %parallel_loop3A_457 = tpu.vector_load %arg6[%parallel_loop3A_455, %parallel_loop3A_456] {strides = array<i32>} : memref<200x128xi32, #tpu.memory_space<vmem>>, vector<16xi32>,
      tpu.vector_store %arg6[%parallel_loop3A_455, %parallel_loop3A_456], %parallel_loop3A_454 {strides = array<i32>} : memref<200x128xi32, #tpu.memory_space<vmem>>, vector<16xi32>,
      %parallel_loop3A_458 = arith.index_cast %parallel_loop3A_425 : i32 to index
      %parallel_loop3A_459 = arith.constant 32 : index
      %parallel_loop3A_460 = tpu.vector_load %arg6[%parallel_loop3A_458, %parallel_loop3A_459] {strides = array<i32>} : memref<200x128xi32, #tpu.memory_space<vmem>>, vector<16xi32>,
      %parallel_loop3A_461 = arith.addi %parallel_loop3A_460, %parallel_loop3A_460 : vector<16xi32>
      %parallel_loop3A_462 = arith.constant 50688 : i32
      %parallel_loop3A_463 = vector.broadcast %parallel_loop3A_462 : i32 to vector<16xi32>
      %parallel_loop3A_464 = arith.cmpi slt, %parallel_loop3A_460, %parallel_loop3A_463 : vector<16xi32>
      %parallel_loop3A_465 = arith.constant 0 : i32
      %parallel_loop3A_466 = arith.constant 101375 : i32
      %parallel_loop3A_467 = vector.broadcast %parallel_loop3A_465 : i32 to vector<16xi32>
      %parallel_loop3A_468 = vector.broadcast %parallel_loop3A_466 : i32 to vector<16xi32>
      %parallel_loop3A_469 = arith.select %parallel_loop3A_464, %parallel_loop3A_467, %parallel_loop3A_468 : vector<16xi1>, vector<16xi32>
      %parallel_loop3A_470 = arith.subi %parallel_loop3A_461, %parallel_loop3A_469 : vector<16xi32>
      %parallel_loop3A_471 = arith.index_cast %parallel_loop3A_425 : i32 to index
      %parallel_loop3A_472 = arith.constant 32 : index
      %parallel_loop3A_473 = tpu.vector_load %arg6[%parallel_loop3A_471, %parallel_loop3A_472] {strides = array<i32>} : memref<200x128xi32, #tpu.memory_space<vmem>>, vector<16xi32>,
      tpu.vector_store %arg6[%parallel_loop3A_471, %parallel_loop3A_472], %parallel_loop3A_470 {strides = array<i32>} : memref<200x128xi32, #tpu.memory_space<vmem>>, vector<16xi32>,
      %parallel_loop3A_474 = arith.index_cast %parallel_loop3A_425 : i32 to index
      %parallel_loop3A_475 = arith.constant 48 : index
      %parallel_loop3A_476 = tpu.vector_load %arg6[%parallel_loop3A_474, %parallel_loop3A_475] {strides = array<i32>} : memref<200x128xi32, #tpu.memory_space<vmem>>, vector<16xi32>,
      %parallel_loop3A_477 = arith.addi %parallel_loop3A_476, %parallel_loop3A_476 : vector<16xi32>
      %parallel_loop3A_478 = arith.constant 50688 : i32
      %parallel_loop3A_479 = vector.broadcast %parallel_loop3A_478 : i32 to vector<16xi32>
      %parallel_loop3A_480 = arith.cmpi slt, %parallel_loop3A_476, %parallel_loop3A_479 : vector<16xi32>
      %parallel_loop3A_481 = arith.constant 0 : i32
      %parallel_loop3A_482 = arith.constant 101375 : i32
      %parallel_loop3A_483 = vector.broadcast %parallel_loop3A_481 : i32 to vector<16xi32>
      %parallel_loop3A_484 = vector.broadcast %parallel_loop3A_482 : i32 to vector<16xi32>
      %parallel_loop3A_485 = arith.select %parallel_loop3A_480, %parallel_loop3A_483, %parallel_loop3A_484 : vector<16xi1>, vector<16xi32>
      %parallel_loop3A_486 = arith.subi %parallel_loop3A_477, %parallel_loop3A_485 : vector<16xi32>
      %parallel_loop3A_487 = arith.index_cast %parallel_loop3A_425 : i32 to index
      %parallel_loop3A_488 = arith.constant 48 : index
      %parallel_loop3A_489 = tpu.vector_load %arg6[%parallel_loop3A_487, %parallel_loop3A_488] {strides = array<i32>} : memref<200x128xi32, #tpu.memory_space<vmem>>, vector<16xi32>,
      tpu.vector_store %arg6[%parallel_loop3A_487, %parallel_loop3A_488], %parallel_loop3A_486 {strides = array<i32>} : memref<200x128xi32, #tpu.memory_space<vmem>>, vector<16xi32>,
      %parallel_loop3A_490 = arith.index_cast %parallel_loop3A_425 : i32 to index
      %parallel_loop3A_491 = arith.constant 64 : index
      %parallel_loop3A_492 = tpu.vector_load %arg6[%parallel_loop3A_490, %parallel_loop3A_491] {strides = array<i32>} : memref<200x128xi32, #tpu.memory_space<vmem>>, vector<16xi32>,
      %parallel_loop3A_493 = arith.addi %parallel_loop3A_492, %parallel_loop3A_492 : vector<16xi32>
      %parallel_loop3A_494 = arith.constant 50688 : i32
      %parallel_loop3A_495 = vector.broadcast %parallel_loop3A_494 : i32 to vector<16xi32>
      %parallel_loop3A_496 = arith.cmpi slt, %parallel_loop3A_492, %parallel_loop3A_495 : vector<16xi32>
      %parallel_loop3A_497 = arith.constant 0 : i32
      %parallel_loop3A_498 = arith.constant 101375 : i32
      %parallel_loop3A_499 = vector.broadcast %parallel_loop3A_497 : i32 to vector<16xi32>
      %parallel_loop3A_500 = vector.broadcast %parallel_loop3A_498 : i32 to vector<16xi32>
      %parallel_loop3A_501 = arith.select %parallel_loop3A_496, %parallel_loop3A_499, %parallel_loop3A_500 : vector<16xi1>, vector<16xi32>
      %parallel_loop3A_502 = arith.subi %parallel_loop3A_493, %parallel_loop3A_501 : vector<16xi32>
      %parallel_loop3A_503 = arith.index_cast %parallel_loop3A_425 : i32 to index
      %parallel_loop3A_504 = arith.constant 64 : index
      %parallel_loop3A_505 = tpu.vector_load %arg6[%parallel_loop3A_503, %parallel_loop3A_504] {strides = array<i32>} : memref<200x128xi32, #tpu.memory_space<vmem>>, vector<16xi32>,
      tpu.vector_store %arg6[%parallel_loop3A_503, %parallel_loop3A_504], %parallel_loop3A_502 {strides = array<i32>} : memref<200x128xi32, #tpu.memory_space<vmem>>, vector<16xi32>,
      %parallel_loop3A_506 = arith.index_cast %parallel_loop3A_425 : i32 to index
      %parallel_loop3A_507 = arith.constant 80 : index
      %parallel_loop3A_508 = tpu.vector_load %arg6[%parallel_loop3A_506, %parallel_loop3A_507] {strides = array<i32>} : memref<200x128xi32, #tpu.memory_space<vmem>>, vector<16xi32>,
      %parallel_loop3A_509 = arith.addi %parallel_loop3A_508, %parallel_loop3A_508 : vector<16xi32>
      %parallel_loop3A_510 = arith.constant 50688 : i32
      %parallel_loop3A_511 = vector.broadcast %parallel_loop3A_510 : i32 to vector<16xi32>
      %parallel_loop3A_512 = arith.cmpi slt, %parallel_loop3A_508, %parallel_loop3A_511 : vector<16xi32>
      %parallel_loop3A_513 = arith.constant 0 : i32
      %parallel_loop3A_514 = arith.constant 101375 : i32
      %parallel_loop3A_515 = vector.broadcast %parallel_loop3A_513 : i32 to vector<16xi32>
      %parallel_loop3A_516 = vector.broadcast %parallel_loop3A_514 : i32 to vector<16xi32>
      %parallel_loop3A_517 = arith.select %parallel_loop3A_512, %parallel_loop3A_515, %parallel_loop3A_516 : vector<16xi1>, vector<16xi32>
      %parallel_loop3A_518 = arith.subi %parallel_loop3A_509, %parallel_loop3A_517 : vector<16xi32>
      %parallel_loop3A_519 = arith.index_cast %parallel_loop3A_425 : i32 to index
      %parallel_loop3A_520 = arith.constant 80 : index
      %parallel_loop3A_521 = tpu.vector_load %arg6[%parallel_loop3A_519, %parallel_loop3A_520] {strides = array<i32>} : memref<200x128xi32, #tpu.memory_space<vmem>>, vector<16xi32>,
      tpu.vector_store %arg6[%parallel_loop3A_519, %parallel_loop3A_520], %parallel_loop3A_518 {strides = array<i32>} : memref<200x128xi32, #tpu.memory_space<vmem>>, vector<16xi32>,
      %parallel_loop3A_522 = arith.index_cast %parallel_loop3A_425 : i32 to index
      %parallel_loop3A_523 = arith.constant 96 : index
      %parallel_loop3A_524 = tpu.vector_load %arg6[%parallel_loop3A_522, %parallel_loop3A_523] {strides = array<i32>} : memref<200x128xi32, #tpu.memory_space<vmem>>, vector<16xi32>,
      %parallel_loop3A_525 = arith.addi %parallel_loop3A_524, %parallel_loop3A_524 : vector<16xi32>
      %parallel_loop3A_526 = arith.constant 50688 : i32
      %parallel_loop3A_527 = vector.broadcast %parallel_loop3A_526 : i32 to vector<16xi32>
      %parallel_loop3A_528 = arith.cmpi slt, %parallel_loop3A_524, %parallel_loop3A_527 : vector<16xi32>
      %parallel_loop3A_529 = arith.constant 0 : i32
      %parallel_loop3A_530 = arith.constant 101375 : i32
      %parallel_loop3A_531 = vector.broadcast %parallel_loop3A_529 : i32 to vector<16xi32>
      %parallel_loop3A_532 = vector.broadcast %parallel_loop3A_530 : i32 to vector<16xi32>
      %parallel_loop3A_533 = arith.select %parallel_loop3A_528, %parallel_loop3A_531, %parallel_loop3A_532 : vector<16xi1>, vector<16xi32>
      %parallel_loop3A_534 = arith.subi %parallel_loop3A_525, %parallel_loop3A_533 : vector<16xi32>
      %parallel_loop3A_535 = arith.index_cast %parallel_loop3A_425 : i32 to index
      %parallel_loop3A_536 = arith.constant 96 : index
      %parallel_loop3A_537 = tpu.vector_load %arg6[%parallel_loop3A_535, %parallel_loop3A_536] {strides = array<i32>} : memref<200x128xi32, #tpu.memory_space<vmem>>, vector<16xi32>,
      tpu.vector_store %arg6[%parallel_loop3A_535, %parallel_loop3A_536], %parallel_loop3A_534 {strides = array<i32>} : memref<200x128xi32, #tpu.memory_space<vmem>>, vector<16xi32>,
      %parallel_loop3A_538 = arith.index_cast %parallel_loop3A_425 : i32 to index
      %parallel_loop3A_539 = arith.constant 112 : index
      %parallel_loop3A_540 = tpu.vector_load %arg6[%parallel_loop3A_538, %parallel_loop3A_539] {strides = array<i32>} : memref<200x128xi32, #tpu.memory_space<vmem>>, vector<16xi32>,
      %parallel_loop3A_541 = arith.addi %parallel_loop3A_540, %parallel_loop3A_540 : vector<16xi32>
      %parallel_loop3A_542 = arith.constant 50688 : i32
      %parallel_loop3A_543 = vector.broadcast %parallel_loop3A_542 : i32 to vector<16xi32>
      %parallel_loop3A_544 = arith.cmpi slt, %parallel_loop3A_540, %parallel_loop3A_543 : vector<16xi32>
      %parallel_loop3A_545 = arith.constant 0 : i32
      %parallel_loop3A_546 = arith.constant 101375 : i32
      %parallel_loop3A_547 = vector.broadcast %parallel_loop3A_545 : i32 to vector<16xi32>
      %parallel_loop3A_548 = vector.broadcast %parallel_loop3A_546 : i32 to vector<16xi32>
      %parallel_loop3A_549 = arith.select %parallel_loop3A_544, %parallel_loop3A_547, %parallel_loop3A_548 : vector<16xi1>, vector<16xi32>
      %parallel_loop3A_550 = arith.subi %parallel_loop3A_541, %parallel_loop3A_549 : vector<16xi32>
      %parallel_loop3A_551 = arith.index_cast %parallel_loop3A_425 : i32 to index
      %parallel_loop3A_552 = arith.constant 112 : index
      %parallel_loop3A_553 = tpu.vector_load %arg6[%parallel_loop3A_551, %parallel_loop3A_552] {strides = array<i32>} : memref<200x128xi32, #tpu.memory_space<vmem>>, vector<16xi32>,
      tpu.vector_store %arg6[%parallel_loop3A_551, %parallel_loop3A_552], %parallel_loop3A_550 {strides = array<i32>} : memref<200x128xi32, #tpu.memory_space<vmem>>, vector<16xi32>,
    } {sc.loop_unroll_factor = 1 : i64, sc.parallel_access}
    %iota3A = tpu.iota {dimensions = array<i32: 0>} : vector<16xi32>
    %add3A_5 = arith.constant 0 : i32
    %add3A_6 = vector.broadcast %add3A_5 : i32 to vector<16xi32>
    %add3A_7 = arith.addi %add3A_6, %iota3A : vector<16xi32>
    %add3A_8 = arith.constant 16 : i32
    %add3A_9 = vector.broadcast %add3A_8 : i32 to vector<16xi32>
    %add3A_10 = arith.addi %add3A_9, %iota3A : vector<16xi32>
    %add3A_11 = arith.constant 32 : i32
    %add3A_12 = vector.broadcast %add3A_11 : i32 to vector<16xi32>
    %add3A_13 = arith.addi %add3A_12, %iota3A : vector<16xi32>
    %add3A_14 = arith.constant 48 : i32
    %add3A_15 = vector.broadcast %add3A_14 : i32 to vector<16xi32>
    %add3A_16 = arith.addi %add3A_15, %iota3A : vector<16xi32>
    %jit3A = arith.constant 8 : i32
    %div3A = vector.broadcast %jit3A : i32 to vector<16xi32>
    %div3A_17 = arith.divsi %add3A_7, %div3A : vector<16xi32>
    %sign3A = arith.constant 0 : i32
    %sign3A_18 = vector.broadcast %sign3A : i32 to vector<16xi32>
    %sign3A_19 = arith.cmpi sgt, %add3A_7, %sign3A_18 : vector<16xi32>
    %sign3A_20 = arith.extui %sign3A_19 : vector<16xi1> to vector<16xi32>
    %sign3A_21 = arith.constant 0 : i32
    %sign3A_22 = vector.broadcast %sign3A_21 : i32 to vector<16xi32>
    %sign3A_23 = arith.cmpi slt, %add3A_7, %sign3A_22 : vector<16xi32>
    %sign3A_24 = arith.extui %sign3A_23 : vector<16xi1> to vector<16xi32>
    %sign3A_25 = arith.subi %sign3A_20, %sign3A_24 : vector<16xi32>
    %sign3A_26 = arith.constant 0 : i32
    %sign3A_27 = arith.cmpi sgt, %jit3A, %sign3A_26 : i32
    %sign3A_28 = arith.extui %sign3A_27 : i1 to i32
    %sign3A_29 = arith.constant 0 : i32
    %sign3A_30 = arith.cmpi slt, %jit3A, %sign3A_29 : i32
    %sign3A_31 = arith.extui %sign3A_30 : i1 to i32
    %sign3A_32 = arith.subi %sign3A_28, %sign3A_31 : i32
    %ne3A = vector.broadcast %sign3A_32 : i32 to vector<16xi32>
    %ne3A_33 = arith.cmpi ne, %sign3A_25, %ne3A : vector<16xi32>
    %rem3A = vector.broadcast %jit3A : i32 to vector<16xi32>
    %rem3A_34 = arith.remsi %add3A_7, %rem3A : vector<16xi32>
    %ne3A_35 = arith.constant 0 : i32
    %ne3A_36 = vector.broadcast %ne3A_35 : i32 to vector<16xi32>
    %ne3A_37 = arith.cmpi ne, %rem3A_34, %ne3A_36 : vector<16xi32>
    %and3A = arith.andi %ne3A_33, %ne3A_37 : vector<16xi1>
    %sub3A = arith.constant 1 : i32
    %sub3A_38 = vector.broadcast %sub3A : i32 to vector<16xi32>
    %sub3A_39 = arith.subi %div3A_17, %sub3A_38 : vector<16xi32>
    %select_n3A = arith.select %and3A, %sub3A_39, %div3A_17 : vector<16xi1>, vector<16xi32>
    %jit3A_40 = arith.constant 8 : i32
    %div3A_41 = vector.broadcast %jit3A_40 : i32 to vector<16xi32>
    %div3A_42 = arith.divsi %add3A_10, %div3A_41 : vector<16xi32>
    %sign3A_43 = arith.constant 0 : i32
    %sign3A_44 = vector.broadcast %sign3A_43 : i32 to vector<16xi32>
    %sign3A_45 = arith.cmpi sgt, %add3A_10, %sign3A_44 : vector<16xi32>
    %sign3A_46 = arith.extui %sign3A_45 : vector<16xi1> to vector<16xi32>
    %sign3A_47 = arith.constant 0 : i32
    %sign3A_48 = vector.broadcast %sign3A_47 : i32 to vector<16xi32>
    %sign3A_49 = arith.cmpi slt, %add3A_10, %sign3A_48 : vector<16xi32>
    %sign3A_50 = arith.extui %sign3A_49 : vector<16xi1> to vector<16xi32>
    %sign3A_51 = arith.subi %sign3A_46, %sign3A_50 : vector<16xi32>
    %sign3A_52 = arith.constant 0 : i32
    %sign3A_53 = arith.cmpi sgt, %jit3A_40, %sign3A_52 : i32
    %sign3A_54 = arith.extui %sign3A_53 : i1 to i32
    %sign3A_55 = arith.constant 0 : i32
    %sign3A_56 = arith.cmpi slt, %jit3A_40, %sign3A_55 : i32
    %sign3A_57 = arith.extui %sign3A_56 : i1 to i32
    %sign3A_58 = arith.subi %sign3A_54, %sign3A_57 : i32
    %ne3A_59 = vector.broadcast %sign3A_58 : i32 to vector<16xi32>
    %ne3A_60 = arith.cmpi ne, %sign3A_51, %ne3A_59 : vector<16xi32>
    %rem3A_61 = vector.broadcast %jit3A_40 : i32 to vector<16xi32>
    %rem3A_62 = arith.remsi %add3A_10, %rem3A_61 : vector<16xi32>
    %ne3A_63 = arith.constant 0 : i32
    %ne3A_64 = vector.broadcast %ne3A_63 : i32 to vector<16xi32>
    %ne3A_65 = arith.cmpi ne, %rem3A_62, %ne3A_64 : vector<16xi32>
    %and3A_66 = arith.andi %ne3A_60, %ne3A_65 : vector<16xi1>
    %sub3A_67 = arith.constant 1 : i32
    %sub3A_68 = vector.broadcast %sub3A_67 : i32 to vector<16xi32>
    %sub3A_69 = arith.subi %div3A_42, %sub3A_68 : vector<16xi32>
    %select_n3A_70 = arith.select %and3A_66, %sub3A_69, %div3A_42 : vector<16xi1>, vector<16xi32>
    %jit3A_71 = arith.constant 8 : i32
    %div3A_72 = vector.broadcast %jit3A_71 : i32 to vector<16xi32>
    %div3A_73 = arith.divsi %add3A_13, %div3A_72 : vector<16xi32>
    %sign3A_74 = arith.constant 0 : i32
    %sign3A_75 = vector.broadcast %sign3A_74 : i32 to vector<16xi32>
    %sign3A_76 = arith.cmpi sgt, %add3A_13, %sign3A_75 : vector<16xi32>
    %sign3A_77 = arith.extui %sign3A_76 : vector<16xi1> to vector<16xi32>
    %sign3A_78 = arith.constant 0 : i32
    %sign3A_79 = vector.broadcast %sign3A_78 : i32 to vector<16xi32>
    %sign3A_80 = arith.cmpi slt, %add3A_13, %sign3A_79 : vector<16xi32>
    %sign3A_81 = arith.extui %sign3A_80 : vector<16xi1> to vector<16xi32>
    %sign3A_82 = arith.subi %sign3A_77, %sign3A_81 : vector<16xi32>
    %sign3A_83 = arith.constant 0 : i32
    %sign3A_84 = arith.cmpi sgt, %jit3A_71, %sign3A_83 : i32
    %sign3A_85 = arith.extui %sign3A_84 : i1 to i32
    %sign3A_86 = arith.constant 0 : i32
    %sign3A_87 = arith.cmpi slt, %jit3A_71, %sign3A_86 : i32
    %sign3A_88 = arith.extui %sign3A_87 : i1 to i32
    %sign3A_89 = arith.subi %sign3A_85, %sign3A_88 : i32
    %ne3A_90 = vector.broadcast %sign3A_89 : i32 to vector<16xi32>
    %ne3A_91 = arith.cmpi ne, %sign3A_82, %ne3A_90 : vector<16xi32>
    %rem3A_92 = vector.broadcast %jit3A_71 : i32 to vector<16xi32>
    %rem3A_93 = arith.remsi %add3A_13, %rem3A_92 : vector<16xi32>
    %ne3A_94 = arith.constant 0 : i32
    %ne3A_95 = vector.broadcast %ne3A_94 : i32 to vector<16xi32>
    %ne3A_96 = arith.cmpi ne, %rem3A_93, %ne3A_95 : vector<16xi32>
    %and3A_97 = arith.andi %ne3A_91, %ne3A_96 : vector<16xi1>
    %sub3A_98 = arith.constant 1 : i32
    %sub3A_99 = vector.broadcast %sub3A_98 : i32 to vector<16xi32>
    %sub3A_100 = arith.subi %div3A_73, %sub3A_99 : vector<16xi32>
    %select_n3A_101 = arith.select %and3A_97, %sub3A_100, %div3A_73 : vector<16xi1>, vector<16xi32>
    %jit3A_102 = arith.constant 8 : i32
    %div3A_103 = vector.broadcast %jit3A_102 : i32 to vector<16xi32>
    %div3A_104 = arith.divsi %add3A_16, %div3A_103 : vector<16xi32>
    %sign3A_105 = arith.constant 0 : i32
    %sign3A_106 = vector.broadcast %sign3A_105 : i32 to vector<16xi32>
    %sign3A_107 = arith.cmpi sgt, %add3A_16, %sign3A_106 : vector<16xi32>
    %sign3A_108 = arith.extui %sign3A_107 : vector<16xi1> to vector<16xi32>
    %sign3A_109 = arith.constant 0 : i32
    %sign3A_110 = vector.broadcast %sign3A_109 : i32 to vector<16xi32>
    %sign3A_111 = arith.cmpi slt, %add3A_16, %sign3A_110 : vector<16xi32>
    %sign3A_112 = arith.extui %sign3A_111 : vector<16xi1> to vector<16xi32>
    %sign3A_113 = arith.subi %sign3A_108, %sign3A_112 : vector<16xi32>
    %sign3A_114 = arith.constant 0 : i32
    %sign3A_115 = arith.cmpi sgt, %jit3A_102, %sign3A_114 : i32
    %sign3A_116 = arith.extui %sign3A_115 : i1 to i32
    %sign3A_117 = arith.constant 0 : i32
    %sign3A_118 = arith.cmpi slt, %jit3A_102, %sign3A_117 : i32
    %sign3A_119 = arith.extui %sign3A_118 : i1 to i32
    %sign3A_120 = arith.subi %sign3A_116, %sign3A_119 : i32
    %ne3A_121 = vector.broadcast %sign3A_120 : i32 to vector<16xi32>
    %ne3A_122 = arith.cmpi ne, %sign3A_113, %ne3A_121 : vector<16xi32>
    %rem3A_123 = vector.broadcast %jit3A_102 : i32 to vector<16xi32>
    %rem3A_124 = arith.remsi %add3A_16, %rem3A_123 : vector<16xi32>
    %ne3A_125 = arith.constant 0 : i32
    %ne3A_126 = vector.broadcast %ne3A_125 : i32 to vector<16xi32>
    %ne3A_127 = arith.cmpi ne, %rem3A_124, %ne3A_126 : vector<16xi32>
    %and3A_128 = arith.andi %ne3A_122, %ne3A_127 : vector<16xi1>
    %sub3A_129 = arith.constant 1 : i32
    %sub3A_130 = vector.broadcast %sub3A_129 : i32 to vector<16xi32>
    %sub3A_131 = arith.subi %div3A_104, %sub3A_130 : vector<16xi32>
    %select_n3A_132 = arith.select %and3A_128, %sub3A_131, %div3A_104 : vector<16xi1>, vector<16xi32>
    %jit3A_133 = arith.constant 8 : i32
    %eq3A = arith.constant 0 : i32
    %eq3A_134 = arith.cmpi eq, %jit3A_133, %eq3A : i32
    %jit3A_135 = arith.constant 1 : i32
    %select_n3A_136 = arith.select %eq3A_134, %jit3A_135, %jit3A_133 : i32
    %rem3A_137 = vector.broadcast %select_n3A_136 : i32 to vector<16xi32>
    %rem3A_138 = arith.remsi %add3A_7, %rem3A_137 : vector<16xi32>
    %ne3A_139 = arith.constant 0 : i32
    %ne3A_140 = vector.broadcast %ne3A_139 : i32 to vector<16xi32>
    %ne3A_141 = arith.cmpi ne, %rem3A_138, %ne3A_140 : vector<16xi32>
    %lt3A = arith.constant 0 : i32
    %lt3A_142 = vector.broadcast %lt3A : i32 to vector<16xi32>
    %lt3A_143 = arith.cmpi slt, %rem3A_138, %lt3A_142 : vector<16xi32>
    %lt3A_144 = arith.constant 0 : i32
    %lt3A_145 = arith.cmpi slt, %select_n3A_136, %lt3A_144 : i32
    %ne3A_146 = vector.broadcast %lt3A_145 : i1 to vector<16xi1>
    %ne3A_147 = vector.broadcast %ne3A_146 : vector<16xi1> to vector<16xi1>
    %ne3A_148 = arith.xori %lt3A_143, %ne3A_147 : vector<16xi1>
    %and3A_149 = arith.andi %ne3A_148, %ne3A_141 : vector<16xi1>
    %add3A_150 = vector.broadcast %select_n3A_136 : i32 to vector<16xi32>
    %add3A_151 = arith.addi %rem3A_138, %add3A_150 : vector<16xi32>
    %select_n3A_152 = arith.select %and3A_149, %add3A_151, %rem3A_138 : vector<16xi1>, vector<16xi32>
    %jit3A_153 = arith.constant 8 : i32
    %eq3A_154 = arith.constant 0 : i32
    %eq3A_155 = arith.cmpi eq, %jit3A_153, %eq3A_154 : i32
    %jit3A_156 = arith.constant 1 : i32
    %select_n3A_157 = arith.select %eq3A_155, %jit3A_156, %jit3A_153 : i32
    %rem3A_158 = vector.broadcast %select_n3A_157 : i32 to vector<16xi32>
    %rem3A_159 = arith.remsi %add3A_10, %rem3A_158 : vector<16xi32>
    %ne3A_160 = arith.constant 0 : i32
    %ne3A_161 = vector.broadcast %ne3A_160 : i32 to vector<16xi32>
    %ne3A_162 = arith.cmpi ne, %rem3A_159, %ne3A_161 : vector<16xi32>
    %lt3A_163 = arith.constant 0 : i32
    %lt3A_164 = vector.broadcast %lt3A_163 : i32 to vector<16xi32>
    %lt3A_165 = arith.cmpi slt, %rem3A_159, %lt3A_164 : vector<16xi32>
    %lt3A_166 = arith.constant 0 : i32
    %lt3A_167 = arith.cmpi slt, %select_n3A_157, %lt3A_166 : i32
    %ne3A_168 = vector.broadcast %lt3A_167 : i1 to vector<16xi1>
    %ne3A_169 = vector.broadcast %ne3A_168 : vector<16xi1> to vector<16xi1>
    %ne3A_170 = arith.xori %lt3A_165, %ne3A_169 : vector<16xi1>
    %and3A_171 = arith.andi %ne3A_170, %ne3A_162 : vector<16xi1>
    %add3A_172 = vector.broadcast %select_n3A_157 : i32 to vector<16xi32>
    %add3A_173 = arith.addi %rem3A_159, %add3A_172 : vector<16xi32>
    %select_n3A_174 = arith.select %and3A_171, %add3A_173, %rem3A_159 : vector<16xi1>, vector<16xi32>
    %jit3A_175 = arith.constant 8 : i32
    %eq3A_176 = arith.constant 0 : i32
    %eq3A_177 = arith.cmpi eq, %jit3A_175, %eq3A_176 : i32
    %jit3A_178 = arith.constant 1 : i32
    %select_n3A_179 = arith.select %eq3A_177, %jit3A_178, %jit3A_175 : i32
    %rem3A_180 = vector.broadcast %select_n3A_179 : i32 to vector<16xi32>
    %rem3A_181 = arith.remsi %add3A_13, %rem3A_180 : vector<16xi32>
    %ne3A_182 = arith.constant 0 : i32
    %ne3A_183 = vector.broadcast %ne3A_182 : i32 to vector<16xi32>
    %ne3A_184 = arith.cmpi ne, %rem3A_181, %ne3A_183 : vector<16xi32>
    %lt3A_185 = arith.constant 0 : i32
    %lt3A_186 = vector.broadcast %lt3A_185 : i32 to vector<16xi32>
    %lt3A_187 = arith.cmpi slt, %rem3A_181, %lt3A_186 : vector<16xi32>
    %lt3A_188 = arith.constant 0 : i32
    %lt3A_189 = arith.cmpi slt, %select_n3A_179, %lt3A_188 : i32
    %ne3A_190 = vector.broadcast %lt3A_189 : i1 to vector<16xi1>
    %ne3A_191 = vector.broadcast %ne3A_190 : vector<16xi1> to vector<16xi1>
    %ne3A_192 = arith.xori %lt3A_187, %ne3A_191 : vector<16xi1>
    %and3A_193 = arith.andi %ne3A_192, %ne3A_184 : vector<16xi1>
    %add3A_194 = vector.broadcast %select_n3A_179 : i32 to vector<16xi32>
    %add3A_195 = arith.addi %rem3A_181, %add3A_194 : vector<16xi32>
    %select_n3A_196 = arith.select %and3A_193, %add3A_195, %rem3A_181 : vector<16xi1>, vector<16xi32>
    %jit3A_197 = arith.constant 8 : i32
    %eq3A_198 = arith.constant 0 : i32
    %eq3A_199 = arith.cmpi eq, %jit3A_197, %eq3A_198 : i32
    %jit3A_200 = arith.constant 1 : i32
    %select_n3A_201 = arith.select %eq3A_199, %jit3A_200, %jit3A_197 : i32
    %rem3A_202 = vector.broadcast %select_n3A_201 : i32 to vector<16xi32>
    %rem3A_203 = arith.remsi %add3A_16, %rem3A_202 : vector<16xi32>
    %ne3A_204 = arith.constant 0 : i32
    %ne3A_205 = vector.broadcast %ne3A_204 : i32 to vector<16xi32>
    %ne3A_206 = arith.cmpi ne, %rem3A_203, %ne3A_205 : vector<16xi32>
    %lt3A_207 = arith.constant 0 : i32
    %lt3A_208 = vector.broadcast %lt3A_207 : i32 to vector<16xi32>
    %lt3A_209 = arith.cmpi slt, %rem3A_203, %lt3A_208 : vector<16xi32>
    %lt3A_210 = arith.constant 0 : i32
    %lt3A_211 = arith.cmpi slt, %select_n3A_201, %lt3A_210 : i32
    %ne3A_212 = vector.broadcast %lt3A_211 : i1 to vector<16xi1>
    %ne3A_213 = vector.broadcast %ne3A_212 : vector<16xi1> to vector<16xi1>
    %ne3A_214 = arith.xori %lt3A_209, %ne3A_213 : vector<16xi1>
    %and3A_215 = arith.andi %ne3A_214, %ne3A_206 : vector<16xi1>
    %add3A_216 = vector.broadcast %select_n3A_201 : i32 to vector<16xi32>
    %add3A_217 = arith.addi %rem3A_203, %add3A_216 : vector<16xi32>
    %select_n3A_218 = arith.select %and3A_215, %add3A_217, %rem3A_203 : vector<16xi1>, vector<16xi32>
    %dma_start3A = arith.constant 0 : i32
    %dma_start3A_219 = arith.constant 0 : i32
    %dma_start3A_220 = arith.constant 0 : i32
    %dma_start3A_221 = tpu.memref_slice %arg12[%dma_start3A_219, %dma_start3A_220] : memref<128x64xf32, #tpu.memory_space<vmem>> -> memref<64x64xf32, #tpu.memory_space<vmem>>
    %dma_start3A_222 = arith.constant 0 : i32
    %dma_start3A_223 = tpu.memref_slice %arg6[%dma_start3A, %dma_start3A_222] : memref<200x128xi32, #tpu.memory_space<vmem>> -> memref<1x64xi32, #tpu.memory_space<vmem>>
    %dma_start3A_224 = tpu.memref_squeeze %dma_start3A_223 : memref<1x64xi32, #tpu.memory_space<vmem>> -> memref<64xi32, #tpu.memory_space<vmem>>
    %dma_start3A_225 = arith.constant 0 : i32
    %dma_start3A_226 = arith.constant 0 : i32
    %dma_start3A_227 = tpu.memref_slice %arg3[%dma_start3A_225, %dma_start3A_226] : memref<101376x64xf32, #tpu.memory_space<hbm>> -> memref<101376x64xf32, #tpu.memory_space<hbm>>
    tpu.enqueue_indirect_dma source(%dma_start3A_227 : memref<101376x64xf32, #tpu.memory_space<hbm>>) target(%dma_start3A_221 : memref<64x64xf32, #tpu.memory_space<vmem>>) offsets(%dma_start3A_224 : memref<64xi32, #tpu.memory_space<vmem>>) semaphore(%arg22 : memref<!tpu.dma_semaphore, #tpu.memory_space<semaphore_mem>>)
    %dma_start3A_228 = arith.constant 0 : i32
    %dma_start3A_229 = arith.constant 64 : i32
    %dma_start3A_230 = arith.constant 0 : i32
    %dma_start3A_231 = tpu.memref_slice %arg12[%dma_start3A_229, %dma_start3A_230] : memref<128x64xf32, #tpu.memory_space<vmem>> -> memref<64x64xf32, #tpu.memory_space<vmem>>
    %dma_start3A_232 = arith.constant 64 : i32
    %dma_start3A_233 = tpu.memref_slice %arg6[%dma_start3A_228, %dma_start3A_232] : memref<200x128xi32, #tpu.memory_space<vmem>> -> memref<1x64xi32, #tpu.memory_space<vmem>>
    %dma_start3A_234 = tpu.memref_squeeze %dma_start3A_233 : memref<1x64xi32, #tpu.memory_space<vmem>> -> memref<64xi32, #tpu.memory_space<vmem>>
    %dma_start3A_235 = arith.constant 0 : i32
    %dma_start3A_236 = arith.constant 0 : i32
    %dma_start3A_237 = tpu.memref_slice %arg3[%dma_start3A_235, %dma_start3A_236] : memref<101376x64xf32, #tpu.memory_space<hbm>> -> memref<101376x64xf32, #tpu.memory_space<hbm>>
    tpu.enqueue_indirect_dma source(%dma_start3A_237 : memref<101376x64xf32, #tpu.memory_space<hbm>>) target(%dma_start3A_231 : memref<64x64xf32, #tpu.memory_space<vmem>>) offsets(%dma_start3A_234 : memref<64xi32, #tpu.memory_space<vmem>>) semaphore(%arg22 : memref<!tpu.dma_semaphore, #tpu.memory_space<semaphore_mem>>)
    %dma_start3A_238 = arith.constant 0 : i32
    %dma_start3A_239 = arith.constant 0 : i32
    %dma_start3A_240 = tpu.memref_slice %arg4[%dma_start3A_238, %dma_start3A_239] : memref<100x128xf32, #tpu.memory_space<hbm>> -> memref<1x64xf32, #tpu.memory_space<hbm>>
    %dma_start3A_241 = tpu.memref_squeeze %dma_start3A_240 : memref<1x64xf32, #tpu.memory_space<hbm>> -> memref<64xf32, #tpu.memory_space<hbm>>
    %dma_start3A_242 = arith.constant 0 : i32
    %dma_start3A_243 = tpu.memref_slice %arg4[%dma_start3A_238, %dma_start3A_242] : memref<100x128xf32, #tpu.memory_space<hbm>> -> memref<1x64xf32, #tpu.memory_space<hbm>>
    %dma_start3A_244 = tpu.memref_squeeze %dma_start3A_243 : memref<1x64xf32, #tpu.memory_space<hbm>> -> memref<64xf32, #tpu.memory_space<hbm>>
    tpu.enqueue_dma source(%dma_start3A_244 : memref<64xf32, #tpu.memory_space<hbm>>) target(%arg7 : memref<64xf32, #tpu.memory_space<vmem>>) target_semaphore(%arg22 : memref<!tpu.dma_semaphore, #tpu.memory_space<semaphore_mem>>)
    %dma_start3A_245 = arith.constant 1 : i32
    %dma_start3A_246 = arith.constant 0 : i32
    %dma_start3A_247 = arith.constant 0 : i32
    %dma_start3A_248 = tpu.memref_slice %arg13[%dma_start3A_246, %dma_start3A_247] : memref<128x64xf32, #tpu.memory_space<vmem>> -> memref<64x64xf32, #tpu.memory_space<vmem>>
    %dma_start3A_249 = arith.constant 0 : i32
    %dma_start3A_250 = tpu.memref_slice %arg6[%dma_start3A_245, %dma_start3A_249] : memref<200x128xi32, #tpu.memory_space<vmem>> -> memref<1x64xi32, #tpu.memory_space<vmem>>
    %dma_start3A_251 = tpu.memref_squeeze %dma_start3A_250 : memref<1x64xi32, #tpu.memory_space<vmem>> -> memref<64xi32, #tpu.memory_space<vmem>>
    %dma_start3A_252 = arith.constant 0 : i32
    %dma_start3A_253 = arith.constant 0 : i32
    %dma_start3A_254 = tpu.memref_slice %arg3[%dma_start3A_252, %dma_start3A_253] : memref<101376x64xf32, #tpu.memory_space<hbm>> -> memref<101376x64xf32, #tpu.memory_space<hbm>>
    tpu.enqueue_indirect_dma source(%dma_start3A_254 : memref<101376x64xf32, #tpu.memory_space<hbm>>) target(%dma_start3A_248 : memref<64x64xf32, #tpu.memory_space<vmem>>) offsets(%dma_start3A_251 : memref<64xi32, #tpu.memory_space<vmem>>) semaphore(%arg23 : memref<!tpu.dma_semaphore, #tpu.memory_space<semaphore_mem>>)
    %dma_start3A_255 = arith.constant 1 : i32
    %dma_start3A_256 = arith.constant 64 : i32
    %dma_start3A_257 = arith.constant 0 : i32
    %dma_start3A_258 = tpu.memref_slice %arg13[%dma_start3A_256, %dma_start3A_257] : memref<128x64xf32, #tpu.memory_space<vmem>> -> memref<64x64xf32, #tpu.memory_space<vmem>>
    %dma_start3A_259 = arith.constant 64 : i32
    %dma_start3A_260 = tpu.memref_slice %arg6[%dma_start3A_255, %dma_start3A_259] : memref<200x128xi32, #tpu.memory_space<vmem>> -> memref<1x64xi32, #tpu.memory_space<vmem>>
    %dma_start3A_261 = tpu.memref_squeeze %dma_start3A_260 : memref<1x64xi32, #tpu.memory_space<vmem>> -> memref<64xi32, #tpu.memory_space<vmem>>
    %dma_start3A_262 = arith.constant 0 : i32
    %dma_start3A_263 = arith.constant 0 : i32
    %dma_start3A_264 = tpu.memref_slice %arg3[%dma_start3A_262, %dma_start3A_263] : memref<101376x64xf32, #tpu.memory_space<hbm>> -> memref<101376x64xf32, #tpu.memory_space<hbm>>
    tpu.enqueue_indirect_dma source(%dma_start3A_264 : memref<101376x64xf32, #tpu.memory_space<hbm>>) target(%dma_start3A_258 : memref<64x64xf32, #tpu.memory_space<vmem>>) offsets(%dma_start3A_261 : memref<64xi32, #tpu.memory_space<vmem>>) semaphore(%arg23 : memref<!tpu.dma_semaphore, #tpu.memory_space<semaphore_mem>>)
    %dma_start3A_265 = arith.constant 0 : i32
    %dma_start3A_266 = arith.constant 64 : i32
    %dma_start3A_267 = tpu.memref_slice %arg4[%dma_start3A_265, %dma_start3A_266] : memref<100x128xf32, #tpu.memory_space<hbm>> -> memref<1x64xf32, #tpu.memory_space<hbm>>
    %dma_start3A_268 = tpu.memref_squeeze %dma_start3A_267 : memref<1x64xf32, #tpu.memory_space<hbm>> -> memref<64xf32, #tpu.memory_space<hbm>>
    %dma_start3A_269 = arith.constant 64 : i32
    %dma_start3A_270 = tpu.memref_slice %arg4[%dma_start3A_265, %dma_start3A_269] : memref<100x128xf32, #tpu.memory_space<hbm>> -> memref<1x64xf32, #tpu.memory_space<hbm>>
    %dma_start3A_271 = tpu.memref_squeeze %dma_start3A_270 : memref<1x64xf32, #tpu.memory_space<hbm>> -> memref<64xf32, #tpu.memory_space<hbm>>
    tpu.enqueue_dma source(%dma_start3A_271 : memref<64xf32, #tpu.memory_space<hbm>>) target(%arg8 : memref<64xf32, #tpu.memory_space<vmem>>) target_semaphore(%arg23 : memref<!tpu.dma_semaphore, #tpu.memory_space<semaphore_mem>>)
    %dma_start3A_272 = arith.constant 2 : i32
    %dma_start3A_273 = arith.constant 0 : i32
    %dma_start3A_274 = arith.constant 0 : i32
    %dma_start3A_275 = tpu.memref_slice %arg14[%dma_start3A_273, %dma_start3A_274] : memref<128x64xf32, #tpu.memory_space<vmem>> -> memref<64x64xf32, #tpu.memory_space<vmem>>
    %dma_start3A_276 = arith.constant 0 : i32
    %dma_start3A_277 = tpu.memref_slice %arg6[%dma_start3A_272, %dma_start3A_276] : memref<200x128xi32, #tpu.memory_space<vmem>> -> memref<1x64xi32, #tpu.memory_space<vmem>>
    %dma_start3A_278 = tpu.memref_squeeze %dma_start3A_277 : memref<1x64xi32, #tpu.memory_space<vmem>> -> memref<64xi32, #tpu.memory_space<vmem>>
    %dma_start3A_279 = arith.constant 0 : i32
    %dma_start3A_280 = arith.constant 0 : i32
    %dma_start3A_281 = tpu.memref_slice %arg3[%dma_start3A_279, %dma_start3A_280] : memref<101376x64xf32, #tpu.memory_space<hbm>> -> memref<101376x64xf32, #tpu.memory_space<hbm>>
    tpu.enqueue_indirect_dma source(%dma_start3A_281 : memref<101376x64xf32, #tpu.memory_space<hbm>>) target(%dma_start3A_275 : memref<64x64xf32, #tpu.memory_space<vmem>>) offsets(%dma_start3A_278 : memref<64xi32, #tpu.memory_space<vmem>>) semaphore(%arg24 : memref<!tpu.dma_semaphore, #tpu.memory_space<semaphore_mem>>)
    %dma_start3A_282 = arith.constant 2 : i32
    %dma_start3A_283 = arith.constant 64 : i32
    %dma_start3A_284 = arith.constant 0 : i32
    %dma_start3A_285 = tpu.memref_slice %arg14[%dma_start3A_283, %dma_start3A_284] : memref<128x64xf32, #tpu.memory_space<vmem>> -> memref<64x64xf32, #tpu.memory_space<vmem>>
    %dma_start3A_286 = arith.constant 64 : i32
    %dma_start3A_287 = tpu.memref_slice %arg6[%dma_start3A_282, %dma_start3A_286] : memref<200x128xi32, #tpu.memory_space<vmem>> -> memref<1x64xi32, #tpu.memory_space<vmem>>
    %dma_start3A_288 = tpu.memref_squeeze %dma_start3A_287 : memref<1x64xi32, #tpu.memory_space<vmem>> -> memref<64xi32, #tpu.memory_space<vmem>>
    %dma_start3A_289 = arith.constant 0 : i32
    %dma_start3A_290 = arith.constant 0 : i32
    %dma_start3A_291 = tpu.memref_slice %arg3[%dma_start3A_289, %dma_start3A_290] : memref<101376x64xf32, #tpu.memory_space<hbm>> -> memref<101376x64xf32, #tpu.memory_space<hbm>>
    tpu.enqueue_indirect_dma source(%dma_start3A_291 : memref<101376x64xf32, #tpu.memory_space<hbm>>) target(%dma_start3A_285 : memref<64x64xf32, #tpu.memory_space<vmem>>) offsets(%dma_start3A_288 : memref<64xi32, #tpu.memory_space<vmem>>) semaphore(%arg24 : memref<!tpu.dma_semaphore, #tpu.memory_space<semaphore_mem>>)
    %dma_start3A_292 = arith.constant 1 : i32
    %dma_start3A_293 = arith.constant 0 : i32
    %dma_start3A_294 = tpu.memref_slice %arg4[%dma_start3A_292, %dma_start3A_293] : memref<100x128xf32, #tpu.memory_space<hbm>> -> memref<1x64xf32, #tpu.memory_space<hbm>>
    %dma_start3A_295 = tpu.memref_squeeze %dma_start3A_294 : memref<1x64xf32, #tpu.memory_space<hbm>> -> memref<64xf32, #tpu.memory_space<hbm>>
    %dma_start3A_296 = arith.constant 0 : i32
    %dma_start3A_297 = tpu.memref_slice %arg4[%dma_start3A_292, %dma_start3A_296] : memref<100x128xf32, #tpu.memory_space<hbm>> -> memref<1x64xf32, #tpu.memory_space<hbm>>
    %dma_start3A_298 = tpu.memref_squeeze %dma_start3A_297 : memref<1x64xf32, #tpu.memory_space<hbm>> -> memref<64xf32, #tpu.memory_space<hbm>>
    tpu.enqueue_dma source(%dma_start3A_298 : memref<64xf32, #tpu.memory_space<hbm>>) target(%arg9 : memref<64xf32, #tpu.memory_space<vmem>>) target_semaphore(%arg24 : memref<!tpu.dma_semaphore, #tpu.memory_space<semaphore_mem>>)
    %dma_start3A_299 = arith.constant 3 : i32
    %dma_start3A_300 = arith.constant 0 : i32
    %dma_start3A_301 = arith.constant 0 : i32
    %dma_start3A_302 = tpu.memref_slice %arg15[%dma_start3A_300, %dma_start3A_301] : memref<128x64xf32, #tpu.memory_space<vmem>> -> memref<64x64xf32, #tpu.memory_space<vmem>>
    %dma_start3A_303 = arith.constant 0 : i32
    %dma_start3A_304 = tpu.memref_slice %arg6[%dma_start3A_299, %dma_start3A_303] : memref<200x128xi32, #tpu.memory_space<vmem>> -> memref<1x64xi32, #tpu.memory_space<vmem>>
    %dma_start3A_305 = tpu.memref_squeeze %dma_start3A_304 : memref<1x64xi32, #tpu.memory_space<vmem>> -> memref<64xi32, #tpu.memory_space<vmem>>
    %dma_start3A_306 = arith.constant 0 : i32
    %dma_start3A_307 = arith.constant 0 : i32
    %dma_start3A_308 = tpu.memref_slice %arg3[%dma_start3A_306, %dma_start3A_307] : memref<101376x64xf32, #tpu.memory_space<hbm>> -> memref<101376x64xf32, #tpu.memory_space<hbm>>
    tpu.enqueue_indirect_dma source(%dma_start3A_308 : memref<101376x64xf32, #tpu.memory_space<hbm>>) target(%dma_start3A_302 : memref<64x64xf32, #tpu.memory_space<vmem>>) offsets(%dma_start3A_305 : memref<64xi32, #tpu.memory_space<vmem>>) semaphore(%arg25 : memref<!tpu.dma_semaphore, #tpu.memory_space<semaphore_mem>>)
    %dma_start3A_309 = arith.constant 3 : i32
    %dma_start3A_310 = arith.constant 64 : i32
    %dma_start3A_311 = arith.constant 0 : i32
    %dma_start3A_312 = tpu.memref_slice %arg15[%dma_start3A_310, %dma_start3A_311] : memref<128x64xf32, #tpu.memory_space<vmem>> -> memref<64x64xf32, #tpu.memory_space<vmem>>
    %dma_start3A_313 = arith.constant 64 : i32
    %dma_start3A_314 = tpu.memref_slice %arg6[%dma_start3A_309, %dma_start3A_313] : memref<200x128xi32, #tpu.memory_space<vmem>> -> memref<1x64xi32, #tpu.memory_space<vmem>>
    %dma_start3A_315 = tpu.memref_squeeze %dma_start3A_314 : memref<1x64xi32, #tpu.memory_space<vmem>> -> memref<64xi32, #tpu.memory_space<vmem>>
    %dma_start3A_316 = arith.constant 0 : i32
    %dma_start3A_317 = arith.constant 0 : i32
    %dma_start3A_318 = tpu.memref_slice %arg3[%dma_start3A_316, %dma_start3A_317] : memref<101376x64xf32, #tpu.memory_space<hbm>> -> memref<101376x64xf32, #tpu.memory_space<hbm>>
    tpu.enqueue_indirect_dma source(%dma_start3A_318 : memref<101376x64xf32, #tpu.memory_space<hbm>>) target(%dma_start3A_312 : memref<64x64xf32, #tpu.memory_space<vmem>>) offsets(%dma_start3A_315 : memref<64xi32, #tpu.memory_space<vmem>>) semaphore(%arg25 : memref<!tpu.dma_semaphore, #tpu.memory_space<semaphore_mem>>)
    %dma_start3A_319 = arith.constant 1 : i32
    %dma_start3A_320 = arith.constant 64 : i32
    %dma_start3A_321 = tpu.memref_slice %arg4[%dma_start3A_319, %dma_start3A_320] : memref<100x128xf32, #tpu.memory_space<hbm>> -> memref<1x64xf32, #tpu.memory_space<hbm>>
    %dma_start3A_322 = tpu.memref_squeeze %dma_start3A_321 : memref<1x64xf32, #tpu.memory_space<hbm>> -> memref<64xf32, #tpu.memory_space<hbm>>
    %dma_start3A_323 = arith.constant 64 : i32
    %dma_start3A_324 = tpu.memref_slice %arg4[%dma_start3A_319, %dma_start3A_323] : memref<100x128xf32, #tpu.memory_space<hbm>> -> memref<1x64xf32, #tpu.memory_space<hbm>>
    %dma_start3A_325 = tpu.memref_squeeze %dma_start3A_324 : memref<1x64xf32, #tpu.memory_space<hbm>> -> memref<64xf32, #tpu.memory_space<hbm>>
    tpu.enqueue_dma source(%dma_start3A_325 : memref<64xf32, #tpu.memory_space<hbm>>) target(%arg10 : memref<64xf32, #tpu.memory_space<vmem>>) target_semaphore(%arg25 : memref<!tpu.dma_semaphore, #tpu.memory_space<semaphore_mem>>)
    %scan3A = arith.constant 0 : i32
    %scan3A_326 = arith.constant 0 : i32
    %scan3A_327 = arith.constant 40 : i32
    %scan3A_328 = arith.addi %scan3A_326, %scan3A_327 : i32
    %scan3A_329 = arith.constant 1 : i32
    scf.for %scan3A_425 = %scan3A_326 to %scan3A_328 step %scan3A_329  : i32 {
      %mul3A_426 = arith.constant 5 : i32
      %mul3A_427 = arith.muli %scan3A_425, %mul3A_426 : i32
      %add3A_428 = arith.constant 0 : i32
      %add3A_429 = arith.addi %mul3A_427, %add3A_428 : i32
      %add3A_430 = arith.constant 4 : i32
      %add3A_431 = arith.addi %add3A_429, %add3A_430 : i32
      %lt3A_432 = arith.constant 200 : i32
      %lt3A_433 = arith.cmpi slt, %add3A_431, %lt3A_432 : i32
      %convert_element_type3A = arith.extui %lt3A_433 : i1 to i32
      %cond3A = arith.constant 0 : i32
      %cond3A_434 = arith.cmpi ne, %convert_element_type3A, %cond3A : i32
      scf.if %cond3A_434 {
        %add3A_977 = arith.constant 4 : i32
        %add3A_978 = arith.addi %add3A_429, %add3A_977 : i32
        %dma_start3A_979 = arith.constant 0 : i32
        %dma_start3A_980 = arith.constant 0 : i32
        %dma_start3A_981 = tpu.memref_slice %arg16[%dma_start3A_979, %dma_start3A_980] : memref<128x64xf32, #tpu.memory_space<vmem>> -> memref<64x64xf32, #tpu.memory_space<vmem>>
        %dma_start3A_982 = arith.constant 0 : i32
        %dma_start3A_983 = tpu.memref_slice %arg6[%add3A_978, %dma_start3A_982] : memref<200x128xi32, #tpu.memory_space<vmem>> -> memref<1x64xi32, #tpu.memory_space<vmem>>
        %dma_start3A_984 = tpu.memref_squeeze %dma_start3A_983 : memref<1x64xi32, #tpu.memory_space<vmem>> -> memref<64xi32, #tpu.memory_space<vmem>>
        %dma_start3A_985 = arith.constant 0 : i32
        %dma_start3A_986 = arith.constant 0 : i32
        %dma_start3A_987 = tpu.memref_slice %arg3[%dma_start3A_985, %dma_start3A_986] : memref<101376x64xf32, #tpu.memory_space<hbm>> -> memref<101376x64xf32, #tpu.memory_space<hbm>>
        tpu.enqueue_indirect_dma source(%dma_start3A_987 : memref<101376x64xf32, #tpu.memory_space<hbm>>) target(%dma_start3A_981 : memref<64x64xf32, #tpu.memory_space<vmem>>) offsets(%dma_start3A_984 : memref<64xi32, #tpu.memory_space<vmem>>) semaphore(%arg26 : memref<!tpu.dma_semaphore, #tpu.memory_space<semaphore_mem>>)
        %dma_start3A_988 = arith.constant 64 : i32
        %dma_start3A_989 = arith.constant 0 : i32
        %dma_start3A_990 = tpu.memref_slice %arg16[%dma_start3A_988, %dma_start3A_989] : memref<128x64xf32, #tpu.memory_space<vmem>> -> memref<64x64xf32, #tpu.memory_space<vmem>>
        %dma_start3A_991 = arith.constant 64 : i32
        %dma_start3A_992 = tpu.memref_slice %arg6[%add3A_978, %dma_start3A_991] : memref<200x128xi32, #tpu.memory_space<vmem>> -> memref<1x64xi32, #tpu.memory_space<vmem>>
        %dma_start3A_993 = tpu.memref_squeeze %dma_start3A_992 : memref<1x64xi32, #tpu.memory_space<vmem>> -> memref<64xi32, #tpu.memory_space<vmem>>
        %dma_start3A_994 = arith.constant 0 : i32
        %dma_start3A_995 = arith.constant 0 : i32
        %dma_start3A_996 = tpu.memref_slice %arg3[%dma_start3A_994, %dma_start3A_995] : memref<101376x64xf32, #tpu.memory_space<hbm>> -> memref<101376x64xf32, #tpu.memory_space<hbm>>
        tpu.enqueue_indirect_dma source(%dma_start3A_996 : memref<101376x64xf32, #tpu.memory_space<hbm>>) target(%dma_start3A_990 : memref<64x64xf32, #tpu.memory_space<vmem>>) offsets(%dma_start3A_993 : memref<64xi32, #tpu.memory_space<vmem>>) semaphore(%arg26 : memref<!tpu.dma_semaphore, #tpu.memory_space<semaphore_mem>>)
        %mul3A_997 = arith.constant 64 : i32
        %mul3A_998 = arith.muli %add3A_978, %mul3A_997 : i32
        %jit3A_999 = arith.constant 128 : i32
        %div3A_1000 = arith.divsi %mul3A_998, %jit3A_999 : i32
        %sign3A_1001 = arith.constant 0 : i32
        %sign3A_1002 = arith.cmpi sgt, %mul3A_998, %sign3A_1001 : i32
        %sign3A_1003 = arith.extui %sign3A_1002 : i1 to i32
        %sign3A_1004 = arith.constant 0 : i32
        %sign3A_1005 = arith.cmpi slt, %mul3A_998, %sign3A_1004 : i32
        %sign3A_1006 = arith.extui %sign3A_1005 : i1 to i32
        %sign3A_1007 = arith.subi %sign3A_1003, %sign3A_1006 : i32
        %sign3A_1008 = arith.constant 0 : i32
        %sign3A_1009 = arith.cmpi sgt, %jit3A_999, %sign3A_1008 : i32
        %sign3A_1010 = arith.extui %sign3A_1009 : i1 to i32
        %sign3A_1011 = arith.constant 0 : i32
        %sign3A_1012 = arith.cmpi slt, %jit3A_999, %sign3A_1011 : i32
        %sign3A_1013 = arith.extui %sign3A_1012 : i1 to i32
        %sign3A_1014 = arith.subi %sign3A_1010, %sign3A_1013 : i32
        %ne3A_1015 = arith.cmpi ne, %sign3A_1007, %sign3A_1014 : i32
        %rem3A_1016 = arith.remsi %mul3A_998, %jit3A_999 : i32
        %ne3A_1017 = arith.constant 0 : i32
        %ne3A_1018 = arith.cmpi ne, %rem3A_1016, %ne3A_1017 : i32
        %and3A_1019 = arith.andi %ne3A_1015, %ne3A_1018 : i1
        %sub3A_1020 = arith.constant 1 : i32
        %sub3A_1021 = arith.subi %div3A_1000, %sub3A_1020 : i32
        %select_n3A_1022 = arith.select %and3A_1019, %sub3A_1021, %div3A_1000 : i32
        %mul3A_1023 = arith.constant 64 : i32
        %mul3A_1024 = arith.muli %add3A_978, %mul3A_1023 : i32
        %jit3A_1025 = arith.constant 128 : i32
        %eq3A_1026 = arith.constant 0 : i32
        %eq3A_1027 = arith.cmpi eq, %jit3A_1025, %eq3A_1026 : i32
        %jit3A_1028 = arith.constant 1 : i32
        %select_n3A_1029 = arith.select %eq3A_1027, %jit3A_1028, %jit3A_1025 : i32
        %rem3A_1030 = arith.remsi %mul3A_1024, %select_n3A_1029 : i32
        %ne3A_1031 = arith.constant 0 : i32
        %ne3A_1032 = arith.cmpi ne, %rem3A_1030, %ne3A_1031 : i32
        %lt3A_1033 = arith.constant 0 : i32
        %lt3A_1034 = arith.cmpi slt, %rem3A_1030, %lt3A_1033 : i32
        %lt3A_1035 = arith.constant 0 : i32
        %lt3A_1036 = arith.cmpi slt, %select_n3A_1029, %lt3A_1035 : i32
        %ne3A_1037 = arith.xori %lt3A_1034, %lt3A_1036 : i1
        %and3A_1038 = arith.andi %ne3A_1037, %ne3A_1032 : i1
        %add3A_1039 = arith.addi %rem3A_1030, %select_n3A_1029 : i32
        %select_n3A_1040 = arith.select %and3A_1038, %add3A_1039, %rem3A_1030 : i32
        %dma_start3A_1041 = tpu.memref_slice %arg4[%select_n3A_1022, %select_n3A_1040] : memref<100x128xf32, #tpu.memory_space<hbm>> -> memref<1x64xf32, #tpu.memory_space<hbm>>
        %dma_start3A_1042 = tpu.memref_squeeze %dma_start3A_1041 : memref<1x64xf32, #tpu.memory_space<hbm>> -> memref<64xf32, #tpu.memory_space<hbm>>
        %dma_start3A_1043 = tpu.memref_slice %arg4[%select_n3A_1022, %select_n3A_1040] : memref<100x128xf32, #tpu.memory_space<hbm>> -> memref<1x64xf32, #tpu.memory_space<hbm>>
        %dma_start3A_1044 = tpu.memref_squeeze %dma_start3A_1043 : memref<1x64xf32, #tpu.memory_space<hbm>> -> memref<64xf32, #tpu.memory_space<hbm>>
        tpu.enqueue_dma source(%dma_start3A_1044 : memref<64xf32, #tpu.memory_space<hbm>>) target(%arg11 : memref<64xf32, #tpu.memory_space<vmem>>) target_semaphore(%arg26 : memref<!tpu.dma_semaphore, #tpu.memory_space<semaphore_mem>>)
      } else {
      }
      %dma_wait3A_435 = arith.constant 0 : i32
      %dma_wait3A_436 = arith.constant 0 : i32
      %dma_wait3A_437 = tpu.memref_slice %arg12[%dma_wait3A_435, %dma_wait3A_436] : memref<128x64xf32, #tpu.memory_space<vmem>> -> memref<64x64xf32, #tpu.memory_space<vmem>>
      %dma_wait3A_438 = arith.constant 0 : i32
      %dma_wait3A_439 = tpu.memref_slice %arg6[%add3A_429, %dma_wait3A_438] : memref<200x128xi32, #tpu.memory_space<vmem>> -> memref<1x64xi32, #tpu.memory_space<vmem>>
      %dma_wait3A_440 = tpu.memref_squeeze %dma_wait3A_439 : memref<1x64xi32, #tpu.memory_space<vmem>> -> memref<64xi32, #tpu.memory_space<vmem>>
      %dma_wait3A_441 = arith.constant 0 : i32
      %dma_wait3A_442 = arith.constant 0 : i32
      %dma_wait3A_443 = tpu.memref_slice %arg3[%dma_wait3A_441, %dma_wait3A_442] : memref<101376x64xf32, #tpu.memory_space<hbm>> -> memref<101376x64xf32, #tpu.memory_space<hbm>>
      tpu.wait_indirect_dma semaphore(%arg22 : memref<!tpu.dma_semaphore, #tpu.memory_space<semaphore_mem>>) src(%dma_wait3A_443 : memref<101376x64xf32, #tpu.memory_space<hbm>>) dst(%dma_wait3A_437 : memref<64x64xf32, #tpu.memory_space<vmem>>)
      %dma_wait3A_444 = arith.constant 64 : i32
      %dma_wait3A_445 = arith.constant 0 : i32
      %dma_wait3A_446 = tpu.memref_slice %arg12[%dma_wait3A_444, %dma_wait3A_445] : memref<128x64xf32, #tpu.memory_space<vmem>> -> memref<64x64xf32, #tpu.memory_space<vmem>>
      %dma_wait3A_447 = arith.constant 64 : i32
      %dma_wait3A_448 = tpu.memref_slice %arg6[%add3A_429, %dma_wait3A_447] : memref<200x128xi32, #tpu.memory_space<vmem>> -> memref<1x64xi32, #tpu.memory_space<vmem>>
      %dma_wait3A_449 = tpu.memref_squeeze %dma_wait3A_448 : memref<1x64xi32, #tpu.memory_space<vmem>> -> memref<64xi32, #tpu.memory_space<vmem>>
      %dma_wait3A_450 = arith.constant 0 : i32
      %dma_wait3A_451 = arith.constant 0 : i32
      %dma_wait3A_452 = tpu.memref_slice %arg3[%dma_wait3A_450, %dma_wait3A_451] : memref<101376x64xf32, #tpu.memory_space<hbm>> -> memref<101376x64xf32, #tpu.memory_space<hbm>>
      tpu.wait_indirect_dma semaphore(%arg22 : memref<!tpu.dma_semaphore, #tpu.memory_space<semaphore_mem>>) src(%dma_wait3A_452 : memref<101376x64xf32, #tpu.memory_space<hbm>>) dst(%dma_wait3A_446 : memref<64x64xf32, #tpu.memory_space<vmem>>)
      %mul3A_453 = arith.constant 64 : i32
      %mul3A_454 = arith.muli %add3A_429, %mul3A_453 : i32
      %jit3A_455 = arith.constant 128 : i32
      %div3A_456 = arith.divsi %mul3A_454, %jit3A_455 : i32
      %sign3A_457 = arith.constant 0 : i32
      %sign3A_458 = arith.cmpi sgt, %mul3A_454, %sign3A_457 : i32
      %sign3A_459 = arith.extui %sign3A_458 : i1 to i32
      %sign3A_460 = arith.constant 0 : i32
      %sign3A_461 = arith.cmpi slt, %mul3A_454, %sign3A_460 : i32
      %sign3A_462 = arith.extui %sign3A_461 : i1 to i32
      %sign3A_463 = arith.subi %sign3A_459, %sign3A_462 : i32
      %sign3A_464 = arith.constant 0 : i32
      %sign3A_465 = arith.cmpi sgt, %jit3A_455, %sign3A_464 : i32
      %sign3A_466 = arith.extui %sign3A_465 : i1 to i32
      %sign3A_467 = arith.constant 0 : i32
      %sign3A_468 = arith.cmpi slt, %jit3A_455, %sign3A_467 : i32
      %sign3A_469 = arith.extui %sign3A_468 : i1 to i32
      %sign3A_470 = arith.subi %sign3A_466, %sign3A_469 : i32
      %ne3A_471 = arith.cmpi ne, %sign3A_463, %sign3A_470 : i32
      %rem3A_472 = arith.remsi %mul3A_454, %jit3A_455 : i32
      %ne3A_473 = arith.constant 0 : i32
      %ne3A_474 = arith.cmpi ne, %rem3A_472, %ne3A_473 : i32
      %and3A_475 = arith.andi %ne3A_471, %ne3A_474 : i1
      %sub3A_476 = arith.constant 1 : i32
      %sub3A_477 = arith.subi %div3A_456, %sub3A_476 : i32
      %select_n3A_478 = arith.select %and3A_475, %sub3A_477, %div3A_456 : i32
      %mul3A_479 = arith.constant 64 : i32
      %mul3A_480 = arith.muli %add3A_429, %mul3A_479 : i32
      %jit3A_481 = arith.constant 128 : i32
      %eq3A_482 = arith.constant 0 : i32
      %eq3A_483 = arith.cmpi eq, %jit3A_481, %eq3A_482 : i32
      %jit3A_484 = arith.constant 1 : i32
      %select_n3A_485 = arith.select %eq3A_483, %jit3A_484, %jit3A_481 : i32
      %rem3A_486 = arith.remsi %mul3A_480, %select_n3A_485 : i32
      %ne3A_487 = arith.constant 0 : i32
      %ne3A_488 = arith.cmpi ne, %rem3A_486, %ne3A_487 : i32
      %lt3A_489 = arith.constant 0 : i32
      %lt3A_490 = arith.cmpi slt, %rem3A_486, %lt3A_489 : i32
      %lt3A_491 = arith.constant 0 : i32
      %lt3A_492 = arith.cmpi slt, %select_n3A_485, %lt3A_491 : i32
      %ne3A_493 = arith.xori %lt3A_490, %lt3A_492 : i1
      %and3A_494 = arith.andi %ne3A_493, %ne3A_488 : i1
      %add3A_495 = arith.addi %rem3A_486, %select_n3A_485 : i32
      %select_n3A_496 = arith.select %and3A_494, %add3A_495, %rem3A_486 : i32
      %dma_wait3A_497 = tpu.memref_slice %arg4[%select_n3A_478, %select_n3A_496] : memref<100x128xf32, #tpu.memory_space<hbm>> -> memref<1x64xf32, #tpu.memory_space<hbm>>
      %dma_wait3A_498 = tpu.memref_squeeze %dma_wait3A_497 : memref<1x64xf32, #tpu.memory_space<hbm>> -> memref<64xf32, #tpu.memory_space<hbm>>
      %dma_wait3A_499 = tpu.memref_slice %arg4[%select_n3A_478, %select_n3A_496] : memref<100x128xf32, #tpu.memory_space<hbm>> -> memref<1x64xf32, #tpu.memory_space<hbm>>
      %dma_wait3A_500 = tpu.memref_squeeze %dma_wait3A_499 : memref<1x64xf32, #tpu.memory_space<hbm>> -> memref<64xf32, #tpu.memory_space<hbm>>
      tpu.wait_dma2 semaphore(%arg22 : memref<!tpu.dma_semaphore, #tpu.memory_space<semaphore_mem>>) src(%dma_wait3A_500 : memref<64xf32, #tpu.memory_space<hbm>>) dst(%arg7 : memref<64xf32, #tpu.memory_space<vmem>>)
      %ge3A = arith.constant 5 : i32
      %ge3A_501 = arith.cmpi sge, %add3A_429, %ge3A : i32
      %convert_element_type3A_502 = arith.extui %ge3A_501 : i1 to i32
      %cond3A_503 = arith.constant 0 : i32
      %cond3A_504 = arith.cmpi ne, %convert_element_type3A_502, %cond3A_503 : i32
      scf.if %cond3A_504 {
        %sub3A_977 = arith.constant 5 : i32
        %sub3A_978 = arith.subi %add3A_429, %sub3A_977 : i32
        %dma_wait3A_979 = arith.constant 0 : i32
        %dma_wait3A_980 = arith.constant 0 : i32
        %dma_wait3A_981 = arith.constant 0 : i32
        %dma_wait3A_982 = tpu.memref_slice %arg17[%dma_wait3A_979, %dma_wait3A_980, %dma_wait3A_981] : memref<8x8x129xf32, #tpu.memory_space<vmem>> -> memref<8x8x128xf32, #tpu.memory_space<vmem>>
        %dma_wait3A_983 = arith.constant 0 : i32
        %dma_wait3A_984 = arith.constant 0 : i32
        %dma_wait3A_985 = arith.constant 0 : i32
        %dma_wait3A_986 = tpu.memref_slice %arg5[%sub3A_978, %dma_wait3A_983, %add3A, %dma_wait3A_984, %dma_wait3A_985] : memref<200x8x32x8x128xf32, #tpu.memory_space<hbm>> -> memref<1x8x1x8x128xf32, #tpu.memory_space<hbm>>
        %dma_wait3A_987 = tpu.memref_squeeze %dma_wait3A_986 : memref<1x8x1x8x128xf32, #tpu.memory_space<hbm>> -> memref<8x8x128xf32, #tpu.memory_space<hbm>>
        %dma_wait3A_988 = arith.constant 0 : i32
        %dma_wait3A_989 = arith.constant 0 : i32
        %dma_wait3A_990 = arith.constant 0 : i32
        %dma_wait3A_991 = tpu.memref_slice %arg5[%sub3A_978, %dma_wait3A_988, %add3A, %dma_wait3A_989, %dma_wait3A_990] : memref<200x8x32x8x128xf32, #tpu.memory_space<hbm>> -> memref<1x8x1x8x128xf32, #tpu.memory_space<hbm>>
        %dma_wait3A_992 = tpu.memref_squeeze %dma_wait3A_991 : memref<1x8x1x8x128xf32, #tpu.memory_space<hbm>> -> memref<8x8x128xf32, #tpu.memory_space<hbm>>
        %dma_wait3A_993 = arith.constant 0 : i32
        %dma_wait3A_994 = arith.constant 0 : i32
        %dma_wait3A_995 = arith.constant 0 : i32
        %dma_wait3A_996 = tpu.memref_slice %arg17[%dma_wait3A_993, %dma_wait3A_994, %dma_wait3A_995] : memref<8x8x129xf32, #tpu.memory_space<vmem>> -> memref<8x8x128xf32, #tpu.memory_space<vmem>>
        tpu.wait_dma2 semaphore(%arg27 : memref<!tpu.dma_semaphore, #tpu.memory_space<semaphore_mem>>) src(%dma_wait3A_996 : memref<8x8x128xf32, #tpu.memory_space<vmem>>) dst(%dma_wait3A_992 : memref<8x8x128xf32, #tpu.memory_space<hbm>>)
      } else {
      }
      %get3A = arith.constant 0 : index
      %get3A_505 = tpu.vector_load %arg7[%get3A] {strides = array<i32>} : memref<64xf32, #tpu.memory_space<vmem>>, vector<16xf32>,
      %get3A_506 = arith.constant 16 : index
      %get3A_507 = tpu.vector_load %arg7[%get3A_506] {strides = array<i32>} : memref<64xf32, #tpu.memory_space<vmem>>, vector<16xf32>,
      %get3A_508 = arith.constant 32 : index
      %get3A_509 = tpu.vector_load %arg7[%get3A_508] {strides = array<i32>} : memref<64xf32, #tpu.memory_space<vmem>>, vector<16xf32>,
      %get3A_510 = arith.constant 48 : index
      %get3A_511 = tpu.vector_load %arg7[%get3A_510] {strides = array<i32>} : memref<64xf32, #tpu.memory_space<vmem>>, vector<16xf32>,
      %parallel_loop3A_512 = arith.constant 0 : i32
      %parallel_loop3A_513 = arith.constant 128 : i32
      %parallel_loop3A_514 = arith.constant 1 : i32
      scf.for %parallel_loop3A_977 = %parallel_loop3A_512 to %parallel_loop3A_513 step %parallel_loop3A_514  : i32 {
        %parallel_loop3A_978 = vector.broadcast %parallel_loop3A_977 : i32 to vector<16xi32>
        %parallel_loop3A_979 = arith.index_cast %parallel_loop3A_977 : i32 to index
        %parallel_loop3A_980 = arith.constant 0 : index
        %parallel_loop3A_981 = tpu.vector_load %arg12[%parallel_loop3A_979, %parallel_loop3A_980] {strides = array<i32>} : memref<128x64xf32, #tpu.memory_space<vmem>>, vector<16xf32>,
        %parallel_loop3A_982 = arith.addf %parallel_loop3A_981, %get3A_505 : vector<16xf32>
        tpu.vector_store_idx %arg17[%select_n3A, %select_n3A_152, %parallel_loop3A_978], %parallel_loop3A_982 : memref<8x8x129xf32, #tpu.memory_space<vmem>>[vector<16xi32>, vector<16xi32>, vector<16xi32>], vector<16xf32>,
        %parallel_loop3A_983 = arith.index_cast %parallel_loop3A_977 : i32 to index
        %parallel_loop3A_984 = arith.constant 16 : index
        %parallel_loop3A_985 = tpu.vector_load %arg12[%parallel_loop3A_983, %parallel_loop3A_984] {strides = array<i32>} : memref<128x64xf32, #tpu.memory_space<vmem>>, vector<16xf32>,
        %parallel_loop3A_986 = arith.addf %parallel_loop3A_985, %get3A_507 : vector<16xf32>
        tpu.vector_store_idx %arg17[%select_n3A_70, %select_n3A_174, %parallel_loop3A_978], %parallel_loop3A_986 : memref<8x8x129xf32, #tpu.memory_space<vmem>>[vector<16xi32>, vector<16xi32>, vector<16xi32>], vector<16xf32>,
        %parallel_loop3A_987 = arith.index_cast %parallel_loop3A_977 : i32 to index
        %parallel_loop3A_988 = arith.constant 32 : index
        %parallel_loop3A_989 = tpu.vector_load %arg12[%parallel_loop3A_987, %parallel_loop3A_988] {strides = array<i32>} : memref<128x64xf32, #tpu.memory_space<vmem>>, vector<16xf32>,
        %parallel_loop3A_990 = arith.addf %parallel_loop3A_989, %get3A_509 : vector<16xf32>
        tpu.vector_store_idx %arg17[%select_n3A_101, %select_n3A_196, %parallel_loop3A_978], %parallel_loop3A_990 : memref<8x8x129xf32, #tpu.memory_space<vmem>>[vector<16xi32>, vector<16xi32>, vector<16xi32>], vector<16xf32>,
        %parallel_loop3A_991 = arith.index_cast %parallel_loop3A_977 : i32 to index
        %parallel_loop3A_992 = arith.constant 48 : index
        %parallel_loop3A_993 = tpu.vector_load %arg12[%parallel_loop3A_991, %parallel_loop3A_992] {strides = array<i32>} : memref<128x64xf32, #tpu.memory_space<vmem>>, vector<16xf32>,
        %parallel_loop3A_994 = arith.addf %parallel_loop3A_993, %get3A_511 : vector<16xf32>
        tpu.vector_store_idx %arg17[%select_n3A_132, %select_n3A_218, %parallel_loop3A_978], %parallel_loop3A_994 : memref<8x8x129xf32, #tpu.memory_space<vmem>>[vector<16xi32>, vector<16xi32>, vector<16xi32>], vector<16xf32>,
      } {sc.loop_unroll_factor = 1 : i64, sc.parallel_access}
      %dma_start3A_515 = arith.constant 0 : i32
      %dma_start3A_516 = arith.constant 0 : i32
      %dma_start3A_517 = arith.constant 0 : i32
      %dma_start3A_518 = tpu.memref_slice %arg17[%dma_start3A_515, %dma_start3A_516, %dma_start3A_517] : memref<8x8x129xf32, #tpu.memory_space<vmem>> -> memref<8x8x128xf32, #tpu.memory_space<vmem>>
      %dma_start3A_519 = arith.constant 0 : i32
      %dma_start3A_520 = arith.constant 0 : i32
      %dma_start3A_521 = arith.constant 0 : i32
      %dma_start3A_522 = tpu.memref_slice %arg5[%add3A_429, %dma_start3A_519, %add3A, %dma_start3A_520, %dma_start3A_521] : memref<200x8x32x8x128xf32, #tpu.memory_space<hbm>> -> memref<1x8x1x8x128xf32, #tpu.memory_space<hbm>>
      %dma_start3A_523 = tpu.memref_squeeze %dma_start3A_522 : memref<1x8x1x8x128xf32, #tpu.memory_space<hbm>> -> memref<8x8x128xf32, #tpu.memory_space<hbm>>
      %dma_start3A_524 = arith.constant 0 : i32
      %dma_start3A_525 = arith.constant 0 : i32
      %dma_start3A_526 = arith.constant 0 : i32
      %dma_start3A_527 = tpu.memref_slice %arg5[%add3A_429, %dma_start3A_524, %add3A, %dma_start3A_525, %dma_start3A_526] : memref<200x8x32x8x128xf32, #tpu.memory_space<hbm>> -> memref<1x8x1x8x128xf32, #tpu.memory_space<hbm>>
      %dma_start3A_528 = tpu.memref_squeeze %dma_start3A_527 : memref<1x8x1x8x128xf32, #tpu.memory_space<hbm>> -> memref<8x8x128xf32, #tpu.memory_space<hbm>>
      %dma_start3A_529 = arith.constant 0 : i32
      %dma_start3A_530 = arith.constant 0 : i32
      %dma_start3A_531 = arith.constant 0 : i32
      %dma_start3A_532 = tpu.memref_slice %arg17[%dma_start3A_529, %dma_start3A_530, %dma_start3A_531] : memref<8x8x129xf32, #tpu.memory_space<vmem>> -> memref<8x8x128xf32, #tpu.memory_space<vmem>>
      tpu.enqueue_dma source(%dma_start3A_532 : memref<8x8x128xf32, #tpu.memory_space<vmem>>) target(%dma_start3A_528 : memref<8x8x128xf32, #tpu.memory_space<hbm>>) target_semaphore(%arg27 : memref<!tpu.dma_semaphore, #tpu.memory_space<semaphore_mem>>)
      %mul3A_533 = arith.constant 5 : i32
      %mul3A_534 = arith.muli %scan3A_425, %mul3A_533 : i32
      %add3A_535 = arith.constant 1 : i32
      %add3A_536 = arith.addi %mul3A_534, %add3A_535 : i32
      %add3A_537 = arith.constant 4 : i32
      %add3A_538 = arith.addi %add3A_536, %add3A_537 : i32
      %lt3A_539 = arith.constant 200 : i32
      %lt3A_540 = arith.cmpi slt, %add3A_538, %lt3A_539 : i32
      %convert_element_type3A_541 = arith.extui %lt3A_540 : i1 to i32
      %cond3A_542 = arith.constant 0 : i32
      %cond3A_543 = arith.cmpi ne, %convert_element_type3A_541, %cond3A_542 : i32
      scf.if %cond3A_543 {
        %add3A_977 = arith.constant 4 : i32
        %add3A_978 = arith.addi %add3A_536, %add3A_977 : i32
        %dma_start3A_979 = arith.constant 0 : i32
        %dma_start3A_980 = arith.constant 0 : i32
        %dma_start3A_981 = tpu.memref_slice %arg12[%dma_start3A_979, %dma_start3A_980] : memref<128x64xf32, #tpu.memory_space<vmem>> -> memref<64x64xf32, #tpu.memory_space<vmem>>
        %dma_start3A_982 = arith.constant 0 : i32
        %dma_start3A_983 = tpu.memref_slice %arg6[%add3A_978, %dma_start3A_982] : memref<200x128xi32, #tpu.memory_space<vmem>> -> memref<1x64xi32, #tpu.memory_space<vmem>>
        %dma_start3A_984 = tpu.memref_squeeze %dma_start3A_983 : memref<1x64xi32, #tpu.memory_space<vmem>> -> memref<64xi32, #tpu.memory_space<vmem>>
        %dma_start3A_985 = arith.constant 0 : i32
        %dma_start3A_986 = arith.constant 0 : i32
        %dma_start3A_987 = tpu.memref_slice %arg3[%dma_start3A_985, %dma_start3A_986] : memref<101376x64xf32, #tpu.memory_space<hbm>> -> memref<101376x64xf32, #tpu.memory_space<hbm>>
        tpu.enqueue_indirect_dma source(%dma_start3A_987 : memref<101376x64xf32, #tpu.memory_space<hbm>>) target(%dma_start3A_981 : memref<64x64xf32, #tpu.memory_space<vmem>>) offsets(%dma_start3A_984 : memref<64xi32, #tpu.memory_space<vmem>>) semaphore(%arg22 : memref<!tpu.dma_semaphore, #tpu.memory_space<semaphore_mem>>)
        %dma_start3A_988 = arith.constant 64 : i32
        %dma_start3A_989 = arith.constant 0 : i32
        %dma_start3A_990 = tpu.memref_slice %arg12[%dma_start3A_988, %dma_start3A_989] : memref<128x64xf32, #tpu.memory_space<vmem>> -> memref<64x64xf32, #tpu.memory_space<vmem>>
        %dma_start3A_991 = arith.constant 64 : i32
        %dma_start3A_992 = tpu.memref_slice %arg6[%add3A_978, %dma_start3A_991] : memref<200x128xi32, #tpu.memory_space<vmem>> -> memref<1x64xi32, #tpu.memory_space<vmem>>
        %dma_start3A_993 = tpu.memref_squeeze %dma_start3A_992 : memref<1x64xi32, #tpu.memory_space<vmem>> -> memref<64xi32, #tpu.memory_space<vmem>>
        %dma_start3A_994 = arith.constant 0 : i32
        %dma_start3A_995 = arith.constant 0 : i32
        %dma_start3A_996 = tpu.memref_slice %arg3[%dma_start3A_994, %dma_start3A_995] : memref<101376x64xf32, #tpu.memory_space<hbm>> -> memref<101376x64xf32, #tpu.memory_space<hbm>>
        tpu.enqueue_indirect_dma source(%dma_start3A_996 : memref<101376x64xf32, #tpu.memory_space<hbm>>) target(%dma_start3A_990 : memref<64x64xf32, #tpu.memory_space<vmem>>) offsets(%dma_start3A_993 : memref<64xi32, #tpu.memory_space<vmem>>) semaphore(%arg22 : memref<!tpu.dma_semaphore, #tpu.memory_space<semaphore_mem>>)
        %mul3A_997 = arith.constant 64 : i32
        %mul3A_998 = arith.muli %add3A_978, %mul3A_997 : i32
        %jit3A_999 = arith.constant 128 : i32
        %div3A_1000 = arith.divsi %mul3A_998, %jit3A_999 : i32
        %sign3A_1001 = arith.constant 0 : i32
        %sign3A_1002 = arith.cmpi sgt, %mul3A_998, %sign3A_1001 : i32
        %sign3A_1003 = arith.extui %sign3A_1002 : i1 to i32
        %sign3A_1004 = arith.constant 0 : i32
        %sign3A_1005 = arith.cmpi slt, %mul3A_998, %sign3A_1004 : i32
        %sign3A_1006 = arith.extui %sign3A_1005 : i1 to i32
        %sign3A_1007 = arith.subi %sign3A_1003, %sign3A_1006 : i32
        %sign3A_1008 = arith.constant 0 : i32
        %sign3A_1009 = arith.cmpi sgt, %jit3A_999, %sign3A_1008 : i32
        %sign3A_1010 = arith.extui %sign3A_1009 : i1 to i32
        %sign3A_1011 = arith.constant 0 : i32
        %sign3A_1012 = arith.cmpi slt, %jit3A_999, %sign3A_1011 : i32
        %sign3A_1013 = arith.extui %sign3A_1012 : i1 to i32
        %sign3A_1014 = arith.subi %sign3A_1010, %sign3A_1013 : i32
        %ne3A_1015 = arith.cmpi ne, %sign3A_1007, %sign3A_1014 : i32
        %rem3A_1016 = arith.remsi %mul3A_998, %jit3A_999 : i32
        %ne3A_1017 = arith.constant 0 : i32
        %ne3A_1018 = arith.cmpi ne, %rem3A_1016, %ne3A_1017 : i32
        %and3A_1019 = arith.andi %ne3A_1015, %ne3A_1018 : i1
        %sub3A_1020 = arith.constant 1 : i32
        %sub3A_1021 = arith.subi %div3A_1000, %sub3A_1020 : i32
        %select_n3A_1022 = arith.select %and3A_1019, %sub3A_1021, %div3A_1000 : i32
        %mul3A_1023 = arith.constant 64 : i32
        %mul3A_1024 = arith.muli %add3A_978, %mul3A_1023 : i32
        %jit3A_1025 = arith.constant 128 : i32
        %eq3A_1026 = arith.constant 0 : i32
        %eq3A_1027 = arith.cmpi eq, %jit3A_1025, %eq3A_1026 : i32
        %jit3A_1028 = arith.constant 1 : i32
        %select_n3A_1029 = arith.select %eq3A_1027, %jit3A_1028, %jit3A_1025 : i32
        %rem3A_1030 = arith.remsi %mul3A_1024, %select_n3A_1029 : i32
        %ne3A_1031 = arith.constant 0 : i32
        %ne3A_1032 = arith.cmpi ne, %rem3A_1030, %ne3A_1031 : i32
        %lt3A_1033 = arith.constant 0 : i32
        %lt3A_1034 = arith.cmpi slt, %rem3A_1030, %lt3A_1033 : i32
        %lt3A_1035 = arith.constant 0 : i32
        %lt3A_1036 = arith.cmpi slt, %select_n3A_1029, %lt3A_1035 : i32
        %ne3A_1037 = arith.xori %lt3A_1034, %lt3A_1036 : i1
        %and3A_1038 = arith.andi %ne3A_1037, %ne3A_1032 : i1
        %add3A_1039 = arith.addi %rem3A_1030, %select_n3A_1029 : i32
        %select_n3A_1040 = arith.select %and3A_1038, %add3A_1039, %rem3A_1030 : i32
        %dma_start3A_1041 = tpu.memref_slice %arg4[%select_n3A_1022, %select_n3A_1040] : memref<100x128xf32, #tpu.memory_space<hbm>> -> memref<1x64xf32, #tpu.memory_space<hbm>>
        %dma_start3A_1042 = tpu.memref_squeeze %dma_start3A_1041 : memref<1x64xf32, #tpu.memory_space<hbm>> -> memref<64xf32, #tpu.memory_space<hbm>>
        %dma_start3A_1043 = tpu.memref_slice %arg4[%select_n3A_1022, %select_n3A_1040] : memref<100x128xf32, #tpu.memory_space<hbm>> -> memref<1x64xf32, #tpu.memory_space<hbm>>
        %dma_start3A_1044 = tpu.memref_squeeze %dma_start3A_1043 : memref<1x64xf32, #tpu.memory_space<hbm>> -> memref<64xf32, #tpu.memory_space<hbm>>
        tpu.enqueue_dma source(%dma_start3A_1044 : memref<64xf32, #tpu.memory_space<hbm>>) target(%arg7 : memref<64xf32, #tpu.memory_space<vmem>>) target_semaphore(%arg22 : memref<!tpu.dma_semaphore, #tpu.memory_space<semaphore_mem>>)
      } else {
      }
      %dma_wait3A_544 = arith.constant 0 : i32
      %dma_wait3A_545 = arith.constant 0 : i32
      %dma_wait3A_546 = tpu.memref_slice %arg13[%dma_wait3A_544, %dma_wait3A_545] : memref<128x64xf32, #tpu.memory_space<vmem>> -> memref<64x64xf32, #tpu.memory_space<vmem>>
      %dma_wait3A_547 = arith.constant 0 : i32
      %dma_wait3A_548 = tpu.memref_slice %arg6[%add3A_536, %dma_wait3A_547] : memref<200x128xi32, #tpu.memory_space<vmem>> -> memref<1x64xi32, #tpu.memory_space<vmem>>
      %dma_wait3A_549 = tpu.memref_squeeze %dma_wait3A_548 : memref<1x64xi32, #tpu.memory_space<vmem>> -> memref<64xi32, #tpu.memory_space<vmem>>
      %dma_wait3A_550 = arith.constant 0 : i32
      %dma_wait3A_551 = arith.constant 0 : i32
      %dma_wait3A_552 = tpu.memref_slice %arg3[%dma_wait3A_550, %dma_wait3A_551] : memref<101376x64xf32, #tpu.memory_space<hbm>> -> memref<101376x64xf32, #tpu.memory_space<hbm>>
      tpu.wait_indirect_dma semaphore(%arg23 : memref<!tpu.dma_semaphore, #tpu.memory_space<semaphore_mem>>) src(%dma_wait3A_552 : memref<101376x64xf32, #tpu.memory_space<hbm>>) dst(%dma_wait3A_546 : memref<64x64xf32, #tpu.memory_space<vmem>>)
      %dma_wait3A_553 = arith.constant 64 : i32
      %dma_wait3A_554 = arith.constant 0 : i32
      %dma_wait3A_555 = tpu.memref_slice %arg13[%dma_wait3A_553, %dma_wait3A_554] : memref<128x64xf32, #tpu.memory_space<vmem>> -> memref<64x64xf32, #tpu.memory_space<vmem>>
      %dma_wait3A_556 = arith.constant 64 : i32
      %dma_wait3A_557 = tpu.memref_slice %arg6[%add3A_536, %dma_wait3A_556] : memref<200x128xi32, #tpu.memory_space<vmem>> -> memref<1x64xi32, #tpu.memory_space<vmem>>
      %dma_wait3A_558 = tpu.memref_squeeze %dma_wait3A_557 : memref<1x64xi32, #tpu.memory_space<vmem>> -> memref<64xi32, #tpu.memory_space<vmem>>
      %dma_wait3A_559 = arith.constant 0 : i32
      %dma_wait3A_560 = arith.constant 0 : i32
      %dma_wait3A_561 = tpu.memref_slice %arg3[%dma_wait3A_559, %dma_wait3A_560] : memref<101376x64xf32, #tpu.memory_space<hbm>> -> memref<101376x64xf32, #tpu.memory_space<hbm>>
      tpu.wait_indirect_dma semaphore(%arg23 : memref<!tpu.dma_semaphore, #tpu.memory_space<semaphore_mem>>) src(%dma_wait3A_561 : memref<101376x64xf32, #tpu.memory_space<hbm>>) dst(%dma_wait3A_555 : memref<64x64xf32, #tpu.memory_space<vmem>>)
      %mul3A_562 = arith.constant 64 : i32
      %mul3A_563 = arith.muli %add3A_536, %mul3A_562 : i32
      %jit3A_564 = arith.constant 128 : i32
      %div3A_565 = arith.divsi %mul3A_563, %jit3A_564 : i32
      %sign3A_566 = arith.constant 0 : i32
      %sign3A_567 = arith.cmpi sgt, %mul3A_563, %sign3A_566 : i32
      %sign3A_568 = arith.extui %sign3A_567 : i1 to i32
      %sign3A_569 = arith.constant 0 : i32
      %sign3A_570 = arith.cmpi slt, %mul3A_563, %sign3A_569 : i32
      %sign3A_571 = arith.extui %sign3A_570 : i1 to i32
      %sign3A_572 = arith.subi %sign3A_568, %sign3A_571 : i32
      %sign3A_573 = arith.constant 0 : i32
      %sign3A_574 = arith.cmpi sgt, %jit3A_564, %sign3A_573 : i32
      %sign3A_575 = arith.extui %sign3A_574 : i1 to i32
      %sign3A_576 = arith.constant 0 : i32
      %sign3A_577 = arith.cmpi slt, %jit3A_564, %sign3A_576 : i32
      %sign3A_578 = arith.extui %sign3A_577 : i1 to i32
      %sign3A_579 = arith.subi %sign3A_575, %sign3A_578 : i32
      %ne3A_580 = arith.cmpi ne, %sign3A_572, %sign3A_579 : i32
      %rem3A_581 = arith.remsi %mul3A_563, %jit3A_564 : i32
      %ne3A_582 = arith.constant 0 : i32
      %ne3A_583 = arith.cmpi ne, %rem3A_581, %ne3A_582 : i32
      %and3A_584 = arith.andi %ne3A_580, %ne3A_583 : i1
      %sub3A_585 = arith.constant 1 : i32
      %sub3A_586 = arith.subi %div3A_565, %sub3A_585 : i32
      %select_n3A_587 = arith.select %and3A_584, %sub3A_586, %div3A_565 : i32
      %mul3A_588 = arith.constant 64 : i32
      %mul3A_589 = arith.muli %add3A_536, %mul3A_588 : i32
      %jit3A_590 = arith.constant 128 : i32
      %eq3A_591 = arith.constant 0 : i32
      %eq3A_592 = arith.cmpi eq, %jit3A_590, %eq3A_591 : i32
      %jit3A_593 = arith.constant 1 : i32
      %select_n3A_594 = arith.select %eq3A_592, %jit3A_593, %jit3A_590 : i32
      %rem3A_595 = arith.remsi %mul3A_589, %select_n3A_594 : i32
      %ne3A_596 = arith.constant 0 : i32
      %ne3A_597 = arith.cmpi ne, %rem3A_595, %ne3A_596 : i32
      %lt3A_598 = arith.constant 0 : i32
      %lt3A_599 = arith.cmpi slt, %rem3A_595, %lt3A_598 : i32
      %lt3A_600 = arith.constant 0 : i32
      %lt3A_601 = arith.cmpi slt, %select_n3A_594, %lt3A_600 : i32
      %ne3A_602 = arith.xori %lt3A_599, %lt3A_601 : i1
      %and3A_603 = arith.andi %ne3A_602, %ne3A_597 : i1
      %add3A_604 = arith.addi %rem3A_595, %select_n3A_594 : i32
      %select_n3A_605 = arith.select %and3A_603, %add3A_604, %rem3A_595 : i32
      %dma_wait3A_606 = tpu.memref_slice %arg4[%select_n3A_587, %select_n3A_605] : memref<100x128xf32, #tpu.memory_space<hbm>> -> memref<1x64xf32, #tpu.memory_space<hbm>>
      %dma_wait3A_607 = tpu.memref_squeeze %dma_wait3A_606 : memref<1x64xf32, #tpu.memory_space<hbm>> -> memref<64xf32, #tpu.memory_space<hbm>>
      %dma_wait3A_608 = tpu.memref_slice %arg4[%select_n3A_587, %select_n3A_605] : memref<100x128xf32, #tpu.memory_space<hbm>> -> memref<1x64xf32, #tpu.memory_space<hbm>>
      %dma_wait3A_609 = tpu.memref_squeeze %dma_wait3A_608 : memref<1x64xf32, #tpu.memory_space<hbm>> -> memref<64xf32, #tpu.memory_space<hbm>>
      tpu.wait_dma2 semaphore(%arg23 : memref<!tpu.dma_semaphore, #tpu.memory_space<semaphore_mem>>) src(%dma_wait3A_609 : memref<64xf32, #tpu.memory_space<hbm>>) dst(%arg8 : memref<64xf32, #tpu.memory_space<vmem>>)
      %ge3A_610 = arith.constant 5 : i32
      %ge3A_611 = arith.cmpi sge, %add3A_536, %ge3A_610 : i32
      %convert_element_type3A_612 = arith.extui %ge3A_611 : i1 to i32
      %cond3A_613 = arith.constant 0 : i32
      %cond3A_614 = arith.cmpi ne, %convert_element_type3A_612, %cond3A_613 : i32
      scf.if %cond3A_614 {
        %sub3A_977 = arith.constant 5 : i32
        %sub3A_978 = arith.subi %add3A_536, %sub3A_977 : i32
        %dma_wait3A_979 = arith.constant 0 : i32
        %dma_wait3A_980 = arith.constant 0 : i32
        %dma_wait3A_981 = arith.constant 0 : i32
        %dma_wait3A_982 = tpu.memref_slice %arg18[%dma_wait3A_979, %dma_wait3A_980, %dma_wait3A_981] : memref<8x8x129xf32, #tpu.memory_space<vmem>> -> memref<8x8x128xf32, #tpu.memory_space<vmem>>
        %dma_wait3A_983 = arith.constant 0 : i32
        %dma_wait3A_984 = arith.constant 0 : i32
        %dma_wait3A_985 = arith.constant 0 : i32
        %dma_wait3A_986 = tpu.memref_slice %arg5[%sub3A_978, %dma_wait3A_983, %add3A, %dma_wait3A_984, %dma_wait3A_985] : memref<200x8x32x8x128xf32, #tpu.memory_space<hbm>> -> memref<1x8x1x8x128xf32, #tpu.memory_space<hbm>>
        %dma_wait3A_987 = tpu.memref_squeeze %dma_wait3A_986 : memref<1x8x1x8x128xf32, #tpu.memory_space<hbm>> -> memref<8x8x128xf32, #tpu.memory_space<hbm>>
        %dma_wait3A_988 = arith.constant 0 : i32
        %dma_wait3A_989 = arith.constant 0 : i32
        %dma_wait3A_990 = arith.constant 0 : i32
        %dma_wait3A_991 = tpu.memref_slice %arg5[%sub3A_978, %dma_wait3A_988, %add3A, %dma_wait3A_989, %dma_wait3A_990] : memref<200x8x32x8x128xf32, #tpu.memory_space<hbm>> -> memref<1x8x1x8x128xf32, #tpu.memory_space<hbm>>
        %dma_wait3A_992 = tpu.memref_squeeze %dma_wait3A_991 : memref<1x8x1x8x128xf32, #tpu.memory_space<hbm>> -> memref<8x8x128xf32, #tpu.memory_space<hbm>>
        %dma_wait3A_993 = arith.constant 0 : i32
        %dma_wait3A_994 = arith.constant 0 : i32
        %dma_wait3A_995 = arith.constant 0 : i32
        %dma_wait3A_996 = tpu.memref_slice %arg18[%dma_wait3A_993, %dma_wait3A_994, %dma_wait3A_995] : memref<8x8x129xf32, #tpu.memory_space<vmem>> -> memref<8x8x128xf32, #tpu.memory_space<vmem>>
        tpu.wait_dma2 semaphore(%arg28 : memref<!tpu.dma_semaphore, #tpu.memory_space<semaphore_mem>>) src(%dma_wait3A_996 : memref<8x8x128xf32, #tpu.memory_space<vmem>>) dst(%dma_wait3A_992 : memref<8x8x128xf32, #tpu.memory_space<hbm>>)
      } else {
      }
      %get3A_615 = arith.constant 0 : index
      %get3A_616 = tpu.vector_load %arg8[%get3A_615] {strides = array<i32>} : memref<64xf32, #tpu.memory_space<vmem>>, vector<16xf32>,
      %get3A_617 = arith.constant 16 : index
      %get3A_618 = tpu.vector_load %arg8[%get3A_617] {strides = array<i32>} : memref<64xf32, #tpu.memory_space<vmem>>, vector<16xf32>,
      %get3A_619 = arith.constant 32 : index
      %get3A_620 = tpu.vector_load %arg8[%get3A_619] {strides = array<i32>} : memref<64xf32, #tpu.memory_space<vmem>>, vector<16xf32>,
      %get3A_621 = arith.constant 48 : index
      %get3A_622 = tpu.vector_load %arg8[%get3A_621] {strides = array<i32>} : memref<64xf32, #tpu.memory_space<vmem>>, vector<16xf32>,
      %parallel_loop3A_623 = arith.constant 0 : i32
      %parallel_loop3A_624 = arith.constant 128 : i32
      %parallel_loop3A_625 = arith.constant 1 : i32
      scf.for %parallel_loop3A_977 = %parallel_loop3A_623 to %parallel_loop3A_624 step %parallel_loop3A_625  : i32 {
        %parallel_loop3A_978 = vector.broadcast %parallel_loop3A_977 : i32 to vector<16xi32>
        %parallel_loop3A_979 = arith.index_cast %parallel_loop3A_977 : i32 to index
        %parallel_loop3A_980 = arith.constant 0 : index
        %parallel_loop3A_981 = tpu.vector_load %arg13[%parallel_loop3A_979, %parallel_loop3A_980] {strides = array<i32>} : memref<128x64xf32, #tpu.memory_space<vmem>>, vector<16xf32>,
        %parallel_loop3A_982 = arith.addf %parallel_loop3A_981, %get3A_616 : vector<16xf32>
        tpu.vector_store_idx %arg18[%select_n3A, %select_n3A_152, %parallel_loop3A_978], %parallel_loop3A_982 : memref<8x8x129xf32, #tpu.memory_space<vmem>>[vector<16xi32>, vector<16xi32>, vector<16xi32>], vector<16xf32>,
        %parallel_loop3A_983 = arith.index_cast %parallel_loop3A_977 : i32 to index
        %parallel_loop3A_984 = arith.constant 16 : index
        %parallel_loop3A_985 = tpu.vector_load %arg13[%parallel_loop3A_983, %parallel_loop3A_984] {strides = array<i32>} : memref<128x64xf32, #tpu.memory_space<vmem>>, vector<16xf32>,
        %parallel_loop3A_986 = arith.addf %parallel_loop3A_985, %get3A_618 : vector<16xf32>
        tpu.vector_store_idx %arg18[%select_n3A_70, %select_n3A_174, %parallel_loop3A_978], %parallel_loop3A_986 : memref<8x8x129xf32, #tpu.memory_space<vmem>>[vector<16xi32>, vector<16xi32>, vector<16xi32>], vector<16xf32>,
        %parallel_loop3A_987 = arith.index_cast %parallel_loop3A_977 : i32 to index
        %parallel_loop3A_988 = arith.constant 32 : index
        %parallel_loop3A_989 = tpu.vector_load %arg13[%parallel_loop3A_987, %parallel_loop3A_988] {strides = array<i32>} : memref<128x64xf32, #tpu.memory_space<vmem>>, vector<16xf32>,
        %parallel_loop3A_990 = arith.addf %parallel_loop3A_989, %get3A_620 : vector<16xf32>
        tpu.vector_store_idx %arg18[%select_n3A_101, %select_n3A_196, %parallel_loop3A_978], %parallel_loop3A_990 : memref<8x8x129xf32, #tpu.memory_space<vmem>>[vector<16xi32>, vector<16xi32>, vector<16xi32>], vector<16xf32>,
        %parallel_loop3A_991 = arith.index_cast %parallel_loop3A_977 : i32 to index
        %parallel_loop3A_992 = arith.constant 48 : index
        %parallel_loop3A_993 = tpu.vector_load %arg13[%parallel_loop3A_991, %parallel_loop3A_992] {strides = array<i32>} : memref<128x64xf32, #tpu.memory_space<vmem>>, vector<16xf32>,
        %parallel_loop3A_994 = arith.addf %parallel_loop3A_993, %get3A_622 : vector<16xf32>
        tpu.vector_store_idx %arg18[%select_n3A_132, %select_n3A_218, %parallel_loop3A_978], %parallel_loop3A_994 : memref<8x8x129xf32, #tpu.memory_space<vmem>>[vector<16xi32>, vector<16xi32>, vector<16xi32>], vector<16xf32>,
      } {sc.loop_unroll_factor = 1 : i64, sc.parallel_access}
      %dma_start3A_626 = arith.constant 0 : i32
      %dma_start3A_627 = arith.constant 0 : i32
      %dma_start3A_628 = arith.constant 0 : i32
      %dma_start3A_629 = tpu.memref_slice %arg18[%dma_start3A_626, %dma_start3A_627, %dma_start3A_628] : memref<8x8x129xf32, #tpu.memory_space<vmem>> -> memref<8x8x128xf32, #tpu.memory_space<vmem>>
      %dma_start3A_630 = arith.constant 0 : i32
      %dma_start3A_631 = arith.constant 0 : i32
      %dma_start3A_632 = arith.constant 0 : i32
      %dma_start3A_633 = tpu.memref_slice %arg5[%add3A_536, %dma_start3A_630, %add3A, %dma_start3A_631, %dma_start3A_632] : memref<200x8x32x8x128xf32, #tpu.memory_space<hbm>> -> memref<1x8x1x8x128xf32, #tpu.memory_space<hbm>>
      %dma_start3A_634 = tpu.memref_squeeze %dma_start3A_633 : memref<1x8x1x8x128xf32, #tpu.memory_space<hbm>> -> memref<8x8x128xf32, #tpu.memory_space<hbm>>
      %dma_start3A_635 = arith.constant 0 : i32
      %dma_start3A_636 = arith.constant 0 : i32
      %dma_start3A_637 = arith.constant 0 : i32
      %dma_start3A_638 = tpu.memref_slice %arg5[%add3A_536, %dma_start3A_635, %add3A, %dma_start3A_636, %dma_start3A_637] : memref<200x8x32x8x128xf32, #tpu.memory_space<hbm>> -> memref<1x8x1x8x128xf32, #tpu.memory_space<hbm>>
      %dma_start3A_639 = tpu.memref_squeeze %dma_start3A_638 : memref<1x8x1x8x128xf32, #tpu.memory_space<hbm>> -> memref<8x8x128xf32, #tpu.memory_space<hbm>>
      %dma_start3A_640 = arith.constant 0 : i32
      %dma_start3A_641 = arith.constant 0 : i32
      %dma_start3A_642 = arith.constant 0 : i32
      %dma_start3A_643 = tpu.memref_slice %arg18[%dma_start3A_640, %dma_start3A_641, %dma_start3A_642] : memref<8x8x129xf32, #tpu.memory_space<vmem>> -> memref<8x8x128xf32, #tpu.memory_space<vmem>>
      tpu.enqueue_dma source(%dma_start3A_643 : memref<8x8x128xf32, #tpu.memory_space<vmem>>) target(%dma_start3A_639 : memref<8x8x128xf32, #tpu.memory_space<hbm>>) target_semaphore(%arg28 : memref<!tpu.dma_semaphore, #tpu.memory_space<semaphore_mem>>)
      %mul3A_644 = arith.constant 5 : i32
      %mul3A_645 = arith.muli %scan3A_425, %mul3A_644 : i32
      %add3A_646 = arith.constant 2 : i32
      %add3A_647 = arith.addi %mul3A_645, %add3A_646 : i32
      %add3A_648 = arith.constant 4 : i32
      %add3A_649 = arith.addi %add3A_647, %add3A_648 : i32
      %lt3A_650 = arith.constant 200 : i32
      %lt3A_651 = arith.cmpi slt, %add3A_649, %lt3A_650 : i32
      %convert_element_type3A_652 = arith.extui %lt3A_651 : i1 to i32
      %cond3A_653 = arith.constant 0 : i32
      %cond3A_654 = arith.cmpi ne, %convert_element_type3A_652, %cond3A_653 : i32
      scf.if %cond3A_654 {
        %add3A_977 = arith.constant 4 : i32
        %add3A_978 = arith.addi %add3A_647, %add3A_977 : i32
        %dma_start3A_979 = arith.constant 0 : i32
        %dma_start3A_980 = arith.constant 0 : i32
        %dma_start3A_981 = tpu.memref_slice %arg13[%dma_start3A_979, %dma_start3A_980] : memref<128x64xf32, #tpu.memory_space<vmem>> -> memref<64x64xf32, #tpu.memory_space<vmem>>
        %dma_start3A_982 = arith.constant 0 : i32
        %dma_start3A_983 = tpu.memref_slice %arg6[%add3A_978, %dma_start3A_982] : memref<200x128xi32, #tpu.memory_space<vmem>> -> memref<1x64xi32, #tpu.memory_space<vmem>>
        %dma_start3A_984 = tpu.memref_squeeze %dma_start3A_983 : memref<1x64xi32, #tpu.memory_space<vmem>> -> memref<64xi32, #tpu.memory_space<vmem>>
        %dma_start3A_985 = arith.constant 0 : i32
        %dma_start3A_986 = arith.constant 0 : i32
        %dma_start3A_987 = tpu.memref_slice %arg3[%dma_start3A_985, %dma_start3A_986] : memref<101376x64xf32, #tpu.memory_space<hbm>> -> memref<101376x64xf32, #tpu.memory_space<hbm>>
        tpu.enqueue_indirect_dma source(%dma_start3A_987 : memref<101376x64xf32, #tpu.memory_space<hbm>>) target(%dma_start3A_981 : memref<64x64xf32, #tpu.memory_space<vmem>>) offsets(%dma_start3A_984 : memref<64xi32, #tpu.memory_space<vmem>>) semaphore(%arg23 : memref<!tpu.dma_semaphore, #tpu.memory_space<semaphore_mem>>)
        %dma_start3A_988 = arith.constant 64 : i32
        %dma_start3A_989 = arith.constant 0 : i32
        %dma_start3A_990 = tpu.memref_slice %arg13[%dma_start3A_988, %dma_start3A_989] : memref<128x64xf32, #tpu.memory_space<vmem>> -> memref<64x64xf32, #tpu.memory_space<vmem>>
        %dma_start3A_991 = arith.constant 64 : i32
        %dma_start3A_992 = tpu.memref_slice %arg6[%add3A_978, %dma_start3A_991] : memref<200x128xi32, #tpu.memory_space<vmem>> -> memref<1x64xi32, #tpu.memory_space<vmem>>
        %dma_start3A_993 = tpu.memref_squeeze %dma_start3A_992 : memref<1x64xi32, #tpu.memory_space<vmem>> -> memref<64xi32, #tpu.memory_space<vmem>>
        %dma_start3A_994 = arith.constant 0 : i32
        %dma_start3A_995 = arith.constant 0 : i32
        %dma_start3A_996 = tpu.memref_slice %arg3[%dma_start3A_994, %dma_start3A_995] : memref<101376x64xf32, #tpu.memory_space<hbm>> -> memref<101376x64xf32, #tpu.memory_space<hbm>>
        tpu.enqueue_indirect_dma source(%dma_start3A_996 : memref<101376x64xf32, #tpu.memory_space<hbm>>) target(%dma_start3A_990 : memref<64x64xf32, #tpu.memory_space<vmem>>) offsets(%dma_start3A_993 : memref<64xi32, #tpu.memory_space<vmem>>) semaphore(%arg23 : memref<!tpu.dma_semaphore, #tpu.memory_space<semaphore_mem>>)
        %mul3A_997 = arith.constant 64 : i32
        %mul3A_998 = arith.muli %add3A_978, %mul3A_997 : i32
        %jit3A_999 = arith.constant 128 : i32
        %div3A_1000 = arith.divsi %mul3A_998, %jit3A_999 : i32
        %sign3A_1001 = arith.constant 0 : i32
        %sign3A_1002 = arith.cmpi sgt, %mul3A_998, %sign3A_1001 : i32
        %sign3A_1003 = arith.extui %sign3A_1002 : i1 to i32
        %sign3A_1004 = arith.constant 0 : i32
        %sign3A_1005 = arith.cmpi slt, %mul3A_998, %sign3A_1004 : i32
        %sign3A_1006 = arith.extui %sign3A_1005 : i1 to i32
        %sign3A_1007 = arith.subi %sign3A_1003, %sign3A_1006 : i32
        %sign3A_1008 = arith.constant 0 : i32
        %sign3A_1009 = arith.cmpi sgt, %jit3A_999, %sign3A_1008 : i32
        %sign3A_1010 = arith.extui %sign3A_1009 : i1 to i32
        %sign3A_1011 = arith.constant 0 : i32
        %sign3A_1012 = arith.cmpi slt, %jit3A_999, %sign3A_1011 : i32
        %sign3A_1013 = arith.extui %sign3A_1012 : i1 to i32
        %sign3A_1014 = arith.subi %sign3A_1010, %sign3A_1013 : i32
        %ne3A_1015 = arith.cmpi ne, %sign3A_1007, %sign3A_1014 : i32
        %rem3A_1016 = arith.remsi %mul3A_998, %jit3A_999 : i32
        %ne3A_1017 = arith.constant 0 : i32
        %ne3A_1018 = arith.cmpi ne, %rem3A_1016, %ne3A_1017 : i32
        %and3A_1019 = arith.andi %ne3A_1015, %ne3A_1018 : i1
        %sub3A_1020 = arith.constant 1 : i32
        %sub3A_1021 = arith.subi %div3A_1000, %sub3A_1020 : i32
        %select_n3A_1022 = arith.select %and3A_1019, %sub3A_1021, %div3A_1000 : i32
        %mul3A_1023 = arith.constant 64 : i32
        %mul3A_1024 = arith.muli %add3A_978, %mul3A_1023 : i32
        %jit3A_1025 = arith.constant 128 : i32
        %eq3A_1026 = arith.constant 0 : i32
        %eq3A_1027 = arith.cmpi eq, %jit3A_1025, %eq3A_1026 : i32
        %jit3A_1028 = arith.constant 1 : i32
        %select_n3A_1029 = arith.select %eq3A_1027, %jit3A_1028, %jit3A_1025 : i32
        %rem3A_1030 = arith.remsi %mul3A_1024, %select_n3A_1029 : i32
        %ne3A_1031 = arith.constant 0 : i32
        %ne3A_1032 = arith.cmpi ne, %rem3A_1030, %ne3A_1031 : i32
        %lt3A_1033 = arith.constant 0 : i32
        %lt3A_1034 = arith.cmpi slt, %rem3A_1030, %lt3A_1033 : i32
        %lt3A_1035 = arith.constant 0 : i32
        %lt3A_1036 = arith.cmpi slt, %select_n3A_1029, %lt3A_1035 : i32
        %ne3A_1037 = arith.xori %lt3A_1034, %lt3A_1036 : i1
        %and3A_1038 = arith.andi %ne3A_1037, %ne3A_1032 : i1
        %add3A_1039 = arith.addi %rem3A_1030, %select_n3A_1029 : i32
        %select_n3A_1040 = arith.select %and3A_1038, %add3A_1039, %rem3A_1030 : i32
        %dma_start3A_1041 = tpu.memref_slice %arg4[%select_n3A_1022, %select_n3A_1040] : memref<100x128xf32, #tpu.memory_space<hbm>> -> memref<1x64xf32, #tpu.memory_space<hbm>>
        %dma_start3A_1042 = tpu.memref_squeeze %dma_start3A_1041 : memref<1x64xf32, #tpu.memory_space<hbm>> -> memref<64xf32, #tpu.memory_space<hbm>>
        %dma_start3A_1043 = tpu.memref_slice %arg4[%select_n3A_1022, %select_n3A_1040] : memref<100x128xf32, #tpu.memory_space<hbm>> -> memref<1x64xf32, #tpu.memory_space<hbm>>
        %dma_start3A_1044 = tpu.memref_squeeze %dma_start3A_1043 : memref<1x64xf32, #tpu.memory_space<hbm>> -> memref<64xf32, #tpu.memory_space<hbm>>
        tpu.enqueue_dma source(%dma_start3A_1044 : memref<64xf32, #tpu.memory_space<hbm>>) target(%arg8 : memref<64xf32, #tpu.memory_space<vmem>>) target_semaphore(%arg23 : memref<!tpu.dma_semaphore, #tpu.memory_space<semaphore_mem>>)
      } else {
      }
      %dma_wait3A_655 = arith.constant 0 : i32
      %dma_wait3A_656 = arith.constant 0 : i32
      %dma_wait3A_657 = tpu.memref_slice %arg14[%dma_wait3A_655, %dma_wait3A_656] : memref<128x64xf32, #tpu.memory_space<vmem>> -> memref<64x64xf32, #tpu.memory_space<vmem>>
      %dma_wait3A_658 = arith.constant 0 : i32
      %dma_wait3A_659 = tpu.memref_slice %arg6[%add3A_647, %dma_wait3A_658] : memref<200x128xi32, #tpu.memory_space<vmem>> -> memref<1x64xi32, #tpu.memory_space<vmem>>
      %dma_wait3A_660 = tpu.memref_squeeze %dma_wait3A_659 : memref<1x64xi32, #tpu.memory_space<vmem>> -> memref<64xi32, #tpu.memory_space<vmem>>
      %dma_wait3A_661 = arith.constant 0 : i32
      %dma_wait3A_662 = arith.constant 0 : i32
      %dma_wait3A_663 = tpu.memref_slice %arg3[%dma_wait3A_661, %dma_wait3A_662] : memref<101376x64xf32, #tpu.memory_space<hbm>> -> memref<101376x64xf32, #tpu.memory_space<hbm>>
      tpu.wait_indirect_dma semaphore(%arg24 : memref<!tpu.dma_semaphore, #tpu.memory_space<semaphore_mem>>) src(%dma_wait3A_663 : memref<101376x64xf32, #tpu.memory_space<hbm>>) dst(%dma_wait3A_657 : memref<64x64xf32, #tpu.memory_space<vmem>>)
      %dma_wait3A_664 = arith.constant 64 : i32
      %dma_wait3A_665 = arith.constant 0 : i32
      %dma_wait3A_666 = tpu.memref_slice %arg14[%dma_wait3A_664, %dma_wait3A_665] : memref<128x64xf32, #tpu.memory_space<vmem>> -> memref<64x64xf32, #tpu.memory_space<vmem>>
      %dma_wait3A_667 = arith.constant 64 : i32
      %dma_wait3A_668 = tpu.memref_slice %arg6[%add3A_647, %dma_wait3A_667] : memref<200x128xi32, #tpu.memory_space<vmem>> -> memref<1x64xi32, #tpu.memory_space<vmem>>
      %dma_wait3A_669 = tpu.memref_squeeze %dma_wait3A_668 : memref<1x64xi32, #tpu.memory_space<vmem>> -> memref<64xi32, #tpu.memory_space<vmem>>
      %dma_wait3A_670 = arith.constant 0 : i32
      %dma_wait3A_671 = arith.constant 0 : i32
      %dma_wait3A_672 = tpu.memref_slice %arg3[%dma_wait3A_670, %dma_wait3A_671] : memref<101376x64xf32, #tpu.memory_space<hbm>> -> memref<101376x64xf32, #tpu.memory_space<hbm>>
      tpu.wait_indirect_dma semaphore(%arg24 : memref<!tpu.dma_semaphore, #tpu.memory_space<semaphore_mem>>) src(%dma_wait3A_672 : memref<101376x64xf32, #tpu.memory_space<hbm>>) dst(%dma_wait3A_666 : memref<64x64xf32, #tpu.memory_space<vmem>>)
      %mul3A_673 = arith.constant 64 : i32
      %mul3A_674 = arith.muli %add3A_647, %mul3A_673 : i32
      %jit3A_675 = arith.constant 128 : i32
      %div3A_676 = arith.divsi %mul3A_674, %jit3A_675 : i32
      %sign3A_677 = arith.constant 0 : i32
      %sign3A_678 = arith.cmpi sgt, %mul3A_674, %sign3A_677 : i32
      %sign3A_679 = arith.extui %sign3A_678 : i1 to i32
      %sign3A_680 = arith.constant 0 : i32
      %sign3A_681 = arith.cmpi slt, %mul3A_674, %sign3A_680 : i32
      %sign3A_682 = arith.extui %sign3A_681 : i1 to i32
      %sign3A_683 = arith.subi %sign3A_679, %sign3A_682 : i32
      %sign3A_684 = arith.constant 0 : i32
      %sign3A_685 = arith.cmpi sgt, %jit3A_675, %sign3A_684 : i32
      %sign3A_686 = arith.extui %sign3A_685 : i1 to i32
      %sign3A_687 = arith.constant 0 : i32
      %sign3A_688 = arith.cmpi slt, %jit3A_675, %sign3A_687 : i32
      %sign3A_689 = arith.extui %sign3A_688 : i1 to i32
      %sign3A_690 = arith.subi %sign3A_686, %sign3A_689 : i32
      %ne3A_691 = arith.cmpi ne, %sign3A_683, %sign3A_690 : i32
      %rem3A_692 = arith.remsi %mul3A_674, %jit3A_675 : i32
      %ne3A_693 = arith.constant 0 : i32
      %ne3A_694 = arith.cmpi ne, %rem3A_692, %ne3A_693 : i32
      %and3A_695 = arith.andi %ne3A_691, %ne3A_694 : i1
      %sub3A_696 = arith.constant 1 : i32
      %sub3A_697 = arith.subi %div3A_676, %sub3A_696 : i32
      %select_n3A_698 = arith.select %and3A_695, %sub3A_697, %div3A_676 : i32
      %mul3A_699 = arith.constant 64 : i32
      %mul3A_700 = arith.muli %add3A_647, %mul3A_699 : i32
      %jit3A_701 = arith.constant 128 : i32
      %eq3A_702 = arith.constant 0 : i32
      %eq3A_703 = arith.cmpi eq, %jit3A_701, %eq3A_702 : i32
      %jit3A_704 = arith.constant 1 : i32
      %select_n3A_705 = arith.select %eq3A_703, %jit3A_704, %jit3A_701 : i32
      %rem3A_706 = arith.remsi %mul3A_700, %select_n3A_705 : i32
      %ne3A_707 = arith.constant 0 : i32
      %ne3A_708 = arith.cmpi ne, %rem3A_706, %ne3A_707 : i32
      %lt3A_709 = arith.constant 0 : i32
      %lt3A_710 = arith.cmpi slt, %rem3A_706, %lt3A_709 : i32
      %lt3A_711 = arith.constant 0 : i32
      %lt3A_712 = arith.cmpi slt, %select_n3A_705, %lt3A_711 : i32
      %ne3A_713 = arith.xori %lt3A_710, %lt3A_712 : i1
      %and3A_714 = arith.andi %ne3A_713, %ne3A_708 : i1
      %add3A_715 = arith.addi %rem3A_706, %select_n3A_705 : i32
      %select_n3A_716 = arith.select %and3A_714, %add3A_715, %rem3A_706 : i32
      %dma_wait3A_717 = tpu.memref_slice %arg4[%select_n3A_698, %select_n3A_716] : memref<100x128xf32, #tpu.memory_space<hbm>> -> memref<1x64xf32, #tpu.memory_space<hbm>>
      %dma_wait3A_718 = tpu.memref_squeeze %dma_wait3A_717 : memref<1x64xf32, #tpu.memory_space<hbm>> -> memref<64xf32, #tpu.memory_space<hbm>>
      %dma_wait3A_719 = tpu.memref_slice %arg4[%select_n3A_698, %select_n3A_716] : memref<100x128xf32, #tpu.memory_space<hbm>> -> memref<1x64xf32, #tpu.memory_space<hbm>>
      %dma_wait3A_720 = tpu.memref_squeeze %dma_wait3A_719 : memref<1x64xf32, #tpu.memory_space<hbm>> -> memref<64xf32, #tpu.memory_space<hbm>>
      tpu.wait_dma2 semaphore(%arg24 : memref<!tpu.dma_semaphore, #tpu.memory_space<semaphore_mem>>) src(%dma_wait3A_720 : memref<64xf32, #tpu.memory_space<hbm>>) dst(%arg9 : memref<64xf32, #tpu.memory_space<vmem>>)
      %ge3A_721 = arith.constant 5 : i32
      %ge3A_722 = arith.cmpi sge, %add3A_647, %ge3A_721 : i32
      %convert_element_type3A_723 = arith.extui %ge3A_722 : i1 to i32
      %cond3A_724 = arith.constant 0 : i32
      %cond3A_725 = arith.cmpi ne, %convert_element_type3A_723, %cond3A_724 : i32
      scf.if %cond3A_725 {
        %sub3A_977 = arith.constant 5 : i32
        %sub3A_978 = arith.subi %add3A_647, %sub3A_977 : i32
        %dma_wait3A_979 = arith.constant 0 : i32
        %dma_wait3A_980 = arith.constant 0 : i32
        %dma_wait3A_981 = arith.constant 0 : i32
        %dma_wait3A_982 = tpu.memref_slice %arg19[%dma_wait3A_979, %dma_wait3A_980, %dma_wait3A_981] : memref<8x8x129xf32, #tpu.memory_space<vmem>> -> memref<8x8x128xf32, #tpu.memory_space<vmem>>
        %dma_wait3A_983 = arith.constant 0 : i32
        %dma_wait3A_984 = arith.constant 0 : i32
        %dma_wait3A_985 = arith.constant 0 : i32
        %dma_wait3A_986 = tpu.memref_slice %arg5[%sub3A_978, %dma_wait3A_983, %add3A, %dma_wait3A_984, %dma_wait3A_985] : memref<200x8x32x8x128xf32, #tpu.memory_space<hbm>> -> memref<1x8x1x8x128xf32, #tpu.memory_space<hbm>>
        %dma_wait3A_987 = tpu.memref_squeeze %dma_wait3A_986 : memref<1x8x1x8x128xf32, #tpu.memory_space<hbm>> -> memref<8x8x128xf32, #tpu.memory_space<hbm>>
        %dma_wait3A_988 = arith.constant 0 : i32
        %dma_wait3A_989 = arith.constant 0 : i32
        %dma_wait3A_990 = arith.constant 0 : i32
        %dma_wait3A_991 = tpu.memref_slice %arg5[%sub3A_978, %dma_wait3A_988, %add3A, %dma_wait3A_989, %dma_wait3A_990] : memref<200x8x32x8x128xf32, #tpu.memory_space<hbm>> -> memref<1x8x1x8x128xf32, #tpu.memory_space<hbm>>
        %dma_wait3A_992 = tpu.memref_squeeze %dma_wait3A_991 : memref<1x8x1x8x128xf32, #tpu.memory_space<hbm>> -> memref<8x8x128xf32, #tpu.memory_space<hbm>>
        %dma_wait3A_993 = arith.constant 0 : i32
        %dma_wait3A_994 = arith.constant 0 : i32
        %dma_wait3A_995 = arith.constant 0 : i32
        %dma_wait3A_996 = tpu.memref_slice %arg19[%dma_wait3A_993, %dma_wait3A_994, %dma_wait3A_995] : memref<8x8x129xf32, #tpu.memory_space<vmem>> -> memref<8x8x128xf32, #tpu.memory_space<vmem>>
        tpu.wait_dma2 semaphore(%arg29 : memref<!tpu.dma_semaphore, #tpu.memory_space<semaphore_mem>>) src(%dma_wait3A_996 : memref<8x8x128xf32, #tpu.memory_space<vmem>>) dst(%dma_wait3A_992 : memref<8x8x128xf32, #tpu.memory_space<hbm>>)
      } else {
      }
      %get3A_726 = arith.constant 0 : index
      %get3A_727 = tpu.vector_load %arg9[%get3A_726] {strides = array<i32>} : memref<64xf32, #tpu.memory_space<vmem>>, vector<16xf32>,
      %get3A_728 = arith.constant 16 : index
      %get3A_729 = tpu.vector_load %arg9[%get3A_728] {strides = array<i32>} : memref<64xf32, #tpu.memory_space<vmem>>, vector<16xf32>,
      %get3A_730 = arith.constant 32 : index
      %get3A_731 = tpu.vector_load %arg9[%get3A_730] {strides = array<i32>} : memref<64xf32, #tpu.memory_space<vmem>>, vector<16xf32>,
      %get3A_732 = arith.constant 48 : index
      %get3A_733 = tpu.vector_load %arg9[%get3A_732] {strides = array<i32>} : memref<64xf32, #tpu.memory_space<vmem>>, vector<16xf32>,
      %parallel_loop3A_734 = arith.constant 0 : i32
      %parallel_loop3A_735 = arith.constant 128 : i32
      %parallel_loop3A_736 = arith.constant 1 : i32
      scf.for %parallel_loop3A_977 = %parallel_loop3A_734 to %parallel_loop3A_735 step %parallel_loop3A_736  : i32 {
        %parallel_loop3A_978 = vector.broadcast %parallel_loop3A_977 : i32 to vector<16xi32>
        %parallel_loop3A_979 = arith.index_cast %parallel_loop3A_977 : i32 to index
        %parallel_loop3A_980 = arith.constant 0 : index
        %parallel_loop3A_981 = tpu.vector_load %arg14[%parallel_loop3A_979, %parallel_loop3A_980] {strides = array<i32>} : memref<128x64xf32, #tpu.memory_space<vmem>>, vector<16xf32>,
        %parallel_loop3A_982 = arith.addf %parallel_loop3A_981, %get3A_727 : vector<16xf32>
        tpu.vector_store_idx %arg19[%select_n3A, %select_n3A_152, %parallel_loop3A_978], %parallel_loop3A_982 : memref<8x8x129xf32, #tpu.memory_space<vmem>>[vector<16xi32>, vector<16xi32>, vector<16xi32>], vector<16xf32>,
        %parallel_loop3A_983 = arith.index_cast %parallel_loop3A_977 : i32 to index
        %parallel_loop3A_984 = arith.constant 16 : index
        %parallel_loop3A_985 = tpu.vector_load %arg14[%parallel_loop3A_983, %parallel_loop3A_984] {strides = array<i32>} : memref<128x64xf32, #tpu.memory_space<vmem>>, vector<16xf32>,
        %parallel_loop3A_986 = arith.addf %parallel_loop3A_985, %get3A_729 : vector<16xf32>
        tpu.vector_store_idx %arg19[%select_n3A_70, %select_n3A_174, %parallel_loop3A_978], %parallel_loop3A_986 : memref<8x8x129xf32, #tpu.memory_space<vmem>>[vector<16xi32>, vector<16xi32>, vector<16xi32>], vector<16xf32>,
        %parallel_loop3A_987 = arith.index_cast %parallel_loop3A_977 : i32 to index
        %parallel_loop3A_988 = arith.constant 32 : index
        %parallel_loop3A_989 = tpu.vector_load %arg14[%parallel_loop3A_987, %parallel_loop3A_988] {strides = array<i32>} : memref<128x64xf32, #tpu.memory_space<vmem>>, vector<16xf32>,
        %parallel_loop3A_990 = arith.addf %parallel_loop3A_989, %get3A_731 : vector<16xf32>
        tpu.vector_store_idx %arg19[%select_n3A_101, %select_n3A_196, %parallel_loop3A_978], %parallel_loop3A_990 : memref<8x8x129xf32, #tpu.memory_space<vmem>>[vector<16xi32>, vector<16xi32>, vector<16xi32>], vector<16xf32>,
        %parallel_loop3A_991 = arith.index_cast %parallel_loop3A_977 : i32 to index
        %parallel_loop3A_992 = arith.constant 48 : index
        %parallel_loop3A_993 = tpu.vector_load %arg14[%parallel_loop3A_991, %parallel_loop3A_992] {strides = array<i32>} : memref<128x64xf32, #tpu.memory_space<vmem>>, vector<16xf32>,
        %parallel_loop3A_994 = arith.addf %parallel_loop3A_993, %get3A_733 : vector<16xf32>
        tpu.vector_store_idx %arg19[%select_n3A_132, %select_n3A_218, %parallel_loop3A_978], %parallel_loop3A_994 : memref<8x8x129xf32, #tpu.memory_space<vmem>>[vector<16xi32>, vector<16xi32>, vector<16xi32>], vector<16xf32>,
      } {sc.loop_unroll_factor = 1 : i64, sc.parallel_access}
      %dma_start3A_737 = arith.constant 0 : i32
      %dma_start3A_738 = arith.constant 0 : i32
      %dma_start3A_739 = arith.constant 0 : i32
      %dma_start3A_740 = tpu.memref_slice %arg19[%dma_start3A_737, %dma_start3A_738, %dma_start3A_739] : memref<8x8x129xf32, #tpu.memory_space<vmem>> -> memref<8x8x128xf32, #tpu.memory_space<vmem>>
      %dma_start3A_741 = arith.constant 0 : i32
      %dma_start3A_742 = arith.constant 0 : i32
      %dma_start3A_743 = arith.constant 0 : i32
      %dma_start3A_744 = tpu.memref_slice %arg5[%add3A_647, %dma_start3A_741, %add3A, %dma_start3A_742, %dma_start3A_743] : memref<200x8x32x8x128xf32, #tpu.memory_space<hbm>> -> memref<1x8x1x8x128xf32, #tpu.memory_space<hbm>>
      %dma_start3A_745 = tpu.memref_squeeze %dma_start3A_744 : memref<1x8x1x8x128xf32, #tpu.memory_space<hbm>> -> memref<8x8x128xf32, #tpu.memory_space<hbm>>
      %dma_start3A_746 = arith.constant 0 : i32
      %dma_start3A_747 = arith.constant 0 : i32
      %dma_start3A_748 = arith.constant 0 : i32
      %dma_start3A_749 = tpu.memref_slice %arg5[%add3A_647, %dma_start3A_746, %add3A, %dma_start3A_747, %dma_start3A_748] : memref<200x8x32x8x128xf32, #tpu.memory_space<hbm>> -> memref<1x8x1x8x128xf32, #tpu.memory_space<hbm>>
      %dma_start3A_750 = tpu.memref_squeeze %dma_start3A_749 : memref<1x8x1x8x128xf32, #tpu.memory_space<hbm>> -> memref<8x8x128xf32, #tpu.memory_space<hbm>>
      %dma_start3A_751 = arith.constant 0 : i32
      %dma_start3A_752 = arith.constant 0 : i32
      %dma_start3A_753 = arith.constant 0 : i32
      %dma_start3A_754 = tpu.memref_slice %arg19[%dma_start3A_751, %dma_start3A_752, %dma_start3A_753] : memref<8x8x129xf32, #tpu.memory_space<vmem>> -> memref<8x8x128xf32, #tpu.memory_space<vmem>>
      tpu.enqueue_dma source(%dma_start3A_754 : memref<8x8x128xf32, #tpu.memory_space<vmem>>) target(%dma_start3A_750 : memref<8x8x128xf32, #tpu.memory_space<hbm>>) target_semaphore(%arg29 : memref<!tpu.dma_semaphore, #tpu.memory_space<semaphore_mem>>)
      %mul3A_755 = arith.constant 5 : i32
      %mul3A_756 = arith.muli %scan3A_425, %mul3A_755 : i32
      %add3A_757 = arith.constant 3 : i32
      %add3A_758 = arith.addi %mul3A_756, %add3A_757 : i32
      %add3A_759 = arith.constant 4 : i32
      %add3A_760 = arith.addi %add3A_758, %add3A_759 : i32
      %lt3A_761 = arith.constant 200 : i32
      %lt3A_762 = arith.cmpi slt, %add3A_760, %lt3A_761 : i32
      %convert_element_type3A_763 = arith.extui %lt3A_762 : i1 to i32
      %cond3A_764 = arith.constant 0 : i32
      %cond3A_765 = arith.cmpi ne, %convert_element_type3A_763, %cond3A_764 : i32
      scf.if %cond3A_765 {
        %add3A_977 = arith.constant 4 : i32
        %add3A_978 = arith.addi %add3A_758, %add3A_977 : i32
        %dma_start3A_979 = arith.constant 0 : i32
        %dma_start3A_980 = arith.constant 0 : i32
        %dma_start3A_981 = tpu.memref_slice %arg14[%dma_start3A_979, %dma_start3A_980] : memref<128x64xf32, #tpu.memory_space<vmem>> -> memref<64x64xf32, #tpu.memory_space<vmem>>
        %dma_start3A_982 = arith.constant 0 : i32
        %dma_start3A_983 = tpu.memref_slice %arg6[%add3A_978, %dma_start3A_982] : memref<200x128xi32, #tpu.memory_space<vmem>> -> memref<1x64xi32, #tpu.memory_space<vmem>>
        %dma_start3A_984 = tpu.memref_squeeze %dma_start3A_983 : memref<1x64xi32, #tpu.memory_space<vmem>> -> memref<64xi32, #tpu.memory_space<vmem>>
        %dma_start3A_985 = arith.constant 0 : i32
        %dma_start3A_986 = arith.constant 0 : i32
        %dma_start3A_987 = tpu.memref_slice %arg3[%dma_start3A_985, %dma_start3A_986] : memref<101376x64xf32, #tpu.memory_space<hbm>> -> memref<101376x64xf32, #tpu.memory_space<hbm>>
        tpu.enqueue_indirect_dma source(%dma_start3A_987 : memref<101376x64xf32, #tpu.memory_space<hbm>>) target(%dma_start3A_981 : memref<64x64xf32, #tpu.memory_space<vmem>>) offsets(%dma_start3A_984 : memref<64xi32, #tpu.memory_space<vmem>>) semaphore(%arg24 : memref<!tpu.dma_semaphore, #tpu.memory_space<semaphore_mem>>)
        %dma_start3A_988 = arith.constant 64 : i32
        %dma_start3A_989 = arith.constant 0 : i32
        %dma_start3A_990 = tpu.memref_slice %arg14[%dma_start3A_988, %dma_start3A_989] : memref<128x64xf32, #tpu.memory_space<vmem>> -> memref<64x64xf32, #tpu.memory_space<vmem>>
        %dma_start3A_991 = arith.constant 64 : i32
        %dma_start3A_992 = tpu.memref_slice %arg6[%add3A_978, %dma_start3A_991] : memref<200x128xi32, #tpu.memory_space<vmem>> -> memref<1x64xi32, #tpu.memory_space<vmem>>
        %dma_start3A_993 = tpu.memref_squeeze %dma_start3A_992 : memref<1x64xi32, #tpu.memory_space<vmem>> -> memref<64xi32, #tpu.memory_space<vmem>>
        %dma_start3A_994 = arith.constant 0 : i32
        %dma_start3A_995 = arith.constant 0 : i32
        %dma_start3A_996 = tpu.memref_slice %arg3[%dma_start3A_994, %dma_start3A_995] : memref<101376x64xf32, #tpu.memory_space<hbm>> -> memref<101376x64xf32, #tpu.memory_space<hbm>>
        tpu.enqueue_indirect_dma source(%dma_start3A_996 : memref<101376x64xf32, #tpu.memory_space<hbm>>) target(%dma_start3A_990 : memref<64x64xf32, #tpu.memory_space<vmem>>) offsets(%dma_start3A_993 : memref<64xi32, #tpu.memory_space<vmem>>) semaphore(%arg24 : memref<!tpu.dma_semaphore, #tpu.memory_space<semaphore_mem>>)
        %mul3A_997 = arith.constant 64 : i32
        %mul3A_998 = arith.muli %add3A_978, %mul3A_997 : i32
        %jit3A_999 = arith.constant 128 : i32
        %div3A_1000 = arith.divsi %mul3A_998, %jit3A_999 : i32
        %sign3A_1001 = arith.constant 0 : i32
        %sign3A_1002 = arith.cmpi sgt, %mul3A_998, %sign3A_1001 : i32
        %sign3A_1003 = arith.extui %sign3A_1002 : i1 to i32
        %sign3A_1004 = arith.constant 0 : i32
        %sign3A_1005 = arith.cmpi slt, %mul3A_998, %sign3A_1004 : i32
        %sign3A_1006 = arith.extui %sign3A_1005 : i1 to i32
        %sign3A_1007 = arith.subi %sign3A_1003, %sign3A_1006 : i32
        %sign3A_1008 = arith.constant 0 : i32
        %sign3A_1009 = arith.cmpi sgt, %jit3A_999, %sign3A_1008 : i32
        %sign3A_1010 = arith.extui %sign3A_1009 : i1 to i32
        %sign3A_1011 = arith.constant 0 : i32
        %sign3A_1012 = arith.cmpi slt, %jit3A_999, %sign3A_1011 : i32
        %sign3A_1013 = arith.extui %sign3A_1012 : i1 to i32
        %sign3A_1014 = arith.subi %sign3A_1010, %sign3A_1013 : i32
        %ne3A_1015 = arith.cmpi ne, %sign3A_1007, %sign3A_1014 : i32
        %rem3A_1016 = arith.remsi %mul3A_998, %jit3A_999 : i32
        %ne3A_1017 = arith.constant 0 : i32
        %ne3A_1018 = arith.cmpi ne, %rem3A_1016, %ne3A_1017 : i32
        %and3A_1019 = arith.andi %ne3A_1015, %ne3A_1018 : i1
        %sub3A_1020 = arith.constant 1 : i32
        %sub3A_1021 = arith.subi %div3A_1000, %sub3A_1020 : i32
        %select_n3A_1022 = arith.select %and3A_1019, %sub3A_1021, %div3A_1000 : i32
        %mul3A_1023 = arith.constant 64 : i32
        %mul3A_1024 = arith.muli %add3A_978, %mul3A_1023 : i32
        %jit3A_1025 = arith.constant 128 : i32
        %eq3A_1026 = arith.constant 0 : i32
        %eq3A_1027 = arith.cmpi eq, %jit3A_1025, %eq3A_1026 : i32
        %jit3A_1028 = arith.constant 1 : i32
        %select_n3A_1029 = arith.select %eq3A_1027, %jit3A_1028, %jit3A_1025 : i32
        %rem3A_1030 = arith.remsi %mul3A_1024, %select_n3A_1029 : i32
        %ne3A_1031 = arith.constant 0 : i32
        %ne3A_1032 = arith.cmpi ne, %rem3A_1030, %ne3A_1031 : i32
        %lt3A_1033 = arith.constant 0 : i32
        %lt3A_1034 = arith.cmpi slt, %rem3A_1030, %lt3A_1033 : i32
        %lt3A_1035 = arith.constant 0 : i32
        %lt3A_1036 = arith.cmpi slt, %select_n3A_1029, %lt3A_1035 : i32
        %ne3A_1037 = arith.xori %lt3A_1034, %lt3A_1036 : i1
        %and3A_1038 = arith.andi %ne3A_1037, %ne3A_1032 : i1
        %add3A_1039 = arith.addi %rem3A_1030, %select_n3A_1029 : i32
        %select_n3A_1040 = arith.select %and3A_1038, %add3A_1039, %rem3A_1030 : i32
        %dma_start3A_1041 = tpu.memref_slice %arg4[%select_n3A_1022, %select_n3A_1040] : memref<100x128xf32, #tpu.memory_space<hbm>> -> memref<1x64xf32, #tpu.memory_space<hbm>>
        %dma_start3A_1042 = tpu.memref_squeeze %dma_start3A_1041 : memref<1x64xf32, #tpu.memory_space<hbm>> -> memref<64xf32, #tpu.memory_space<hbm>>
        %dma_start3A_1043 = tpu.memref_slice %arg4[%select_n3A_1022, %select_n3A_1040] : memref<100x128xf32, #tpu.memory_space<hbm>> -> memref<1x64xf32, #tpu.memory_space<hbm>>
        %dma_start3A_1044 = tpu.memref_squeeze %dma_start3A_1043 : memref<1x64xf32, #tpu.memory_space<hbm>> -> memref<64xf32, #tpu.memory_space<hbm>>
        tpu.enqueue_dma source(%dma_start3A_1044 : memref<64xf32, #tpu.memory_space<hbm>>) target(%arg9 : memref<64xf32, #tpu.memory_space<vmem>>) target_semaphore(%arg24 : memref<!tpu.dma_semaphore, #tpu.memory_space<semaphore_mem>>)
      } else {
      }
      %dma_wait3A_766 = arith.constant 0 : i32
      %dma_wait3A_767 = arith.constant 0 : i32
      %dma_wait3A_768 = tpu.memref_slice %arg15[%dma_wait3A_766, %dma_wait3A_767] : memref<128x64xf32, #tpu.memory_space<vmem>> -> memref<64x64xf32, #tpu.memory_space<vmem>>
      %dma_wait3A_769 = arith.constant 0 : i32
      %dma_wait3A_770 = tpu.memref_slice %arg6[%add3A_758, %dma_wait3A_769] : memref<200x128xi32, #tpu.memory_space<vmem>> -> memref<1x64xi32, #tpu.memory_space<vmem>>
      %dma_wait3A_771 = tpu.memref_squeeze %dma_wait3A_770 : memref<1x64xi32, #tpu.memory_space<vmem>> -> memref<64xi32, #tpu.memory_space<vmem>>
      %dma_wait3A_772 = arith.constant 0 : i32
      %dma_wait3A_773 = arith.constant 0 : i32
      %dma_wait3A_774 = tpu.memref_slice %arg3[%dma_wait3A_772, %dma_wait3A_773] : memref<101376x64xf32, #tpu.memory_space<hbm>> -> memref<101376x64xf32, #tpu.memory_space<hbm>>
      tpu.wait_indirect_dma semaphore(%arg25 : memref<!tpu.dma_semaphore, #tpu.memory_space<semaphore_mem>>) src(%dma_wait3A_774 : memref<101376x64xf32, #tpu.memory_space<hbm>>) dst(%dma_wait3A_768 : memref<64x64xf32, #tpu.memory_space<vmem>>)
      %dma_wait3A_775 = arith.constant 64 : i32
      %dma_wait3A_776 = arith.constant 0 : i32
      %dma_wait3A_777 = tpu.memref_slice %arg15[%dma_wait3A_775, %dma_wait3A_776] : memref<128x64xf32, #tpu.memory_space<vmem>> -> memref<64x64xf32, #tpu.memory_space<vmem>>
      %dma_wait3A_778 = arith.constant 64 : i32
      %dma_wait3A_779 = tpu.memref_slice %arg6[%add3A_758, %dma_wait3A_778] : memref<200x128xi32, #tpu.memory_space<vmem>> -> memref<1x64xi32, #tpu.memory_space<vmem>>
      %dma_wait3A_780 = tpu.memref_squeeze %dma_wait3A_779 : memref<1x64xi32, #tpu.memory_space<vmem>> -> memref<64xi32, #tpu.memory_space<vmem>>
      %dma_wait3A_781 = arith.constant 0 : i32
      %dma_wait3A_782 = arith.constant 0 : i32
      %dma_wait3A_783 = tpu.memref_slice %arg3[%dma_wait3A_781, %dma_wait3A_782] : memref<101376x64xf32, #tpu.memory_space<hbm>> -> memref<101376x64xf32, #tpu.memory_space<hbm>>
      tpu.wait_indirect_dma semaphore(%arg25 : memref<!tpu.dma_semaphore, #tpu.memory_space<semaphore_mem>>) src(%dma_wait3A_783 : memref<101376x64xf32, #tpu.memory_space<hbm>>) dst(%dma_wait3A_777 : memref<64x64xf32, #tpu.memory_space<vmem>>)
      %mul3A_784 = arith.constant 64 : i32
      %mul3A_785 = arith.muli %add3A_758, %mul3A_784 : i32
      %jit3A_786 = arith.constant 128 : i32
      %div3A_787 = arith.divsi %mul3A_785, %jit3A_786 : i32
      %sign3A_788 = arith.constant 0 : i32
      %sign3A_789 = arith.cmpi sgt, %mul3A_785, %sign3A_788 : i32
      %sign3A_790 = arith.extui %sign3A_789 : i1 to i32
      %sign3A_791 = arith.constant 0 : i32
      %sign3A_792 = arith.cmpi slt, %mul3A_785, %sign3A_791 : i32
      %sign3A_793 = arith.extui %sign3A_792 : i1 to i32
      %sign3A_794 = arith.subi %sign3A_790, %sign3A_793 : i32
      %sign3A_795 = arith.constant 0 : i32
      %sign3A_796 = arith.cmpi sgt, %jit3A_786, %sign3A_795 : i32
      %sign3A_797 = arith.extui %sign3A_796 : i1 to i32
      %sign3A_798 = arith.constant 0 : i32
      %sign3A_799 = arith.cmpi slt, %jit3A_786, %sign3A_798 : i32
      %sign3A_800 = arith.extui %sign3A_799 : i1 to i32
      %sign3A_801 = arith.subi %sign3A_797, %sign3A_800 : i32
      %ne3A_802 = arith.cmpi ne, %sign3A_794, %sign3A_801 : i32
      %rem3A_803 = arith.remsi %mul3A_785, %jit3A_786 : i32
      %ne3A_804 = arith.constant 0 : i32
      %ne3A_805 = arith.cmpi ne, %rem3A_803, %ne3A_804 : i32
      %and3A_806 = arith.andi %ne3A_802, %ne3A_805 : i1
      %sub3A_807 = arith.constant 1 : i32
      %sub3A_808 = arith.subi %div3A_787, %sub3A_807 : i32
      %select_n3A_809 = arith.select %and3A_806, %sub3A_808, %div3A_787 : i32
      %mul3A_810 = arith.constant 64 : i32
      %mul3A_811 = arith.muli %add3A_758, %mul3A_810 : i32
      %jit3A_812 = arith.constant 128 : i32
      %eq3A_813 = arith.constant 0 : i32
      %eq3A_814 = arith.cmpi eq, %jit3A_812, %eq3A_813 : i32
      %jit3A_815 = arith.constant 1 : i32
      %select_n3A_816 = arith.select %eq3A_814, %jit3A_815, %jit3A_812 : i32
      %rem3A_817 = arith.remsi %mul3A_811, %select_n3A_816 : i32
      %ne3A_818 = arith.constant 0 : i32
      %ne3A_819 = arith.cmpi ne, %rem3A_817, %ne3A_818 : i32
      %lt3A_820 = arith.constant 0 : i32
      %lt3A_821 = arith.cmpi slt, %rem3A_817, %lt3A_820 : i32
      %lt3A_822 = arith.constant 0 : i32
      %lt3A_823 = arith.cmpi slt, %select_n3A_816, %lt3A_822 : i32
      %ne3A_824 = arith.xori %lt3A_821, %lt3A_823 : i1
      %and3A_825 = arith.andi %ne3A_824, %ne3A_819 : i1
      %add3A_826 = arith.addi %rem3A_817, %select_n3A_816 : i32
      %select_n3A_827 = arith.select %and3A_825, %add3A_826, %rem3A_817 : i32
      %dma_wait3A_828 = tpu.memref_slice %arg4[%select_n3A_809, %select_n3A_827] : memref<100x128xf32, #tpu.memory_space<hbm>> -> memref<1x64xf32, #tpu.memory_space<hbm>>
      %dma_wait3A_829 = tpu.memref_squeeze %dma_wait3A_828 : memref<1x64xf32, #tpu.memory_space<hbm>> -> memref<64xf32, #tpu.memory_space<hbm>>
      %dma_wait3A_830 = tpu.memref_slice %arg4[%select_n3A_809, %select_n3A_827] : memref<100x128xf32, #tpu.memory_space<hbm>> -> memref<1x64xf32, #tpu.memory_space<hbm>>
      %dma_wait3A_831 = tpu.memref_squeeze %dma_wait3A_830 : memref<1x64xf32, #tpu.memory_space<hbm>> -> memref<64xf32, #tpu.memory_space<hbm>>
      tpu.wait_dma2 semaphore(%arg25 : memref<!tpu.dma_semaphore, #tpu.memory_space<semaphore_mem>>) src(%dma_wait3A_831 : memref<64xf32, #tpu.memory_space<hbm>>) dst(%arg10 : memref<64xf32, #tpu.memory_space<vmem>>)
      %ge3A_832 = arith.constant 5 : i32
      %ge3A_833 = arith.cmpi sge, %add3A_758, %ge3A_832 : i32
      %convert_element_type3A_834 = arith.extui %ge3A_833 : i1 to i32
      %cond3A_835 = arith.constant 0 : i32
      %cond3A_836 = arith.cmpi ne, %convert_element_type3A_834, %cond3A_835 : i32
      scf.if %cond3A_836 {
        %sub3A_977 = arith.constant 5 : i32
        %sub3A_978 = arith.subi %add3A_758, %sub3A_977 : i32
        %dma_wait3A_979 = arith.constant 0 : i32
        %dma_wait3A_980 = arith.constant 0 : i32
        %dma_wait3A_981 = arith.constant 0 : i32
        %dma_wait3A_982 = tpu.memref_slice %arg20[%dma_wait3A_979, %dma_wait3A_980, %dma_wait3A_981] : memref<8x8x129xf32, #tpu.memory_space<vmem>> -> memref<8x8x128xf32, #tpu.memory_space<vmem>>
        %dma_wait3A_983 = arith.constant 0 : i32
        %dma_wait3A_984 = arith.constant 0 : i32
        %dma_wait3A_985 = arith.constant 0 : i32
        %dma_wait3A_986 = tpu.memref_slice %arg5[%sub3A_978, %dma_wait3A_983, %add3A, %dma_wait3A_984, %dma_wait3A_985] : memref<200x8x32x8x128xf32, #tpu.memory_space<hbm>> -> memref<1x8x1x8x128xf32, #tpu.memory_space<hbm>>
        %dma_wait3A_987 = tpu.memref_squeeze %dma_wait3A_986 : memref<1x8x1x8x128xf32, #tpu.memory_space<hbm>> -> memref<8x8x128xf32, #tpu.memory_space<hbm>>
        %dma_wait3A_988 = arith.constant 0 : i32
        %dma_wait3A_989 = arith.constant 0 : i32
        %dma_wait3A_990 = arith.constant 0 : i32
        %dma_wait3A_991 = tpu.memref_slice %arg5[%sub3A_978, %dma_wait3A_988, %add3A, %dma_wait3A_989, %dma_wait3A_990] : memref<200x8x32x8x128xf32, #tpu.memory_space<hbm>> -> memref<1x8x1x8x128xf32, #tpu.memory_space<hbm>>
        %dma_wait3A_992 = tpu.memref_squeeze %dma_wait3A_991 : memref<1x8x1x8x128xf32, #tpu.memory_space<hbm>> -> memref<8x8x128xf32, #tpu.memory_space<hbm>>
        %dma_wait3A_993 = arith.constant 0 : i32
        %dma_wait3A_994 = arith.constant 0 : i32
        %dma_wait3A_995 = arith.constant 0 : i32
        %dma_wait3A_996 = tpu.memref_slice %arg20[%dma_wait3A_993, %dma_wait3A_994, %dma_wait3A_995] : memref<8x8x129xf32, #tpu.memory_space<vmem>> -> memref<8x8x128xf32, #tpu.memory_space<vmem>>
        tpu.wait_dma2 semaphore(%arg30 : memref<!tpu.dma_semaphore, #tpu.memory_space<semaphore_mem>>) src(%dma_wait3A_996 : memref<8x8x128xf32, #tpu.memory_space<vmem>>) dst(%dma_wait3A_992 : memref<8x8x128xf32, #tpu.memory_space<hbm>>)
      } else {
      }
      %get3A_837 = arith.constant 0 : index
      %get3A_838 = tpu.vector_load %arg10[%get3A_837] {strides = array<i32>} : memref<64xf32, #tpu.memory_space<vmem>>, vector<16xf32>,
      %get3A_839 = arith.constant 16 : index
      %get3A_840 = tpu.vector_load %arg10[%get3A_839] {strides = array<i32>} : memref<64xf32, #tpu.memory_space<vmem>>, vector<16xf32>,
      %get3A_841 = arith.constant 32 : index
      %get3A_842 = tpu.vector_load %arg10[%get3A_841] {strides = array<i32>} : memref<64xf32, #tpu.memory_space<vmem>>, vector<16xf32>,
      %get3A_843 = arith.constant 48 : index
      %get3A_844 = tpu.vector_load %arg10[%get3A_843] {strides = array<i32>} : memref<64xf32, #tpu.memory_space<vmem>>, vector<16xf32>,
      %parallel_loop3A_845 = arith.constant 0 : i32
      %parallel_loop3A_846 = arith.constant 128 : i32
      %parallel_loop3A_847 = arith.constant 1 : i32
      scf.for %parallel_loop3A_977 = %parallel_loop3A_845 to %parallel_loop3A_846 step %parallel_loop3A_847  : i32 {
        %parallel_loop3A_978 = vector.broadcast %parallel_loop3A_977 : i32 to vector<16xi32>
        %parallel_loop3A_979 = arith.index_cast %parallel_loop3A_977 : i32 to index
        %parallel_loop3A_980 = arith.constant 0 : index
        %parallel_loop3A_981 = tpu.vector_load %arg15[%parallel_loop3A_979, %parallel_loop3A_980] {strides = array<i32>} : memref<128x64xf32, #tpu.memory_space<vmem>>, vector<16xf32>,
        %parallel_loop3A_982 = arith.addf %parallel_loop3A_981, %get3A_838 : vector<16xf32>
        tpu.vector_store_idx %arg20[%select_n3A, %select_n3A_152, %parallel_loop3A_978], %parallel_loop3A_982 : memref<8x8x129xf32, #tpu.memory_space<vmem>>[vector<16xi32>, vector<16xi32>, vector<16xi32>], vector<16xf32>,
        %parallel_loop3A_983 = arith.index_cast %parallel_loop3A_977 : i32 to index
        %parallel_loop3A_984 = arith.constant 16 : index
        %parallel_loop3A_985 = tpu.vector_load %arg15[%parallel_loop3A_983, %parallel_loop3A_984] {strides = array<i32>} : memref<128x64xf32, #tpu.memory_space<vmem>>, vector<16xf32>,
        %parallel_loop3A_986 = arith.addf %parallel_loop3A_985, %get3A_840 : vector<16xf32>
        tpu.vector_store_idx %arg20[%select_n3A_70, %select_n3A_174, %parallel_loop3A_978], %parallel_loop3A_986 : memref<8x8x129xf32, #tpu.memory_space<vmem>>[vector<16xi32>, vector<16xi32>, vector<16xi32>], vector<16xf32>,
        %parallel_loop3A_987 = arith.index_cast %parallel_loop3A_977 : i32 to index
        %parallel_loop3A_988 = arith.constant 32 : index
        %parallel_loop3A_989 = tpu.vector_load %arg15[%parallel_loop3A_987, %parallel_loop3A_988] {strides = array<i32>} : memref<128x64xf32, #tpu.memory_space<vmem>>, vector<16xf32>,
        %parallel_loop3A_990 = arith.addf %parallel_loop3A_989, %get3A_842 : vector<16xf32>
        tpu.vector_store_idx %arg20[%select_n3A_101, %select_n3A_196, %parallel_loop3A_978], %parallel_loop3A_990 : memref<8x8x129xf32, #tpu.memory_space<vmem>>[vector<16xi32>, vector<16xi32>, vector<16xi32>], vector<16xf32>,
        %parallel_loop3A_991 = arith.index_cast %parallel_loop3A_977 : i32 to index
        %parallel_loop3A_992 = arith.constant 48 : index
        %parallel_loop3A_993 = tpu.vector_load %arg15[%parallel_loop3A_991, %parallel_loop3A_992] {strides = array<i32>} : memref<128x64xf32, #tpu.memory_space<vmem>>, vector<16xf32>,
        %parallel_loop3A_994 = arith.addf %parallel_loop3A_993, %get3A_844 : vector<16xf32>
        tpu.vector_store_idx %arg20[%select_n3A_132, %select_n3A_218, %parallel_loop3A_978], %parallel_loop3A_994 : memref<8x8x129xf32, #tpu.memory_space<vmem>>[vector<16xi32>, vector<16xi32>, vector<16xi32>], vector<16xf32>,
      } {sc.loop_unroll_factor = 1 : i64, sc.parallel_access}
      %dma_start3A_848 = arith.constant 0 : i32
      %dma_start3A_849 = arith.constant 0 : i32
      %dma_start3A_850 = arith.constant 0 : i32
      %dma_start3A_851 = tpu.memref_slice %arg20[%dma_start3A_848, %dma_start3A_849, %dma_start3A_850] : memref<8x8x129xf32, #tpu.memory_space<vmem>> -> memref<8x8x128xf32, #tpu.memory_space<vmem>>
      %dma_start3A_852 = arith.constant 0 : i32
      %dma_start3A_853 = arith.constant 0 : i32
      %dma_start3A_854 = arith.constant 0 : i32
      %dma_start3A_855 = tpu.memref_slice %arg5[%add3A_758, %dma_start3A_852, %add3A, %dma_start3A_853, %dma_start3A_854] : memref<200x8x32x8x128xf32, #tpu.memory_space<hbm>> -> memref<1x8x1x8x128xf32, #tpu.memory_space<hbm>>
      %dma_start3A_856 = tpu.memref_squeeze %dma_start3A_855 : memref<1x8x1x8x128xf32, #tpu.memory_space<hbm>> -> memref<8x8x128xf32, #tpu.memory_space<hbm>>
      %dma_start3A_857 = arith.constant 0 : i32
      %dma_start3A_858 = arith.constant 0 : i32
      %dma_start3A_859 = arith.constant 0 : i32
      %dma_start3A_860 = tpu.memref_slice %arg5[%add3A_758, %dma_start3A_857, %add3A, %dma_start3A_858, %dma_start3A_859] : memref<200x8x32x8x128xf32, #tpu.memory_space<hbm>> -> memref<1x8x1x8x128xf32, #tpu.memory_space<hbm>>
      %dma_start3A_861 = tpu.memref_squeeze %dma_start3A_860 : memref<1x8x1x8x128xf32, #tpu.memory_space<hbm>> -> memref<8x8x128xf32, #tpu.memory_space<hbm>>
      %dma_start3A_862 = arith.constant 0 : i32
      %dma_start3A_863 = arith.constant 0 : i32
      %dma_start3A_864 = arith.constant 0 : i32
      %dma_start3A_865 = tpu.memref_slice %arg20[%dma_start3A_862, %dma_start3A_863, %dma_start3A_864] : memref<8x8x129xf32, #tpu.memory_space<vmem>> -> memref<8x8x128xf32, #tpu.memory_space<vmem>>
      tpu.enqueue_dma source(%dma_start3A_865 : memref<8x8x128xf32, #tpu.memory_space<vmem>>) target(%dma_start3A_861 : memref<8x8x128xf32, #tpu.memory_space<hbm>>) target_semaphore(%arg30 : memref<!tpu.dma_semaphore, #tpu.memory_space<semaphore_mem>>)
      %mul3A_866 = arith.constant 5 : i32
      %mul3A_867 = arith.muli %scan3A_425, %mul3A_866 : i32
      %add3A_868 = arith.constant 4 : i32
      %add3A_869 = arith.addi %mul3A_867, %add3A_868 : i32
      %add3A_870 = arith.constant 4 : i32
      %add3A_871 = arith.addi %add3A_869, %add3A_870 : i32
      %lt3A_872 = arith.constant 200 : i32
      %lt3A_873 = arith.cmpi slt, %add3A_871, %lt3A_872 : i32
      %convert_element_type3A_874 = arith.extui %lt3A_873 : i1 to i32
      %cond3A_875 = arith.constant 0 : i32
      %cond3A_876 = arith.cmpi ne, %convert_element_type3A_874, %cond3A_875 : i32
      scf.if %cond3A_876 {
        %add3A_977 = arith.constant 4 : i32
        %add3A_978 = arith.addi %add3A_869, %add3A_977 : i32
        %dma_start3A_979 = arith.constant 0 : i32
        %dma_start3A_980 = arith.constant 0 : i32
        %dma_start3A_981 = tpu.memref_slice %arg15[%dma_start3A_979, %dma_start3A_980] : memref<128x64xf32, #tpu.memory_space<vmem>> -> memref<64x64xf32, #tpu.memory_space<vmem>>
        %dma_start3A_982 = arith.constant 0 : i32
        %dma_start3A_983 = tpu.memref_slice %arg6[%add3A_978, %dma_start3A_982] : memref<200x128xi32, #tpu.memory_space<vmem>> -> memref<1x64xi32, #tpu.memory_space<vmem>>
        %dma_start3A_984 = tpu.memref_squeeze %dma_start3A_983 : memref<1x64xi32, #tpu.memory_space<vmem>> -> memref<64xi32, #tpu.memory_space<vmem>>
        %dma_start3A_985 = arith.constant 0 : i32
        %dma_start3A_986 = arith.constant 0 : i32
        %dma_start3A_987 = tpu.memref_slice %arg3[%dma_start3A_985, %dma_start3A_986] : memref<101376x64xf32, #tpu.memory_space<hbm>> -> memref<101376x64xf32, #tpu.memory_space<hbm>>
        tpu.enqueue_indirect_dma source(%dma_start3A_987 : memref<101376x64xf32, #tpu.memory_space<hbm>>) target(%dma_start3A_981 : memref<64x64xf32, #tpu.memory_space<vmem>>) offsets(%dma_start3A_984 : memref<64xi32, #tpu.memory_space<vmem>>) semaphore(%arg25 : memref<!tpu.dma_semaphore, #tpu.memory_space<semaphore_mem>>)
        %dma_start3A_988 = arith.constant 64 : i32
        %dma_start3A_989 = arith.constant 0 : i32
        %dma_start3A_990 = tpu.memref_slice %arg15[%dma_start3A_988, %dma_start3A_989] : memref<128x64xf32, #tpu.memory_space<vmem>> -> memref<64x64xf32, #tpu.memory_space<vmem>>
        %dma_start3A_991 = arith.constant 64 : i32
        %dma_start3A_992 = tpu.memref_slice %arg6[%add3A_978, %dma_start3A_991] : memref<200x128xi32, #tpu.memory_space<vmem>> -> memref<1x64xi32, #tpu.memory_space<vmem>>
        %dma_start3A_993 = tpu.memref_squeeze %dma_start3A_992 : memref<1x64xi32, #tpu.memory_space<vmem>> -> memref<64xi32, #tpu.memory_space<vmem>>
        %dma_start3A_994 = arith.constant 0 : i32
        %dma_start3A_995 = arith.constant 0 : i32
        %dma_start3A_996 = tpu.memref_slice %arg3[%dma_start3A_994, %dma_start3A_995] : memref<101376x64xf32, #tpu.memory_space<hbm>> -> memref<101376x64xf32, #tpu.memory_space<hbm>>
        tpu.enqueue_indirect_dma source(%dma_start3A_996 : memref<101376x64xf32, #tpu.memory_space<hbm>>) target(%dma_start3A_990 : memref<64x64xf32, #tpu.memory_space<vmem>>) offsets(%dma_start3A_993 : memref<64xi32, #tpu.memory_space<vmem>>) semaphore(%arg25 : memref<!tpu.dma_semaphore, #tpu.memory_space<semaphore_mem>>)
        %mul3A_997 = arith.constant 64 : i32
        %mul3A_998 = arith.muli %add3A_978, %mul3A_997 : i32
        %jit3A_999 = arith.constant 128 : i32
        %div3A_1000 = arith.divsi %mul3A_998, %jit3A_999 : i32
        %sign3A_1001 = arith.constant 0 : i32
        %sign3A_1002 = arith.cmpi sgt, %mul3A_998, %sign3A_1001 : i32
        %sign3A_1003 = arith.extui %sign3A_1002 : i1 to i32
        %sign3A_1004 = arith.constant 0 : i32
        %sign3A_1005 = arith.cmpi slt, %mul3A_998, %sign3A_1004 : i32
        %sign3A_1006 = arith.extui %sign3A_1005 : i1 to i32
        %sign3A_1007 = arith.subi %sign3A_1003, %sign3A_1006 : i32
        %sign3A_1008 = arith.constant 0 : i32
        %sign3A_1009 = arith.cmpi sgt, %jit3A_999, %sign3A_1008 : i32
        %sign3A_1010 = arith.extui %sign3A_1009 : i1 to i32
        %sign3A_1011 = arith.constant 0 : i32
        %sign3A_1012 = arith.cmpi slt, %jit3A_999, %sign3A_1011 : i32
        %sign3A_1013 = arith.extui %sign3A_1012 : i1 to i32
        %sign3A_1014 = arith.subi %sign3A_1010, %sign3A_1013 : i32
        %ne3A_1015 = arith.cmpi ne, %sign3A_1007, %sign3A_1014 : i32
        %rem3A_1016 = arith.remsi %mul3A_998, %jit3A_999 : i32
        %ne3A_1017 = arith.constant 0 : i32
        %ne3A_1018 = arith.cmpi ne, %rem3A_1016, %ne3A_1017 : i32
        %and3A_1019 = arith.andi %ne3A_1015, %ne3A_1018 : i1
        %sub3A_1020 = arith.constant 1 : i32
        %sub3A_1021 = arith.subi %div3A_1000, %sub3A_1020 : i32
        %select_n3A_1022 = arith.select %and3A_1019, %sub3A_1021, %div3A_1000 : i32
        %mul3A_1023 = arith.constant 64 : i32
        %mul3A_1024 = arith.muli %add3A_978, %mul3A_1023 : i32
        %jit3A_1025 = arith.constant 128 : i32
        %eq3A_1026 = arith.constant 0 : i32
        %eq3A_1027 = arith.cmpi eq, %jit3A_1025, %eq3A_1026 : i32
        %jit3A_1028 = arith.constant 1 : i32
        %select_n3A_1029 = arith.select %eq3A_1027, %jit3A_1028, %jit3A_1025 : i32
        %rem3A_1030 = arith.remsi %mul3A_1024, %select_n3A_1029 : i32
        %ne3A_1031 = arith.constant 0 : i32
        %ne3A_1032 = arith.cmpi ne, %rem3A_1030, %ne3A_1031 : i32
        %lt3A_1033 = arith.constant 0 : i32
        %lt3A_1034 = arith.cmpi slt, %rem3A_1030, %lt3A_1033 : i32
        %lt3A_1035 = arith.constant 0 : i32
        %lt3A_1036 = arith.cmpi slt, %select_n3A_1029, %lt3A_1035 : i32
        %ne3A_1037 = arith.xori %lt3A_1034, %lt3A_1036 : i1
        %and3A_1038 = arith.andi %ne3A_1037, %ne3A_1032 : i1
        %add3A_1039 = arith.addi %rem3A_1030, %select_n3A_1029 : i32
        %select_n3A_1040 = arith.select %and3A_1038, %add3A_1039, %rem3A_1030 : i32
        %dma_start3A_1041 = tpu.memref_slice %arg4[%select_n3A_1022, %select_n3A_1040] : memref<100x128xf32, #tpu.memory_space<hbm>> -> memref<1x64xf32, #tpu.memory_space<hbm>>
        %dma_start3A_1042 = tpu.memref_squeeze %dma_start3A_1041 : memref<1x64xf32, #tpu.memory_space<hbm>> -> memref<64xf32, #tpu.memory_space<hbm>>
        %dma_start3A_1043 = tpu.memref_slice %arg4[%select_n3A_1022, %select_n3A_1040] : memref<100x128xf32, #tpu.memory_space<hbm>> -> memref<1x64xf32, #tpu.memory_space<hbm>>
        %dma_start3A_1044 = tpu.memref_squeeze %dma_start3A_1043 : memref<1x64xf32, #tpu.memory_space<hbm>> -> memref<64xf32, #tpu.memory_space<hbm>>
        tpu.enqueue_dma source(%dma_start3A_1044 : memref<64xf32, #tpu.memory_space<hbm>>) target(%arg10 : memref<64xf32, #tpu.memory_space<vmem>>) target_semaphore(%arg25 : memref<!tpu.dma_semaphore, #tpu.memory_space<semaphore_mem>>)
      } else {
      }
      %dma_wait3A_877 = arith.constant 0 : i32
      %dma_wait3A_878 = arith.constant 0 : i32
      %dma_wait3A_879 = tpu.memref_slice %arg16[%dma_wait3A_877, %dma_wait3A_878] : memref<128x64xf32, #tpu.memory_space<vmem>> -> memref<64x64xf32, #tpu.memory_space<vmem>>
      %dma_wait3A_880 = arith.constant 0 : i32
      %dma_wait3A_881 = tpu.memref_slice %arg6[%add3A_869, %dma_wait3A_880] : memref<200x128xi32, #tpu.memory_space<vmem>> -> memref<1x64xi32, #tpu.memory_space<vmem>>
      %dma_wait3A_882 = tpu.memref_squeeze %dma_wait3A_881 : memref<1x64xi32, #tpu.memory_space<vmem>> -> memref<64xi32, #tpu.memory_space<vmem>>
      %dma_wait3A_883 = arith.constant 0 : i32
      %dma_wait3A_884 = arith.constant 0 : i32
      %dma_wait3A_885 = tpu.memref_slice %arg3[%dma_wait3A_883, %dma_wait3A_884] : memref<101376x64xf32, #tpu.memory_space<hbm>> -> memref<101376x64xf32, #tpu.memory_space<hbm>>
      tpu.wait_indirect_dma semaphore(%arg26 : memref<!tpu.dma_semaphore, #tpu.memory_space<semaphore_mem>>) src(%dma_wait3A_885 : memref<101376x64xf32, #tpu.memory_space<hbm>>) dst(%dma_wait3A_879 : memref<64x64xf32, #tpu.memory_space<vmem>>)
      %dma_wait3A_886 = arith.constant 64 : i32
      %dma_wait3A_887 = arith.constant 0 : i32
      %dma_wait3A_888 = tpu.memref_slice %arg16[%dma_wait3A_886, %dma_wait3A_887] : memref<128x64xf32, #tpu.memory_space<vmem>> -> memref<64x64xf32, #tpu.memory_space<vmem>>
      %dma_wait3A_889 = arith.constant 64 : i32
      %dma_wait3A_890 = tpu.memref_slice %arg6[%add3A_869, %dma_wait3A_889] : memref<200x128xi32, #tpu.memory_space<vmem>> -> memref<1x64xi32, #tpu.memory_space<vmem>>
      %dma_wait3A_891 = tpu.memref_squeeze %dma_wait3A_890 : memref<1x64xi32, #tpu.memory_space<vmem>> -> memref<64xi32, #tpu.memory_space<vmem>>
      %dma_wait3A_892 = arith.constant 0 : i32
      %dma_wait3A_893 = arith.constant 0 : i32
      %dma_wait3A_894 = tpu.memref_slice %arg3[%dma_wait3A_892, %dma_wait3A_893] : memref<101376x64xf32, #tpu.memory_space<hbm>> -> memref<101376x64xf32, #tpu.memory_space<hbm>>
      tpu.wait_indirect_dma semaphore(%arg26 : memref<!tpu.dma_semaphore, #tpu.memory_space<semaphore_mem>>) src(%dma_wait3A_894 : memref<101376x64xf32, #tpu.memory_space<hbm>>) dst(%dma_wait3A_888 : memref<64x64xf32, #tpu.memory_space<vmem>>)
      %mul3A_895 = arith.constant 64 : i32
      %mul3A_896 = arith.muli %add3A_869, %mul3A_895 : i32
      %jit3A_897 = arith.constant 128 : i32
      %div3A_898 = arith.divsi %mul3A_896, %jit3A_897 : i32
      %sign3A_899 = arith.constant 0 : i32
      %sign3A_900 = arith.cmpi sgt, %mul3A_896, %sign3A_899 : i32
      %sign3A_901 = arith.extui %sign3A_900 : i1 to i32
      %sign3A_902 = arith.constant 0 : i32
      %sign3A_903 = arith.cmpi slt, %mul3A_896, %sign3A_902 : i32
      %sign3A_904 = arith.extui %sign3A_903 : i1 to i32
      %sign3A_905 = arith.subi %sign3A_901, %sign3A_904 : i32
      %sign3A_906 = arith.constant 0 : i32
      %sign3A_907 = arith.cmpi sgt, %jit3A_897, %sign3A_906 : i32
      %sign3A_908 = arith.extui %sign3A_907 : i1 to i32
      %sign3A_909 = arith.constant 0 : i32
      %sign3A_910 = arith.cmpi slt, %jit3A_897, %sign3A_909 : i32
      %sign3A_911 = arith.extui %sign3A_910 : i1 to i32
      %sign3A_912 = arith.subi %sign3A_908, %sign3A_911 : i32
      %ne3A_913 = arith.cmpi ne, %sign3A_905, %sign3A_912 : i32
      %rem3A_914 = arith.remsi %mul3A_896, %jit3A_897 : i32
      %ne3A_915 = arith.constant 0 : i32
      %ne3A_916 = arith.cmpi ne, %rem3A_914, %ne3A_915 : i32
      %and3A_917 = arith.andi %ne3A_913, %ne3A_916 : i1
      %sub3A_918 = arith.constant 1 : i32
      %sub3A_919 = arith.subi %div3A_898, %sub3A_918 : i32
      %select_n3A_920 = arith.select %and3A_917, %sub3A_919, %div3A_898 : i32
      %mul3A_921 = arith.constant 64 : i32
      %mul3A_922 = arith.muli %add3A_869, %mul3A_921 : i32
      %jit3A_923 = arith.constant 128 : i32
      %eq3A_924 = arith.constant 0 : i32
      %eq3A_925 = arith.cmpi eq, %jit3A_923, %eq3A_924 : i32
      %jit3A_926 = arith.constant 1 : i32
      %select_n3A_927 = arith.select %eq3A_925, %jit3A_926, %jit3A_923 : i32
      %rem3A_928 = arith.remsi %mul3A_922, %select_n3A_927 : i32
      %ne3A_929 = arith.constant 0 : i32
      %ne3A_930 = arith.cmpi ne, %rem3A_928, %ne3A_929 : i32
      %lt3A_931 = arith.constant 0 : i32
      %lt3A_932 = arith.cmpi slt, %rem3A_928, %lt3A_931 : i32
      %lt3A_933 = arith.constant 0 : i32
      %lt3A_934 = arith.cmpi slt, %select_n3A_927, %lt3A_933 : i32
      %ne3A_935 = arith.xori %lt3A_932, %lt3A_934 : i1
      %and3A_936 = arith.andi %ne3A_935, %ne3A_930 : i1
      %add3A_937 = arith.addi %rem3A_928, %select_n3A_927 : i32
      %select_n3A_938 = arith.select %and3A_936, %add3A_937, %rem3A_928 : i32
      %dma_wait3A_939 = tpu.memref_slice %arg4[%select_n3A_920, %select_n3A_938] : memref<100x128xf32, #tpu.memory_space<hbm>> -> memref<1x64xf32, #tpu.memory_space<hbm>>
      %dma_wait3A_940 = tpu.memref_squeeze %dma_wait3A_939 : memref<1x64xf32, #tpu.memory_space<hbm>> -> memref<64xf32, #tpu.memory_space<hbm>>
      %dma_wait3A_941 = tpu.memref_slice %arg4[%select_n3A_920, %select_n3A_938] : memref<100x128xf32, #tpu.memory_space<hbm>> -> memref<1x64xf32, #tpu.memory_space<hbm>>
      %dma_wait3A_942 = tpu.memref_squeeze %dma_wait3A_941 : memref<1x64xf32, #tpu.memory_space<hbm>> -> memref<64xf32, #tpu.memory_space<hbm>>
      tpu.wait_dma2 semaphore(%arg26 : memref<!tpu.dma_semaphore, #tpu.memory_space<semaphore_mem>>) src(%dma_wait3A_942 : memref<64xf32, #tpu.memory_space<hbm>>) dst(%arg11 : memref<64xf32, #tpu.memory_space<vmem>>)
      %ge3A_943 = arith.constant 5 : i32
      %ge3A_944 = arith.cmpi sge, %add3A_869, %ge3A_943 : i32
      %convert_element_type3A_945 = arith.extui %ge3A_944 : i1 to i32
      %cond3A_946 = arith.constant 0 : i32
      %cond3A_947 = arith.cmpi ne, %convert_element_type3A_945, %cond3A_946 : i32
      scf.if %cond3A_947 {
        %sub3A_977 = arith.constant 5 : i32
        %sub3A_978 = arith.subi %add3A_869, %sub3A_977 : i32
        %dma_wait3A_979 = arith.constant 0 : i32
        %dma_wait3A_980 = arith.constant 0 : i32
        %dma_wait3A_981 = arith.constant 0 : i32
        %dma_wait3A_982 = tpu.memref_slice %arg21[%dma_wait3A_979, %dma_wait3A_980, %dma_wait3A_981] : memref<8x8x129xf32, #tpu.memory_space<vmem>> -> memref<8x8x128xf32, #tpu.memory_space<vmem>>
        %dma_wait3A_983 = arith.constant 0 : i32
        %dma_wait3A_984 = arith.constant 0 : i32
        %dma_wait3A_985 = arith.constant 0 : i32
        %dma_wait3A_986 = tpu.memref_slice %arg5[%sub3A_978, %dma_wait3A_983, %add3A, %dma_wait3A_984, %dma_wait3A_985] : memref<200x8x32x8x128xf32, #tpu.memory_space<hbm>> -> memref<1x8x1x8x128xf32, #tpu.memory_space<hbm>>
        %dma_wait3A_987 = tpu.memref_squeeze %dma_wait3A_986 : memref<1x8x1x8x128xf32, #tpu.memory_space<hbm>> -> memref<8x8x128xf32, #tpu.memory_space<hbm>>
        %dma_wait3A_988 = arith.constant 0 : i32
        %dma_wait3A_989 = arith.constant 0 : i32
        %dma_wait3A_990 = arith.constant 0 : i32
        %dma_wait3A_991 = tpu.memref_slice %arg5[%sub3A_978, %dma_wait3A_988, %add3A, %dma_wait3A_989, %dma_wait3A_990] : memref<200x8x32x8x128xf32, #tpu.memory_space<hbm>> -> memref<1x8x1x8x128xf32, #tpu.memory_space<hbm>>
        %dma_wait3A_992 = tpu.memref_squeeze %dma_wait3A_991 : memref<1x8x1x8x128xf32, #tpu.memory_space<hbm>> -> memref<8x8x128xf32, #tpu.memory_space<hbm>>
        %dma_wait3A_993 = arith.constant 0 : i32
        %dma_wait3A_994 = arith.constant 0 : i32
        %dma_wait3A_995 = arith.constant 0 : i32
        %dma_wait3A_996 = tpu.memref_slice %arg21[%dma_wait3A_993, %dma_wait3A_994, %dma_wait3A_995] : memref<8x8x129xf32, #tpu.memory_space<vmem>> -> memref<8x8x128xf32, #tpu.memory_space<vmem>>
        tpu.wait_dma2 semaphore(%arg31 : memref<!tpu.dma_semaphore, #tpu.memory_space<semaphore_mem>>) src(%dma_wait3A_996 : memref<8x8x128xf32, #tpu.memory_space<vmem>>) dst(%dma_wait3A_992 : memref<8x8x128xf32, #tpu.memory_space<hbm>>)
      } else {
      }
      %get3A_948 = arith.constant 0 : index
      %get3A_949 = tpu.vector_load %arg11[%get3A_948] {strides = array<i32>} : memref<64xf32, #tpu.memory_space<vmem>>, vector<16xf32>,
      %get3A_950 = arith.constant 16 : index
      %get3A_951 = tpu.vector_load %arg11[%get3A_950] {strides = array<i32>} : memref<64xf32, #tpu.memory_space<vmem>>, vector<16xf32>,
      %get3A_952 = arith.constant 32 : index
      %get3A_953 = tpu.vector_load %arg11[%get3A_952] {strides = array<i32>} : memref<64xf32, #tpu.memory_space<vmem>>, vector<16xf32>,
      %get3A_954 = arith.constant 48 : index
      %get3A_955 = tpu.vector_load %arg11[%get3A_954] {strides = array<i32>} : memref<64xf32, #tpu.memory_space<vmem>>, vector<16xf32>,
      %parallel_loop3A_956 = arith.constant 0 : i32
      %parallel_loop3A_957 = arith.constant 128 : i32
      %parallel_loop3A_958 = arith.constant 1 : i32
      scf.for %parallel_loop3A_977 = %parallel_loop3A_956 to %parallel_loop3A_957 step %parallel_loop3A_958  : i32 {
        %parallel_loop3A_978 = vector.broadcast %parallel_loop3A_977 : i32 to vector<16xi32>
        %parallel_loop3A_979 = arith.index_cast %parallel_loop3A_977 : i32 to index
        %parallel_loop3A_980 = arith.constant 0 : index
        %parallel_loop3A_981 = tpu.vector_load %arg16[%parallel_loop3A_979, %parallel_loop3A_980] {strides = array<i32>} : memref<128x64xf32, #tpu.memory_space<vmem>>, vector<16xf32>,
        %parallel_loop3A_982 = arith.addf %parallel_loop3A_981, %get3A_949 : vector<16xf32>
        tpu.vector_store_idx %arg21[%select_n3A, %select_n3A_152, %parallel_loop3A_978], %parallel_loop3A_982 : memref<8x8x129xf32, #tpu.memory_space<vmem>>[vector<16xi32>, vector<16xi32>, vector<16xi32>], vector<16xf32>,
        %parallel_loop3A_983 = arith.index_cast %parallel_loop3A_977 : i32 to index
        %parallel_loop3A_984 = arith.constant 16 : index
        %parallel_loop3A_985 = tpu.vector_load %arg16[%parallel_loop3A_983, %parallel_loop3A_984] {strides = array<i32>} : memref<128x64xf32, #tpu.memory_space<vmem>>, vector<16xf32>,
        %parallel_loop3A_986 = arith.addf %parallel_loop3A_985, %get3A_951 : vector<16xf32>
        tpu.vector_store_idx %arg21[%select_n3A_70, %select_n3A_174, %parallel_loop3A_978], %parallel_loop3A_986 : memref<8x8x129xf32, #tpu.memory_space<vmem>>[vector<16xi32>, vector<16xi32>, vector<16xi32>], vector<16xf32>,
        %parallel_loop3A_987 = arith.index_cast %parallel_loop3A_977 : i32 to index
        %parallel_loop3A_988 = arith.constant 32 : index
        %parallel_loop3A_989 = tpu.vector_load %arg16[%parallel_loop3A_987, %parallel_loop3A_988] {strides = array<i32>} : memref<128x64xf32, #tpu.memory_space<vmem>>, vector<16xf32>,
        %parallel_loop3A_990 = arith.addf %parallel_loop3A_989, %get3A_953 : vector<16xf32>
        tpu.vector_store_idx %arg21[%select_n3A_101, %select_n3A_196, %parallel_loop3A_978], %parallel_loop3A_990 : memref<8x8x129xf32, #tpu.memory_space<vmem>>[vector<16xi32>, vector<16xi32>, vector<16xi32>], vector<16xf32>,
        %parallel_loop3A_991 = arith.index_cast %parallel_loop3A_977 : i32 to index
        %parallel_loop3A_992 = arith.constant 48 : index
        %parallel_loop3A_993 = tpu.vector_load %arg16[%parallel_loop3A_991, %parallel_loop3A_992] {strides = array<i32>} : memref<128x64xf32, #tpu.memory_space<vmem>>, vector<16xf32>,
        %parallel_loop3A_994 = arith.addf %parallel_loop3A_993, %get3A_955 : vector<16xf32>
        tpu.vector_store_idx %arg21[%select_n3A_132, %select_n3A_218, %parallel_loop3A_978], %parallel_loop3A_994 : memref<8x8x129xf32, #tpu.memory_space<vmem>>[vector<16xi32>, vector<16xi32>, vector<16xi32>], vector<16xf32>,
      } {sc.loop_unroll_factor = 1 : i64, sc.parallel_access}
      %dma_start3A_959 = arith.constant 0 : i32
      %dma_start3A_960 = arith.constant 0 : i32
      %dma_start3A_961 = arith.constant 0 : i32
      %dma_start3A_962 = tpu.memref_slice %arg21[%dma_start3A_959, %dma_start3A_960, %dma_start3A_961] : memref<8x8x129xf32, #tpu.memory_space<vmem>> -> memref<8x8x128xf32, #tpu.memory_space<vmem>>
      %dma_start3A_963 = arith.constant 0 : i32
      %dma_start3A_964 = arith.constant 0 : i32
      %dma_start3A_965 = arith.constant 0 : i32
      %dma_start3A_966 = tpu.memref_slice %arg5[%add3A_869, %dma_start3A_963, %add3A, %dma_start3A_964, %dma_start3A_965] : memref<200x8x32x8x128xf32, #tpu.memory_space<hbm>> -> memref<1x8x1x8x128xf32, #tpu.memory_space<hbm>>
      %dma_start3A_967 = tpu.memref_squeeze %dma_start3A_966 : memref<1x8x1x8x128xf32, #tpu.memory_space<hbm>> -> memref<8x8x128xf32, #tpu.memory_space<hbm>>
      %dma_start3A_968 = arith.constant 0 : i32
      %dma_start3A_969 = arith.constant 0 : i32
      %dma_start3A_970 = arith.constant 0 : i32
      %dma_start3A_971 = tpu.memref_slice %arg5[%add3A_869, %dma_start3A_968, %add3A, %dma_start3A_969, %dma_start3A_970] : memref<200x8x32x8x128xf32, #tpu.memory_space<hbm>> -> memref<1x8x1x8x128xf32, #tpu.memory_space<hbm>>
      %dma_start3A_972 = tpu.memref_squeeze %dma_start3A_971 : memref<1x8x1x8x128xf32, #tpu.memory_space<hbm>> -> memref<8x8x128xf32, #tpu.memory_space<hbm>>
      %dma_start3A_973 = arith.constant 0 : i32
      %dma_start3A_974 = arith.constant 0 : i32
      %dma_start3A_975 = arith.constant 0 : i32
      %dma_start3A_976 = tpu.memref_slice %arg21[%dma_start3A_973, %dma_start3A_974, %dma_start3A_975] : memref<8x8x129xf32, #tpu.memory_space<vmem>> -> memref<8x8x128xf32, #tpu.memory_space<vmem>>
      tpu.enqueue_dma source(%dma_start3A_976 : memref<8x8x128xf32, #tpu.memory_space<vmem>>) target(%dma_start3A_972 : memref<8x8x128xf32, #tpu.memory_space<hbm>>) target_semaphore(%arg31 : memref<!tpu.dma_semaphore, #tpu.memory_space<semaphore_mem>>)
    }
    %scan3A_330 = arith.constant 40 : i32
    %dma_wait3A = arith.constant 195 : i32
    %dma_wait3A_331 = arith.constant 0 : i32
    %dma_wait3A_332 = arith.constant 0 : i32
    %dma_wait3A_333 = arith.constant 0 : i32
    %dma_wait3A_334 = tpu.memref_slice %arg17[%dma_wait3A_331, %dma_wait3A_332, %dma_wait3A_333] : memref<8x8x129xf32, #tpu.memory_space<vmem>> -> memref<8x8x128xf32, #tpu.memory_space<vmem>>
    %dma_wait3A_335 = arith.constant 0 : i32
    %dma_wait3A_336 = arith.constant 0 : i32
    %dma_wait3A_337 = arith.constant 0 : i32
    %dma_wait3A_338 = tpu.memref_slice %arg5[%dma_wait3A, %dma_wait3A_335, %add3A, %dma_wait3A_336, %dma_wait3A_337] : memref<200x8x32x8x128xf32, #tpu.memory_space<hbm>> -> memref<1x8x1x8x128xf32, #tpu.memory_space<hbm>>
    %dma_wait3A_339 = tpu.memref_squeeze %dma_wait3A_338 : memref<1x8x1x8x128xf32, #tpu.memory_space<hbm>> -> memref<8x8x128xf32, #tpu.memory_space<hbm>>
    %dma_wait3A_340 = arith.constant 0 : i32
    %dma_wait3A_341 = arith.constant 0 : i32
    %dma_wait3A_342 = arith.constant 0 : i32
    %dma_wait3A_343 = tpu.memref_slice %arg5[%dma_wait3A, %dma_wait3A_340, %add3A, %dma_wait3A_341, %dma_wait3A_342] : memref<200x8x32x8x128xf32, #tpu.memory_space<hbm>> -> memref<1x8x1x8x128xf32, #tpu.memory_space<hbm>>
    %dma_wait3A_344 = tpu.memref_squeeze %dma_wait3A_343 : memref<1x8x1x8x128xf32, #tpu.memory_space<hbm>> -> memref<8x8x128xf32, #tpu.memory_space<hbm>>
    %dma_wait3A_345 = arith.constant 0 : i32
    %dma_wait3A_346 = arith.constant 0 : i32
    %dma_wait3A_347 = arith.constant 0 : i32
    %dma_wait3A_348 = tpu.memref_slice %arg17[%dma_wait3A_345, %dma_wait3A_346, %dma_wait3A_347] : memref<8x8x129xf32, #tpu.memory_space<vmem>> -> memref<8x8x128xf32, #tpu.memory_space<vmem>>
    tpu.wait_dma2 semaphore(%arg27 : memref<!tpu.dma_semaphore, #tpu.memory_space<semaphore_mem>>) src(%dma_wait3A_348 : memref<8x8x128xf32, #tpu.memory_space<vmem>>) dst(%dma_wait3A_344 : memref<8x8x128xf32, #tpu.memory_space<hbm>>)
    %dma_wait3A_349 = arith.constant 196 : i32
    %dma_wait3A_350 = arith.constant 0 : i32
    %dma_wait3A_351 = arith.constant 0 : i32
    %dma_wait3A_352 = arith.constant 0 : i32
    %dma_wait3A_353 = tpu.memref_slice %arg18[%dma_wait3A_350, %dma_wait3A_351, %dma_wait3A_352] : memref<8x8x129xf32, #tpu.memory_space<vmem>> -> memref<8x8x128xf32, #tpu.memory_space<vmem>>
    %dma_wait3A_354 = arith.constant 0 : i32
    %dma_wait3A_355 = arith.constant 0 : i32
    %dma_wait3A_356 = arith.constant 0 : i32
    %dma_wait3A_357 = tpu.memref_slice %arg5[%dma_wait3A_349, %dma_wait3A_354, %add3A, %dma_wait3A_355, %dma_wait3A_356] : memref<200x8x32x8x128xf32, #tpu.memory_space<hbm>> -> memref<1x8x1x8x128xf32, #tpu.memory_space<hbm>>
    %dma_wait3A_358 = tpu.memref_squeeze %dma_wait3A_357 : memref<1x8x1x8x128xf32, #tpu.memory_space<hbm>> -> memref<8x8x128xf32, #tpu.memory_space<hbm>>
    %dma_wait3A_359 = arith.constant 0 : i32
    %dma_wait3A_360 = arith.constant 0 : i32
    %dma_wait3A_361 = arith.constant 0 : i32
    %dma_wait3A_362 = tpu.memref_slice %arg5[%dma_wait3A_349, %dma_wait3A_359, %add3A, %dma_wait3A_360, %dma_wait3A_361] : memref<200x8x32x8x128xf32, #tpu.memory_space<hbm>> -> memref<1x8x1x8x128xf32, #tpu.memory_space<hbm>>
    %dma_wait3A_363 = tpu.memref_squeeze %dma_wait3A_362 : memref<1x8x1x8x128xf32, #tpu.memory_space<hbm>> -> memref<8x8x128xf32, #tpu.memory_space<hbm>>
    %dma_wait3A_364 = arith.constant 0 : i32
    %dma_wait3A_365 = arith.constant 0 : i32
    %dma_wait3A_366 = arith.constant 0 : i32
    %dma_wait3A_367 = tpu.memref_slice %arg18[%dma_wait3A_364, %dma_wait3A_365, %dma_wait3A_366] : memref<8x8x129xf32, #tpu.memory_space<vmem>> -> memref<8x8x128xf32, #tpu.memory_space<vmem>>
    tpu.wait_dma2 semaphore(%arg28 : memref<!tpu.dma_semaphore, #tpu.memory_space<semaphore_mem>>) src(%dma_wait3A_367 : memref<8x8x128xf32, #tpu.memory_space<vmem>>) dst(%dma_wait3A_363 : memref<8x8x128xf32, #tpu.memory_space<hbm>>)
    %dma_wait3A_368 = arith.constant 197 : i32
    %dma_wait3A_369 = arith.constant 0 : i32
    %dma_wait3A_370 = arith.constant 0 : i32
    %dma_wait3A_371 = arith.constant 0 : i32
    %dma_wait3A_372 = tpu.memref_slice %arg19[%dma_wait3A_369, %dma_wait3A_370, %dma_wait3A_371] : memref<8x8x129xf32, #tpu.memory_space<vmem>> -> memref<8x8x128xf32, #tpu.memory_space<vmem>>
    %dma_wait3A_373 = arith.constant 0 : i32
    %dma_wait3A_374 = arith.constant 0 : i32
    %dma_wait3A_375 = arith.constant 0 : i32
    %dma_wait3A_376 = tpu.memref_slice %arg5[%dma_wait3A_368, %dma_wait3A_373, %add3A, %dma_wait3A_374, %dma_wait3A_375] : memref<200x8x32x8x128xf32, #tpu.memory_space<hbm>> -> memref<1x8x1x8x128xf32, #tpu.memory_space<hbm>>
    %dma_wait3A_377 = tpu.memref_squeeze %dma_wait3A_376 : memref<1x8x1x8x128xf32, #tpu.memory_space<hbm>> -> memref<8x8x128xf32, #tpu.memory_space<hbm>>
    %dma_wait3A_378 = arith.constant 0 : i32
    %dma_wait3A_379 = arith.constant 0 : i32
    %dma_wait3A_380 = arith.constant 0 : i32
    %dma_wait3A_381 = tpu.memref_slice %arg5[%dma_wait3A_368, %dma_wait3A_378, %add3A, %dma_wait3A_379, %dma_wait3A_380] : memref<200x8x32x8x128xf32, #tpu.memory_space<hbm>> -> memref<1x8x1x8x128xf32, #tpu.memory_space<hbm>>
    %dma_wait3A_382 = tpu.memref_squeeze %dma_wait3A_381 : memref<1x8x1x8x128xf32, #tpu.memory_space<hbm>> -> memref<8x8x128xf32, #tpu.memory_space<hbm>>
    %dma_wait3A_383 = arith.constant 0 : i32
    %dma_wait3A_384 = arith.constant 0 : i32
    %dma_wait3A_385 = arith.constant 0 : i32
    %dma_wait3A_386 = tpu.memref_slice %arg19[%dma_wait3A_383, %dma_wait3A_384, %dma_wait3A_385] : memref<8x8x129xf32, #tpu.memory_space<vmem>> -> memref<8x8x128xf32, #tpu.memory_space<vmem>>
    tpu.wait_dma2 semaphore(%arg29 : memref<!tpu.dma_semaphore, #tpu.memory_space<semaphore_mem>>) src(%dma_wait3A_386 : memref<8x8x128xf32, #tpu.memory_space<vmem>>) dst(%dma_wait3A_382 : memref<8x8x128xf32, #tpu.memory_space<hbm>>)
    %dma_wait3A_387 = arith.constant 198 : i32
    %dma_wait3A_388 = arith.constant 0 : i32
    %dma_wait3A_389 = arith.constant 0 : i32
    %dma_wait3A_390 = arith.constant 0 : i32
    %dma_wait3A_391 = tpu.memref_slice %arg20[%dma_wait3A_388, %dma_wait3A_389, %dma_wait3A_390] : memref<8x8x129xf32, #tpu.memory_space<vmem>> -> memref<8x8x128xf32, #tpu.memory_space<vmem>>
    %dma_wait3A_392 = arith.constant 0 : i32
    %dma_wait3A_393 = arith.constant 0 : i32
    %dma_wait3A_394 = arith.constant 0 : i32
    %dma_wait3A_395 = tpu.memref_slice %arg5[%dma_wait3A_387, %dma_wait3A_392, %add3A, %dma_wait3A_393, %dma_wait3A_394] : memref<200x8x32x8x128xf32, #tpu.memory_space<hbm>> -> memref<1x8x1x8x128xf32, #tpu.memory_space<hbm>>
    %dma_wait3A_396 = tpu.memref_squeeze %dma_wait3A_395 : memref<1x8x1x8x128xf32, #tpu.memory_space<hbm>> -> memref<8x8x128xf32, #tpu.memory_space<hbm>>
    %dma_wait3A_397 = arith.constant 0 : i32
    %dma_wait3A_398 = arith.constant 0 : i32
    %dma_wait3A_399 = arith.constant 0 : i32
    %dma_wait3A_400 = tpu.memref_slice %arg5[%dma_wait3A_387, %dma_wait3A_397, %add3A, %dma_wait3A_398, %dma_wait3A_399] : memref<200x8x32x8x128xf32, #tpu.memory_space<hbm>> -> memref<1x8x1x8x128xf32, #tpu.memory_space<hbm>>
    %dma_wait3A_401 = tpu.memref_squeeze %dma_wait3A_400 : memref<1x8x1x8x128xf32, #tpu.memory_space<hbm>> -> memref<8x8x128xf32, #tpu.memory_space<hbm>>
    %dma_wait3A_402 = arith.constant 0 : i32
    %dma_wait3A_403 = arith.constant 0 : i32
    %dma_wait3A_404 = arith.constant 0 : i32
    %dma_wait3A_405 = tpu.memref_slice %arg20[%dma_wait3A_402, %dma_wait3A_403, %dma_wait3A_404] : memref<8x8x129xf32, #tpu.memory_space<vmem>> -> memref<8x8x128xf32, #tpu.memory_space<vmem>>
    tpu.wait_dma2 semaphore(%arg30 : memref<!tpu.dma_semaphore, #tpu.memory_space<semaphore_mem>>) src(%dma_wait3A_405 : memref<8x8x128xf32, #tpu.memory_space<vmem>>) dst(%dma_wait3A_401 : memref<8x8x128xf32, #tpu.memory_space<hbm>>)
    %dma_wait3A_406 = arith.constant 199 : i32
    %dma_wait3A_407 = arith.constant 0 : i32
    %dma_wait3A_408 = arith.constant 0 : i32
    %dma_wait3A_409 = arith.constant 0 : i32
    %dma_wait3A_410 = tpu.memref_slice %arg21[%dma_wait3A_407, %dma_wait3A_408, %dma_wait3A_409] : memref<8x8x129xf32, #tpu.memory_space<vmem>> -> memref<8x8x128xf32, #tpu.memory_space<vmem>>
    %dma_wait3A_411 = arith.constant 0 : i32
    %dma_wait3A_412 = arith.constant 0 : i32
    %dma_wait3A_413 = arith.constant 0 : i32
    %dma_wait3A_414 = tpu.memref_slice %arg5[%dma_wait3A_406, %dma_wait3A_411, %add3A, %dma_wait3A_412, %dma_wait3A_413] : memref<200x8x32x8x128xf32, #tpu.memory_space<hbm>> -> memref<1x8x1x8x128xf32, #tpu.memory_space<hbm>>
    %dma_wait3A_415 = tpu.memref_squeeze %dma_wait3A_414 : memref<1x8x1x8x128xf32, #tpu.memory_space<hbm>> -> memref<8x8x128xf32, #tpu.memory_space<hbm>>
    %dma_wait3A_416 = arith.constant 0 : i32
    %dma_wait3A_417 = arith.constant 0 : i32
    %dma_wait3A_418 = arith.constant 0 : i32
    %dma_wait3A_419 = tpu.memref_slice %arg5[%dma_wait3A_406, %dma_wait3A_416, %add3A, %dma_wait3A_417, %dma_wait3A_418] : memref<200x8x32x8x128xf32, #tpu.memory_space<hbm>> -> memref<1x8x1x8x128xf32, #tpu.memory_space<hbm>>
    %dma_wait3A_420 = tpu.memref_squeeze %dma_wait3A_419 : memref<1x8x1x8x128xf32, #tpu.memory_space<hbm>> -> memref<8x8x128xf32, #tpu.memory_space<hbm>>
    %dma_wait3A_421 = arith.constant 0 : i32
    %dma_wait3A_422 = arith.constant 0 : i32
    %dma_wait3A_423 = arith.constant 0 : i32
    %dma_wait3A_424 = tpu.memref_slice %arg21[%dma_wait3A_421, %dma_wait3A_422, %dma_wait3A_423] : memref<8x8x129xf32, #tpu.memory_space<vmem>> -> memref<8x8x128xf32, #tpu.memory_space<vmem>>
    tpu.wait_dma2 semaphore(%arg31 : memref<!tpu.dma_semaphore, #tpu.memory_space<semaphore_mem>>) src(%dma_wait3A_424 : memref<8x8x128xf32, #tpu.memory_space<vmem>>) dst(%dma_wait3A_420 : memref<8x8x128xf32, #tpu.memory_space<hbm>>)
    return
  }
}

module attributes {stable_mosaic.version = 14 : i64} {
  func.func @_detile_tc_body(%arg0: i32, %arg1: memref<64x1536xf32, #tpu.memory_space<vmem>>, %arg2: memref<64x1536xf32, #tpu.memory_space<vmem>>, %arg3: memref<1536x128xf32, #tpu.memory_space<vmem>>) attributes {dimension_semantics = [#tpu.dimension_semantics<arbitrary>], iteration_bounds = array<i64: 33>, scalar_prefetch = 0 : i64, scratch_operands = 0 : i64, tpu.core_type = #tpu.core_type<tc>, window_params = [{transform_indices = @transform_0, window_bounds = array<i64: 64, 1536>}, {transform_indices = @transform_1, window_bounds = array<i64: 64, 1536>}, {transform_indices = @transform_2, window_bounds = array<i64: 1536, 128>}]} {
    %get3A = arith.constant 0 : index
    %get3A_0 = arith.constant 0 : index
    %get3A_1 = vector.load %arg1[%get3A, %get3A_0] : memref<64x1536xf32, #tpu.memory_space<vmem>>, vector<64x1536xf32>
    %transpose3A = tpu.transpose %get3A_1, [1, 0] : vector<64x1536xf32> -> vector<1536x64xf32>
    %swap3A = arith.constant 0 : index
    %swap3A_2 = arith.constant 0 : index
    %swap3A_3 = vector.load %arg3[%swap3A, %swap3A_2] : memref<1536x128xf32, #tpu.memory_space<vmem>>, vector<1536x64xf32>
    tpu.vector_store %arg3[%swap3A, %swap3A_2], %transpose3A {strides = array<i32>} : memref<1536x128xf32, #tpu.memory_space<vmem>>, vector<1536x64xf32>,
    %get3A_4 = arith.constant 0 : index
    %get3A_5 = arith.constant 0 : index
    %get3A_6 = vector.load %arg2[%get3A_4, %get3A_5] : memref<64x1536xf32, #tpu.memory_space<vmem>>, vector<64x1536xf32>
    %transpose3A_7 = tpu.transpose %get3A_6, [1, 0] : vector<64x1536xf32> -> vector<1536x64xf32>
    %swap3A_8 = arith.constant 0 : index
    %swap3A_9 = arith.constant 64 : index
    %swap3A_10 = vector.load %arg3[%swap3A_8, %swap3A_9] : memref<1536x128xf32, #tpu.memory_space<vmem>>, vector<1536x64xf32>
    tpu.vector_store %arg3[%swap3A_8, %swap3A_9], %transpose3A_7 {strides = array<i32>} : memref<1536x128xf32, #tpu.memory_space<vmem>>, vector<1536x64xf32>,
    return
  }
  func.func @transform_0(%arg0: i32) -> (i32, i32) {
    %c0_i32 = arith.constant 0 : i32
    %c0_i32_0 = arith.constant 0 : i32
    return %c0_i32, %arg0 : i32, i32
  }
  func.func @transform_1(%arg0: i32) -> (i32, i32) {
    %add3A = arith.constant 33 : i32
    %add3A_0 = arith.addi %arg0, %add3A : i32
    %c0_i32 = arith.constant 0 : i32
    %c0_i32_1 = arith.constant 0 : i32
    return %c0_i32, %add3A_0 : i32, i32
  }
  func.func @transform_2(%arg0: i32) -> (i32, i32) {
    %c0_i32 = arith.constant 0 : i32
    %c0_i32_0 = arith.constant 0 : i32
    return %arg0, %c0_i32 : i32, i32
  }
}

module attributes {stable_mosaic.version = 14 : i64} {
  func.func @_pe_tc_body(%arg0: memref<100x128xf32, #tpu.memory_space<vmem>>) attributes {dimension_semantics = [], scalar_prefetch = 0 : i64, scratch_operands = 0 : i64, tpu.core_type = #tpu.core_type<tc>} {
    %iota3A = tpu.iota {dimensions = array<i32: 0>} : vector<100x128xi32>
    %iota3A_0 = tpu.iota {dimensions = array<i32: 1>} : vector<100x128xi32>
    %mul3A = arith.constant 128 : i32
    %mul3A_1 = vector.broadcast %mul3A : i32 to vector<100x128xi32>
    %mul3A_2 = arith.muli %iota3A, %mul3A_1 : vector<100x128xi32>
    %add3A = arith.addi %mul3A_2, %iota3A_0 : vector<100x128xi32>
    %jit3A = arith.constant 64 : i32
    %eq3A = arith.constant 0 : i32
    %eq3A_3 = arith.cmpi eq, %jit3A, %eq3A : i32
    %jit3A_4 = arith.constant 1 : i32
    %select_n3A = arith.select %eq3A_3, %jit3A_4, %jit3A : i32
    %rem3A = vector.broadcast %select_n3A : i32 to vector<100x128xi32>
    %rem3A_5 = arith.remsi %add3A, %rem3A : vector<100x128xi32>
    %ne3A = arith.constant 0 : i32
    %ne3A_6 = vector.broadcast %ne3A : i32 to vector<100x128xi32>
    %ne3A_7 = arith.cmpi ne, %rem3A_5, %ne3A_6 : vector<100x128xi32>
    %lt3A = arith.constant 0 : i32
    %lt3A_8 = vector.broadcast %lt3A : i32 to vector<100x128xi32>
    %lt3A_9 = arith.cmpi slt, %rem3A_5, %lt3A_8 : vector<100x128xi32>
    %lt3A_10 = arith.constant 0 : i32
    %lt3A_11 = arith.cmpi slt, %select_n3A, %lt3A_10 : i32
    %ne3A_12 = vector.broadcast %lt3A_11 : i1 to vector<100x128xi1>
    %ne3A_13 = vector.broadcast %ne3A_12 : vector<100x128xi1> to vector<100x128xi1>
    %ne3A_14 = arith.xori %lt3A_9, %ne3A_13 : vector<100x128xi1>
    %and3A = arith.andi %ne3A_14, %ne3A_7 : vector<100x128xi1>
    %add3A_15 = vector.broadcast %select_n3A : i32 to vector<100x128xi32>
    %add3A_16 = arith.addi %rem3A_5, %add3A_15 : vector<100x128xi32>
    %select_n3A_17 = arith.select %and3A, %add3A_16, %rem3A_5 : vector<100x128xi1>, vector<100x128xi32>
    %jit3A_18 = arith.constant 64 : i32
    %div3A = vector.broadcast %jit3A_18 : i32 to vector<100x128xi32>
    %div3A_19 = arith.divsi %add3A, %div3A : vector<100x128xi32>
    %sign3A = arith.constant 0 : i32
    %sign3A_20 = vector.broadcast %sign3A : i32 to vector<100x128xi32>
    %sign3A_21 = arith.cmpi sgt, %add3A, %sign3A_20 : vector<100x128xi32>
    %sign3A_22 = arith.extui %sign3A_21 : vector<100x128xi1> to vector<100x128xi32>
    %sign3A_23 = arith.constant 0 : i32
    %sign3A_24 = vector.broadcast %sign3A_23 : i32 to vector<100x128xi32>
    %sign3A_25 = arith.cmpi slt, %add3A, %sign3A_24 : vector<100x128xi32>
    %sign3A_26 = arith.extui %sign3A_25 : vector<100x128xi1> to vector<100x128xi32>
    %sign3A_27 = arith.subi %sign3A_22, %sign3A_26 : vector<100x128xi32>
    %sign3A_28 = arith.constant 0 : i32
    %sign3A_29 = arith.cmpi sgt, %jit3A_18, %sign3A_28 : i32
    %sign3A_30 = arith.extui %sign3A_29 : i1 to i32
    %sign3A_31 = arith.constant 0 : i32
    %sign3A_32 = arith.cmpi slt, %jit3A_18, %sign3A_31 : i32
    %sign3A_33 = arith.extui %sign3A_32 : i1 to i32
    %sign3A_34 = arith.subi %sign3A_30, %sign3A_33 : i32
    %ne3A_35 = vector.broadcast %sign3A_34 : i32 to vector<100x128xi32>
    %ne3A_36 = arith.cmpi ne, %sign3A_27, %ne3A_35 : vector<100x128xi32>
    %rem3A_37 = vector.broadcast %jit3A_18 : i32 to vector<100x128xi32>
    %rem3A_38 = arith.remsi %add3A, %rem3A_37 : vector<100x128xi32>
    %ne3A_39 = arith.constant 0 : i32
    %ne3A_40 = vector.broadcast %ne3A_39 : i32 to vector<100x128xi32>
    %ne3A_41 = arith.cmpi ne, %rem3A_38, %ne3A_40 : vector<100x128xi32>
    %and3A_42 = arith.andi %ne3A_36, %ne3A_41 : vector<100x128xi1>
    %sub3A = arith.constant 1 : i32
    %sub3A_43 = vector.broadcast %sub3A : i32 to vector<100x128xi32>
    %sub3A_44 = arith.subi %div3A_19, %sub3A_43 : vector<100x128xi32>
    %select_n3A_45 = arith.select %and3A_42, %sub3A_44, %div3A_19 : vector<100x128xi1>, vector<100x128xi32>
    %add3A_46 = arith.constant 1 : i32
    %add3A_47 = vector.broadcast %add3A_46 : i32 to vector<100x128xi32>
    %add3A_48 = arith.addi %select_n3A_45, %add3A_47 : vector<100x128xi32>
    %convert_element_type3A = arith.sitofp %add3A_48 : vector<100x128xi32> to vector<100x128xf32>
    %jit3A_49 = arith.constant 2 : i32
    %eq3A_50 = arith.constant 0 : i32
    %eq3A_51 = arith.cmpi eq, %jit3A_49, %eq3A_50 : i32
    %jit3A_52 = arith.constant 1 : i32
    %select_n3A_53 = arith.select %eq3A_51, %jit3A_52, %jit3A_49 : i32
    %rem3A_54 = vector.broadcast %select_n3A_53 : i32 to vector<100x128xi32>
    %rem3A_55 = arith.remsi %select_n3A_17, %rem3A_54 : vector<100x128xi32>
    %ne3A_56 = arith.constant 0 : i32
    %ne3A_57 = vector.broadcast %ne3A_56 : i32 to vector<100x128xi32>
    %ne3A_58 = arith.cmpi ne, %rem3A_55, %ne3A_57 : vector<100x128xi32>
    %lt3A_59 = arith.constant 0 : i32
    %lt3A_60 = vector.broadcast %lt3A_59 : i32 to vector<100x128xi32>
    %lt3A_61 = arith.cmpi slt, %rem3A_55, %lt3A_60 : vector<100x128xi32>
    %lt3A_62 = arith.constant 0 : i32
    %lt3A_63 = arith.cmpi slt, %select_n3A_53, %lt3A_62 : i32
    %ne3A_64 = vector.broadcast %lt3A_63 : i1 to vector<100x128xi1>
    %ne3A_65 = vector.broadcast %ne3A_64 : vector<100x128xi1> to vector<100x128xi1>
    %ne3A_66 = arith.xori %lt3A_61, %ne3A_65 : vector<100x128xi1>
    %and3A_67 = arith.andi %ne3A_66, %ne3A_58 : vector<100x128xi1>
    %add3A_68 = vector.broadcast %select_n3A_53 : i32 to vector<100x128xi32>
    %add3A_69 = arith.addi %rem3A_55, %add3A_68 : vector<100x128xi32>
    %select_n3A_70 = arith.select %and3A_67, %add3A_69, %rem3A_55 : vector<100x128xi1>, vector<100x128xi32>
    %sub3A_71 = arith.subi %select_n3A_17, %select_n3A_70 : vector<100x128xi32>
    %convert_element_type3A_72 = arith.sitofp %sub3A_71 : vector<100x128xi32> to vector<100x128xf32>
    %mul3A_73 = arith.constant -0.14391157 : f32
    %mul3A_74 = vector.broadcast %mul3A_73 : f32 to vector<100x128xf32>
    %mul3A_75 = arith.mulf %convert_element_type3A_72, %mul3A_74 : vector<100x128xf32>
    %exp3A = math.exp %mul3A_75 : vector<100x128xf32>
    %mul3A_76 = arith.mulf %convert_element_type3A, %exp3A : vector<100x128xf32>
    %jit3A_77 = arith.constant 2 : i32
    %eq3A_78 = arith.constant 0 : i32
    %eq3A_79 = arith.cmpi eq, %jit3A_77, %eq3A_78 : i32
    %jit3A_80 = arith.constant 1 : i32
    %select_n3A_81 = arith.select %eq3A_79, %jit3A_80, %jit3A_77 : i32
    %rem3A_82 = vector.broadcast %select_n3A_81 : i32 to vector<100x128xi32>
    %rem3A_83 = arith.remsi %select_n3A_17, %rem3A_82 : vector<100x128xi32>
    %ne3A_84 = arith.constant 0 : i32
    %ne3A_85 = vector.broadcast %ne3A_84 : i32 to vector<100x128xi32>
    %ne3A_86 = arith.cmpi ne, %rem3A_83, %ne3A_85 : vector<100x128xi32>
    %lt3A_87 = arith.constant 0 : i32
    %lt3A_88 = vector.broadcast %lt3A_87 : i32 to vector<100x128xi32>
    %lt3A_89 = arith.cmpi slt, %rem3A_83, %lt3A_88 : vector<100x128xi32>
    %lt3A_90 = arith.constant 0 : i32
    %lt3A_91 = arith.cmpi slt, %select_n3A_81, %lt3A_90 : i32
    %ne3A_92 = vector.broadcast %lt3A_91 : i1 to vector<100x128xi1>
    %ne3A_93 = vector.broadcast %ne3A_92 : vector<100x128xi1> to vector<100x128xi1>
    %ne3A_94 = arith.xori %lt3A_89, %ne3A_93 : vector<100x128xi1>
    %and3A_95 = arith.andi %ne3A_94, %ne3A_86 : vector<100x128xi1>
    %add3A_96 = vector.broadcast %select_n3A_81 : i32 to vector<100x128xi32>
    %add3A_97 = arith.addi %rem3A_83, %add3A_96 : vector<100x128xi32>
    %select_n3A_98 = arith.select %and3A_95, %add3A_97, %rem3A_83 : vector<100x128xi1>, vector<100x128xi32>
    %eq3A_99 = arith.constant 0 : i32
    %eq3A_100 = vector.broadcast %eq3A_99 : i32 to vector<100x128xi32>
    %eq3A_101 = arith.cmpi eq, %select_n3A_98, %eq3A_100 : vector<100x128xi32>
    %sin3A = math.sin %mul3A_76 : vector<100x128xf32>
    %cos3A = math.cos %mul3A_76 : vector<100x128xf32>
    %select_n3A_102 = arith.select %eq3A_101, %sin3A, %cos3A : vector<100x128xi1>, vector<100x128xf32>
    %swap3A = arith.constant 0 : index
    %swap3A_103 = arith.constant 0 : index
    %swap3A_104 = vector.load %arg0[%swap3A, %swap3A_103] : memref<100x128xf32, #tpu.memory_space<vmem>>, vector<100x128xf32>
    tpu.vector_store %arg0[%swap3A, %swap3A_103], %select_n3A_102 {strides = array<i32>} : memref<100x128xf32, #tpu.memory_space<vmem>>, vector<100x128xf32>,
    return
  }
}

</mosaic_0001>

<sc_bundles>
// kernel: kernel.5.cloned.1.call-start
scs
__scs_entry_jumppad:
0x0: {  	(pc) =	sbr.rel $0x88, $3  }
0x1: {  	(tag) =	ssettag $0x0;
	lr =	simm.s32 $0x1  }
0x2: {  	[smem:$0x3F9F] =	sst lr;
	_ =	strace $0xD0000000  }
0x3: {  	_ = 	snop  }
0x4: {  	_ = 	snop  }
0x5: {  	_ = 	snop  }
0x6: {  	_ = 	snop  }
0x7: {  	_ = 	snop  }
__scs_overlays_trampoline_lowered:
0x8: {  	[smem:$0x3FAE] =	sst s0  }
0x9: {  	[smem:$0x3FAF] =	sst s1  }
0xa: {  	[smem:$0x3FB0] =	sst s2  }
0xb: {  	[smem:$0x3FB1] =	sst s3  }
0xc: {  	[smem:$0x3FB2] =	sst s4  }
0xd: {  	[smem:$0x3FB3] =	sst s5  }
0xe: {  	[smem:$0x3FB4] =	sst s6  }
0xf: {  	[smem:$0x3FB5] =	sst s7  }
0x10: {  	[smem:$0x3FB6] =	sst s8  }
0x11: {  	[smem:$0x3FB7] =	sst s9;
	s0 =	simm.s32 @!p0 $0x0  }
0x12: {  	s1 =	sld [smem:$0x3F9D];
	s0 =	simm.s32 @p0 $0x1  }
0x13: {  	[smem:$0x3FB8] =	sst s0;
	s0 =	simm.s32 @!p1 $0x0  }
0x14: {  	s2 =	sld [smem:$0x3F9C];
	s0 =	simm.s32 @p1 $0x1  }
0x15: {  	[smem:$0x3FB9] =	sst s0;
	s0 =	simm.s32 @!p2 $0x0  }
0x16: {  	s3 =	sld [smem:$0x3FDB];
	s0 =	simm.s32 @p2 $0x1  }
0x17: {  	s4 =	simm.s32 $0x1BF5;
	[smem:$0x3FBB] =	sst s0  }
0x18: {  	s0 =	sld [smem:$0x3F9E];
	_ =	swait.ge [sflag:s4], $0x0  }
0x19: {  	s7 =	sld [smem:$0x3F9F]  }
0x1a: {  	s8 =	sadd.s32 $0xFFFFE003, lr  }
0x1b: {  	s9 =	sadd.s32 $0xFFFFFEF7, lr;
	s5 =	simm.s32 $0xFFFFFFFF;
	p2 =	slt.u32 s8, $0xFFFFF086  }
0x1c: {  	p1 =	slt.u32 s9, $0xF7A;
	s5 =	simm.s32 @!p2 $0x0  }
0x1d: {  	s5 =	simm.s32 @p1 $0x1;
	p0 =	seq.s32 s7, s2  }
0x1e: {  	s7 =	smul.u32 @!p0 $0xF7A, s2;
	p2 =	seq.s32 @!p0 s5, $0x0  }
0x1f: {  	s9 =	smul.u32 $0xF7A, s1;
	s8 =	simm.s32 @!p0 $0x1BF5;
	p2 =	por !p2, p0  }
0x20: {  	[sflag:s8] =	ssyncset.s32 @!p0 $0xFFFFF086;
	s6 =	sadd.s32 @!p0 s3, s7;
	s7 =	simm.s32 @!p0 $0x108  }
0x21: {  	s3 =	sadd.s32 s3, s9;
	s6 =	sadd.s32 @!p0 $0x88, s6;
	s7 =	simm.s32 @p2 $0x1082  }
0x22: {  	[simem:s7], [sflag:s8] =	dma.local @!p0 [hbm:s6], $0xF7A  }
0x23: {  	s9 =	sor.u32 $0xD0000000, s2;
	s6 =	simm.s32 $0x108;
	_ =	swait.ge @!p0 [sflag:s8], $0x0  }
0x24: {  	s3 =	sadd.s32 $0x88, s3;
	s6 =	simm.s32 @!p1 $0x1082;
	[sflag:s4] =	ssyncset.s32 $0xFFFFF086  }
0x25: {  	[simem:s6], [sflag:s4] =	dma.local [hbm:s3], $0xF7A  }
0x26: {  	[smem:$0x3F9F] =	sst s1;
	(tag) =	ssettag s2;
	_ =	strace s9  }
0x27: {  	s1 =	sld [smem:$0x3FAF]  }
0x28: {  	s2 =	sld [smem:$0x3FB0]  }
0x29: {  	s4 =	sld [smem:$0x3FB2]  }
0x2a: {  	p0 =	seq.s32 s5, $0x0;
	s5 =	sld [smem:$0x3FB3]  }
0x2b: {  	s6 =	sld [smem:$0x3FB4]  }
0x2c: {  	s7 =	sld [smem:$0x3FB5]  }
0x2d: {  	s3 =	simm.s32 $0x108;
	s8 =	sld [smem:$0x3FB6]  }
0x2e: {  	s3 =	simm.s32 @!p0 $0x1082;
	s9 =	sld [smem:$0x3FB7]  }
0x2f: {  	lr =	sadd.s32 s0, s3;
	s0 =	sld [smem:$0x3FAE]  }
0x30: {  	s3 =	sld [smem:$0x3FB1]  }
0x31: {  	[smem:$0x3FBA] =	sst s10  }
0x32: {  	s10 =	sld [smem:$0x3FB8];
	_ =	sdelay $0x3  }
0x33: {  	p0 =	seq.s32 s10, $0x1;
	s10 =	sld [smem:$0x3FBA];
	_ =	sdelay $0x3  }
0x34: {  	[smem:$0x3FBA] =	sst s10  }
0x35: {  	s10 =	sld [smem:$0x3FB9];
	_ =	sdelay $0x3  }
0x36: {  	p1 =	seq.s32 s10, $0x1;
	s10 =	sld [smem:$0x3FBA];
	_ =	sdelay $0x3  }
0x37: {  	[smem:$0x3FBA] =	sst s10  }
0x38: {  	s10 =	sld [smem:$0x3FBB]  }
0x39: {  	_ = 	snop;
	(pc) =	sbr.ind lr, $3  }
0x3a: {  	_ = 	snop  }
0x3b: {  	_ = 	snop  }
0x3c: {  	p2 =	seq.s32 s10, $0x1;
	s10 =	sld [smem:$0x3FBA]  }
0x3d: {  	_ =	shalt  }
0x3e: {  	_ =	shalt  }
0x3f: {  	_ =	shalt  }
0x40: {  	_ =	shalt  }
0x41: {  	_ =	shalt  }
0x42: {  	_ =	shalt  }
0x43: {  	_ =	shalt  }
0x44: {  	_ =	shalt  }
0x45: {  	_ =	shalt  }
0x46: {  	_ =	shalt  }
0x47: {  	_ =	shalt  }
0x48: {  	_ =	shalt  }
0x49: {  	_ =	shalt  }
0x4a: {  	_ =	shalt  }
0x4b: {  	_ =	shalt  }
0x4c: {  	_ =	shalt  }
0x4d: {  	_ =	shalt  }
0x4e: {  	_ =	shalt  }
0x4f: {  	_ =	shalt  }
0x50: {  	_ =	shalt  }
0x51: {  	_ =	shalt  }
0x52: {  	_ =	shalt  }
0x53: {  	_ =	shalt  }
0x54: {  	_ =	shalt  }
0x55: {  	_ =	shalt  }
0x56: {  	_ =	shalt  }
0x57: {  	_ =	shalt  }
0x58: {  	_ =	shalt  }
0x59: {  	_ =	shalt  }
0x5a: {  	_ =	shalt  }
0x5b: {  	_ =	shalt  }
0x5c: {  	_ =	shalt  }
0x5d: {  	_ =	shalt  }
0x5e: {  	_ =	shalt  }
0x5f: {  	_ =	shalt  }
0x60: {  	_ =	shalt  }
0x61: {  	_ =	shalt  }
0x62: {  	_ =	shalt  }
0x63: {  	_ =	shalt  }
0x64: {  	_ =	shalt  }
0x65: {  	_ =	shalt  }
0x66: {  	_ =	shalt  }
0x67: {  	_ =	shalt  }
0x68: {  	_ =	shalt  }
0x69: {  	_ =	shalt  }
0x6a: {  	_ =	shalt  }
0x6b: {  	_ =	shalt  }
0x6c: {  	_ =	shalt  }
0x6d: {  	_ =	shalt  }
0x6e: {  	_ =	shalt  }
0x6f: {  	_ =	shalt  }
0x70: {  	_ =	shalt  }
0x71: {  	_ =	shalt  }
0x72: {  	_ =	shalt  }
0x73: {  	_ =	shalt  }
0x74: {  	_ =	shalt  }
0x75: {  	_ =	shalt  }
0x76: {  	_ =	shalt  }
0x77: {  	_ =	shalt  }
0x78: {  	_ =	shalt  }
0x79: {  	_ =	shalt  }
0x7a: {  	_ =	shalt  }
0x7b: {  	_ =	shalt  }
0x7c: {  	_ =	shalt  }
0x7d: {  	_ =	shalt  }
0x7e: {  	_ =	shalt  }
0x7f: {  	_ =	shalt  }
0x80: {  	_ =	shalt  }
0x81: {  	_ =	shalt  }
0x82: {  	_ =	shalt  }
0x83: {  	_ =	shalt  }
0x84: {  	_ =	shalt  }
0x85: {  	_ =	shalt  }
0x86: {  	_ =	shalt  }
0x87: {  	_ =	shalt  }
.Lfunc_end0:
.L_simem_size_0:
called_computation_lowered:
.L_overlay_start_0:
0x88: {  	s2 =	sld [smem:$0x3FD9]  }
0x89: {  	s3 =	sld [smem:$0x3FFE];
	_ =	sdelay $0x1  }
0x8a: {  	s1 =	srdreg.scid  }
0x8b: {  	s0 =	sand.u32 $0x1, s1  }
0x8c: {  	s17 =	sshll.u32 s0, $0xA;
	s2 =	sadd.s32 s3, s2  }
0x8d: {  	s2 =	sadd.s32 s2, s17  }
0x8e: {  	[smem:$0x3FC6] =	sst s2  }
0x8f: {  	_ = 	snop  }
0x90: {  	s2 =	sld [smem:$0x3FD0];
	(tm) =	ssettm $0x1  }
0x91: {  	s18 =	sld [smem:$0x3FFB];
	_ =	sdelay $0x3  }
0x92: {  	_ =	strace s18  }
0x93: {  	s3 =	sld [smem:$0x3FFC];
	_ =	sdelay $0x3  }
0x94: {  	_ =	strace s3  }
0x95: {  	s3 =	sld [smem:$0x3FFD];
	_ =	sdelay $0x3  }
0x96: {  	_ =	strace s3  }
0x97: {  	_ =	strace $0x8FFFFFFF  }
0x98: {  	s19 =	sld [smem:$0x3FDB];
	_ =	sdelay $0x1  }
0x99: {  	s4 =	simm.s32 $_scs_section_size  }
0x9a: {  	s5 =	simm.s32 $_size__tile_overlayer_lowered;
	s6 =	simm.s32 $_tile_overlayer_lowered  }
0x9b: {  	s22 =	simm.s32 $0x1BFF;
	s21 =	sshll.u32 s6, $0x1;
	s3 =	sadd.s32 s4, s19  }
0x9c: {  	s7 =	simm.s32 $0x0;
	s20 =	sshll.u32 s5, $0x1;
	s5 =	sadd.s32 s21, s3  }
0x9d: {  	[timem:s7], [sflag:s22] =	dma.local [hbm:s5], s20  }
0x9e: {  	_ =	swait.ge [sflag:s22], s20  }
0x9f: {  	s4 =	ssub.s32 $0x0, s20;
	[sflag:s22] =	ssyncset.done $0x0  }
0xa0: {  	[sflag:s22] =	ssyncadd.s32 s4;
	_ =	sdelay $0x1  }
0xa1: {  	s23 =	simm.s32 $0x1B8B  }
0xa2: {  	_ =	swait.ge [sflag:s23], $0x1  }
0xa3: {  	[sflag:s23] =	ssyncset.done $0x0  }
0xa4: {  	s25 =	simm.s32 $0x1B8E;
	s24 =	sld [smem:$0x3FFE];
	[sflag:s23] =	ssyncadd.s32 $0xFFFFFFFF  }
0xa5: {  	s26 =	simm.s32 $execute0_lowered;
	[smem:$0x3FD2] =	sst s25  }
0xa6: {  	s5 =	sshll.u32 s26, $0x1;
	_ =	strace $0x80000046;
	[dreg:$0x1] =	wrdreg $0xFFFFFFFF  }
0xa7: {  	s28 =	simm.s32 $_size_execute0_lowered;
	s3 =	sadd.s32 s3, s5;
	[dreg:$0x0] =	wrdreg $0x0  }
0xa8: {  	s5 =	sshll.u32 s28, $0x1;
	[dreg:$0x2] =	wrdreg s3  }
0xa9: {  	[dreg:$0x3] =	wrdreg s5  }
0xaa: {  	[dreg:$0x4] =	wrdreg $0xC0  }
0xab: {  	_ =	task [dreg:s7], $0x5FFFF  }
0xac: {  	[dreg:$0x1] =	wrdreg $0xFFFFFFFF  }
0xad: {  	[dreg:$0x0] =	wrdreg $0x60  }
0xae: {  	[dreg:$0x2] =	wrdreg s24  }
0xaf: {  	[dreg:$0x3] =	wrdreg s2  }
0xb0: {  	[dreg:$0x4] =	wrdreg $0x9  }
0xb1: {  	_ =	task.clear_ibuf [dreg:s7], $0x5FFFF;
	_ =	strace $0x90000046  }
0xb2: {  	s29 =	simm.s32 $0x9;
	_ =	strace $0x80000048  }
0xb3: {  	_ =	swait.ge [sflag:s29], $0x1  }
0xb4: {  	[sflag:s29] =	ssyncadd.s32 $0xFFFFFFFF  }
0xb5: {  	_ =	strace $0x90000048  }
0xb6: {  	_ =	sfence  }
0xb7: {  	s30 =	sld [smem:$0x0];
	_ =	sdelay $0x2  }
0xb8: {  	s31 =	sshll.u32 s1, $0xD;
	s1 =	sshrl.u32 s1, $0x2  }
0xb9: {  	s3 =	sand.u32 $0x4000, s31;
	s1 =	sadd.s32 s1, s30  }
0xba: {  	s0 =	sor.u32 s3, s0;
	s1 =	sshll.u32 s1, $0x11  }
0xbb: {  	s0 =	sor.u32 s1, s0  }
0xbc: {  	s0 =	sadd.s32 $0x8F2B, s0  }
0xbd: {  	[sflag:s0] =	ssyncadd.remote.s32 $0x1  }
0xbe: {  	_ =	sfence.sel $0xFFFF  }
0xbf: {  	[dreg:$0x0] =	wrdreg $0xFFFFFFFF;
	(pc) =	sbr.abs _section_cstart, $3  }
0xc0: {  	[dreg:$0x1] =	wrdreg $0xFFFFFFFF  }
0xc1: {  	_ =	task.clear_ibuf [dreg:s7], $0x2FFFF;
	_ =	strace $0x9FFFFFFF  }
0xc2: {  	(tm) =	ssettm $0x7FFFFFFF  }
0xc3: {  	_ =	shalt  }
tec
execute0_lowered:
.L_overlay_start_1:
0x0: {  	(tag) =	ssettag $0x1  }
0x1: {  	s0 =	rddreg [dreg:$0x0]  }
0x2: {  	s2 =	rddreg [dreg:$0x1];
	s1 =	srdreg.scid  }
0x3: {  	s4 =	stileid.u32;
	s3 =	simm.s32 $0x0;
	s18 =	simm.s32 $0x40  }
0x4: {  	s23 =	simm.s32 $0x6500;
	s28 =	simm.s32 $0x12740;
	s29 =	simm.s32 $0x3  }
0x5: {  	s30 =	simm.s32 $0x14940;
	s31 =	simm.s32 $0x4;
	s16 =	simm.s32 $0x18D40  }
0x6: {  	s10 =	simm.s32 $0x0;
	s1 =	sand.u32 $0x1, s1;
	s4 =	sshll.u32 s4, $0x1  }
0x7: {  	[smem:$0x7FF] =	sst s3;
	s5 =	sadd.s32 $0x600, s0;
	s24 =	sadd.s32 $0x608, s0  }
0x8: {  	s25 =	sadd.s32 $0x610, s0;
	_ =	strace $0x80000047;
	[dreg:$0x4] =	wrdreg s24  }
0x9: {  	s6 =	sor.u32 s1, s4;
	s1 =	ssub.s32 $0x2, s1;
	[dreg:$0x5] =	wrdreg s25  }
0xa: {  	s24 =	simm.s32 $0x1;
	s25 =	simm.s32 $0x10540;
	s4 =	sshll.u32 s6, $0x4  }
0xb: {  	s8 =	sshrl.u32 s1, $0x1;
	s9 =	sshll.u32 s6, $0xA;
	s7 =	sadd.s32 s4, s0  }
0xc: {  	s4 =	sadd.s32 $0x19E00, s0;
	s1 =	ssub.s32 s1, s8;
	s0 =	sadd.s32 $0x618, s0  }
0xd: {  	v0 =	vlaneseq.u32;
	s11 =	sor.u32 $0x40000, s9;
	s12 =	sor.u32 $0x80000, s9;
	s13 =	sor.u32 $0xC0000, s9  }
0xe: {  	v0 =	vmul.u32 $0x88, v0;
	s8 =	simm.s32 $0x80;
	s7 =	sadd.s32 $0xE00, s7;
	[dreg:$0x6] =	wrdreg s0  }
0xf: {  	v1 =	vimm.s32 $0xFFFE7401;
	s26 =	smax.u32 s1, $0x1;
	s0 =	simm.s32 $0x16B40;
	[dreg:$0x3] =	wrdreg s7  }
0x10: {  	v2 =	vadd.s32 $0x880, v0;
	v3 =	vadd.s32 $0x1100, v0;
	v4 =	vadd.s32 $0x1980, v0;
	s1 =	simm.s32 $0x5;
	[dreg:$0x7] =	wrdreg s26;
	s26 =	simm.s32 $0x2  }
.LBB2_1:
0x11: {  	[dreg:$0x8] =	wrdreg s10  }
0x12: {  	s6 =	rddreg [dreg:$0x3];
	s7 =	simm.s32 $0x1000;
	s22 =	simm.s32 $0xB  }
0x13: {  	[tilespmem:s3], [sflag:$0xB] =	stream.strided.gather [hbm4b:s6+s8], $0x6400, s7, s8, $0x38;
	[tilespmem:$0x1AF40] =	vst v63  }
0x14: {  	_ =	swait.ge [sflag:s22], $0x6400  }
0x15: {  	[sflag:s22] =	ssyncset.done $0x0  }
0x16: {  	s14 =	simm.s32 $0x0;
	[sflag:s22] =	ssyncadd.s32 $0xFFFF9C00  }
0x17: {  	v5 =	vld [tilespmem:s14+$0x70]  }
0x18: {  	v6 =	vld [tilespmem:s14+$0x0]  }
0x19: {  	v7 =	vld [tilespmem:s14+$0x10]  }
0x1a: {  	v9 =	vld [tilespmem:s14+$0x30];
	_ =	sdelay $0x1  }
0x1b: {  	v8 =	vld [tilespmem:s14+$0x20]  }
0x1c: {  	v11 =	vld [tilespmem:s14+$0x50];
	vm0 =	vlt.s32 v5, $0xC600;
	vm1 =	vlt.s32 v6, $0xC600;
	v5 =	vshll.u32 v5, $0x1  }
0x1d: {  	s10 =	simm.s32 $0x80;
	v10 =	vld [tilespmem:s14+$0x40];
	v6 =	vshll.u32 v6, $0x1;
	v12 =	vsel vm0, $0x0, v1;
	v13 =	vsel vm1, $0x0, v1  }
0x1e: {  	v19 =	vld [tilespmem:s10+$0x0];
	vm0 =	vlt.s32 v7, $0xC600;
	v7 =	vshll.u32 v7, $0x1;
	vm1 =	vlt.s32 v9, $0xC600  }
0x1f: {  	v23 =	vld [tilespmem:s10+$0x20];
	v9 =	vshll.u32 v9, $0x1;
	v5 =	vadd.s32 v5, v12;
	v12 =	vsel vm0, $0x0, v1  }
0x20: {  	v14 =	vld [tilespmem:s14+$0x60];
	vm0 =	vlt.s32 v8, $0xC600;
	v8 =	vshll.u32 v8, $0x1;
	v16 =	vsel vm1, $0x0, v1  }
0x21: {  	vm1 =	vlt.s32 v11, $0xC600;
	v11 =	vshll.u32 v11, $0x1;
	v15 =	vsel vm0, $0x0, v1  }
0x22: {  	v17 =	vld [tilespmem:s10+$0x70];
	vm0 =	vlt.s32 v10, $0xC600;
	v10 =	vshll.u32 v10, $0x1;
	v20 =	vsel vm1, $0x0, v1  }
0x23: {  	v21 =	vld [tilespmem:s10+$0x10];
	[tilespmem:s14+$0x70] =	vst v5;
	v5 =	vadd.s32 v6, v13;
	v7 =	vadd.s32 v7, v12;
	v12 =	vadd.s32 v9, v16  }
0x24: {  	vm1 =	vlt.s32 v19, $0xC600;
	v16 =	vshll.u32 v23, $0x1;
	v18 =	vsel vm0, $0x0, v1  }
0x25: {  	v6 =	vld [tilespmem:s10+$0x30];
	vm0 =	vlt.s32 v14, $0xC600;
	v14 =	vshll.u32 v14, $0x1;
	v8 =	vadd.s32 v8, v15;
	[tilespmem:s14+$0x0] =	vst v5  }
0x26: {  	v5 =	vld [tilespmem:s10+$0x40];
	[tilespmem:s14+$0x30] =	vst v12;
	v12 =	vshll.u32 v19, $0x1;
	v22 =	vsel vm0, $0x0, v1;
	v15 =	vadd.s32 v10, v18  }
0x27: {  	[tilespmem:s14+$0x10] =	vst v7;
	v7 =	vld [tilespmem:s10+$0x50];
	v18 =	vadd.s32 v11, v20;
	vm0 =	vlt.s32 v17, $0xC600;
	v11 =	vshll.u32 v17, $0x1  }
0x28: {  	[tilespmem:s14+$0x20] =	vst v8;
	v8 =	vsel vm1, $0x0, v1;
	v10 =	vld [tilespmem:s10+$0x60];
	v13 =	vsel vm0, $0x0, v1;
	vm0 =	vlt.s32 v21, $0xC600  }
0x29: {  	[tilespmem:s14+$0x40] =	vst v15;
	v13 =	vadd.s32 v11, v13;
	v11 =	vsel vm0, $0x0, v1;
	vm0 =	vlt.s32 v23, $0xC600  }
0x2a: {  	v9 =	vadd.s32 v14, v22;
	[tilespmem:s10+$0x70] =	vst v13;
	v13 =	vsel vm0, $0x0, v1;
	vm0 =	vlt.s32 v6, $0xC600  }
0x2b: {  	s6 =	simm.s32 $0x100;
	s7 =	simm.s32 $0x600;
	v14 =	vshll.u32 v21, $0x1;
	[tilespmem:s14+$0x50] =	vst v18;
	v15 =	vsel vm0, $0x0, v1;
	vm0 =	vlt.s32 v5, $0xC600  }
.LBB2_2:
0x2c: {  	p0 =	sne.s32 s7, $0x18E00;
	v17 =	vld [tilespmem:s6+$0x70];
	v18 =	vshll.u32 v6, $0x1;
	v19 =	vsel vm0, $0x0, v1;
	vm0 =	vlt.s32 v7, $0xC600;
	[tilespmem:s14+$0x60] =	vst v9;
	s14 =	smov.u32 s10;
	s10 =	smov.u32 s6  }
0x2d: {  	v5 =	vshll.u32 v5, $0x1;
	v20 =	vld [tilespmem:s10+$0x0];
	v9 =	vsel vm0, $0x0, v1;
	vm0 =	vlt.s32 v10, $0xC600  }
0x2e: {  	v7 =	vshll.u32 v7, $0x1;
	v10 =	vshll.u32 v10, $0x1;
	v21 =	vld [tilespmem:s10+$0x10];
	v22 =	vsel vm0, $0x0, v1  }
0x2f: {  	v8 =	vadd.s32 v12, v8;
	v11 =	vadd.s32 v14, v11;
	v12 =	vadd.s32 v16, v13;
	v23 =	vld [tilespmem:s10+$0x20]  }
0x30: {  	v13 =	vadd.s32 v18, v15;
	v15 =	vadd.s32 v5, v19;
	v18 =	vadd.s32 v7, v9;
	v6 =	vld [tilespmem:s10+$0x30];
	[tilespmem:s14+$0x0] =	vst v8  }
0x31: {  	v9 =	vadd.s32 v10, v22;
	v5 =	vld [tilespmem:s10+$0x40];
	vm0 =	vlt.s32 v17, $0xC600;
	[tilespmem:s14+$0x10] =	vst v11  }
.Ltmp0:
0x32: {  	v11 =	vshll.u32 v17, $0x1;
	vm1 =	vlt.s32 v20, $0xC600;
	v7 =	vld [tilespmem:s10+$0x50];
	v14 =	vsel vm0, $0x0, v1;
	[tilespmem:s14+$0x20] =	vst v12;
	(pc) =	sbr.rel @p0 .LBB2_2-.Ltmp0, $4  }
0x33: {  	v8 =	vsel vm1, $0x0, v1;
	vm0 =	vlt.s32 v21, $0xC600;
	v10 =	vld [tilespmem:s10+$0x60];
	v14 =	vadd.s32 v11, v14;
	[tilespmem:s14+$0x30] =	vst v13  }
0x34: {  	v12 =	vshll.u32 v20, $0x1;
	v11 =	vsel vm0, $0x0, v1;
	vm0 =	vlt.s32 v23, $0xC600;
	[tilespmem:s10+$0x70] =	vst v14  }
0x35: {  	v14 =	vshll.u32 v21, $0x1;
	v13 =	vsel vm0, $0x0, v1;
	vm0 =	vlt.s32 v6, $0xC600;
	[tilespmem:s14+$0x40] =	vst v15  }
0x36: {  	s6 =	sshra.s32 s7, $0x2;
	s7 =	sadd.s32 $0x200, s7;
	v16 =	vshll.u32 v23, $0x1;
	v15 =	vsel vm0, $0x0, v1;
	vm0 =	vlt.s32 v5, $0xC600;
	[tilespmem:s14+$0x50] =	vst v18  }
0x37: {  	v17 =	vld [tilespmem:s6+$0x70]  }
0x38: {  	v6 =	vshll.u32 v6, $0x1;
	vm1 =	vlt.s32 v7, $0xC600;
	v18 =	vld [tilespmem:s6+$0x0]  }
0x39: {  	v19 =	vsel vm0, $0x0, v1;
	v5 =	vshll.u32 v5, $0x1;
	v21 =	vld [tilespmem:s6+$0x10];
	v7 =	vshll.u32 v7, $0x1  }
0x3a: {  	[tilespmem:s14+$0x60] =	vst v9;
	v46 =	vld [tilespmem:s6+$0x20];
	v8 =	vadd.s32 v12, v8;
	v11 =	vadd.s32 v14, v11;
	v50 =	vadd.s32 v16, v13  }
0x3b: {  	v49 =	vld [tilespmem:s6+$0x30];
	v20 =	vsel vm1, $0x0, v1;
	vm7 =	vlt.s32 v10, $0xC600;
	v47 =	vshll.u32 v10, $0x1;
	[tilespmem:s10+$0x0] =	vst v8  }
0x3c: {  	v51 =	vld [tilespmem:s6+$0x40];
	v6 =	vadd.s32 v6, v15;
	[tilespmem:s10+$0x10] =	vst v11;
	v5 =	vadd.s32 v5, v19;
	v48 =	vsel vm7, $0x0, v1  }
0x3d: {  	v7 =	vadd.s32 v7, v20;
	[tilespmem:s10+$0x30] =	vst v6;
	v6 =	vadd.s32 v47, v48;
	vm8 =	vlt.s32 v17, $0xC600  }
0x3e: {  	v52 =	vld [tilespmem:s6+$0x50];
	[tilespmem:s10+$0x20] =	vst v50;
	v53 =	vshll.u32 v17, $0x1;
	vm9 =	vlt.s32 v18, $0xC600;
	vm10 =	vlt.s32 v21, $0xC600  }
0x3f: {  	v55 =	vld [tilespmem:s6+$0x60];
	[tilespmem:s10+$0x40] =	vst v5;
	v57 =	vshll.u32 v18, $0x1;
	vm11 =	vlt.s32 v46, $0xC600;
	v5 =	vshll.u32 v21, $0x1  }
0x40: {  	[tilespmem:s10+$0x50] =	vst v7;
	vm12 =	vlt.s32 v49, $0xC600;
	v7 =	vshll.u32 v46, $0x1;
	v54 =	vsel vm8, $0x0, v1  }
0x41: {  	[tilespmem:s10+$0x60] =	vst v6;
	vm13 =	vlt.s32 v51, $0xC600;
	v56 =	vsel vm9, $0x0, v1;
	v15 =	vadd.s32 v53, v54  }
0x42: {  	v61 =	vshll.u32 v49, $0x1;
	v58 =	vsel vm10, $0x0, v1;
	v6 =	vadd.s32 v57, v56;
	[tilespmem:s6+$0x70] =	vst v15  }
0x43: {  	vm14 =	vlt.s32 v52, $0xC600;
	v59 =	vsel vm11, $0x0, v1;
	v5 =	vadd.s32 v5, v58;
	[tilespmem:s6+$0x0] =	vst v6  }
0x44: {  	vm15 =	vlt.s32 v55, $0xC600;
	v60 =	vsel vm12, $0x0, v1;
	v7 =	vadd.s32 v7, v59;
	[tilespmem:s6+$0x10] =	vst v5  }
0x45: {  	v9 =	vadd.s32 v61, v60;
	v6 =	vsel vm13, $0x0, v1;
	v5 =	vshll.u32 v51, $0x1;
	[tilespmem:s6+$0x20] =	vst v7  }
0x46: {  	v62 =	vsel vm14, $0x0, v1;
	v7 =	vshll.u32 v52, $0x1;
	[tilespmem:s6+$0x30] =	vst v9;
	v5 =	vadd.s32 v5, v6  }
0x47: {  	v63 =	vsel vm15, $0x0, v1;
	v6 =	vshll.u32 v55, $0x1;
	v7 =	vadd.s32 v7, v62;
	[tilespmem:s6+$0x40] =	vst v5  }
0x48: {  	v5 =	vadd.s32 v6, v63;
	[tilespmem:s6+$0x50] =	vst v7  }
0x49: {  	s20 =	simm.s32 $0x6540;
	s10 =	simm.s32 $0x0;
	[tilespmem:s6+$0x60] =	vst v5  }
0x4a: {  	[tilespmem:s20], [sflag:$0x1] =	stream.indirect.gather [hbm4b:s4+s18], $0x40, s10, s18, $0xb8;
	[tilespmem:$0x1AF40] =	vst v63  }
0x4b: {  	s21 =	simm.s32 $0x7540  }
0x4c: {  	[tilespmem:s21], [sflag:$0x1] =	stream.indirect.gather [hbm4b:s4+s18], $0x40, s18, s18, $0xb8;
	[tilespmem:$0x1AF40] =	vst v63  }
0x4d: {  	s22 =	simm.s32 $0x6400  }
0x4e: {  	[tilespmem:s22], [sflag:$0x1] =	stream.linear.gather [hbm4b:s5+s10], $0x40, $0x38;
	[tilespmem:$0x1AF40] =	vst v63  }
0x4f: {  	s7 =	simm.s32 $0x8540  }
0x50: {  	[tilespmem:s7], [sflag:$0x2] =	stream.indirect.gather [hbm4b:s4+s18], $0x40, s8, s18, $0xb8;
	[tilespmem:$0x1AF40] =	vst v63  }
0x51: {  	s14 =	simm.s32 $0xC0;
	s7 =	simm.s32 $0x9540  }
0x52: {  	[tilespmem:s7], [sflag:$0x2] =	stream.indirect.gather [hbm4b:s4+s18], $0x40, s14, s18, $0xb8;
	[tilespmem:$0x1AF40] =	vst v63  }
0x53: {  	s17 =	simm.s32 $0x6440;
	s15 =	rddreg [dreg:$0x4]  }
0x54: {  	[tilespmem:s17], [sflag:$0x2] =	stream.linear.gather [hbm4b:s15+s10], $0x40, $0x38;
	[tilespmem:$0x1AF40] =	vst v63  }
0x55: {  	s19 =	simm.s32 $0x100;
	s20 =	simm.s32 $0xA540  }
0x56: {  	[tilespmem:s20], [sflag:$0x3] =	stream.indirect.gather [hbm4b:s4+s18], $0x40, s19, s18, $0xb8;
	[tilespmem:$0x1AF40] =	vst v63  }
0x57: {  	s21 =	simm.s32 $0x140;
	s22 =	simm.s32 $0xB540  }
0x58: {  	[tilespmem:s22], [sflag:$0x3] =	stream.indirect.gather [hbm4b:s4+s18], $0x40, s21, s18, $0xb8;
	[tilespmem:$0x1AF40] =	vst v63  }
0x59: {  	s8 =	rddreg [dreg:$0x5];
	s14 =	simm.s32 $0x6480  }
0x5a: {  	[tilespmem:s14], [sflag:$0x3] =	stream.linear.gather [hbm4b:s8+s10], $0x40, $0x38;
	[tilespmem:$0x1AF40] =	vst v63  }
0x5b: {  	s15 =	simm.s32 $0x180;
	s17 =	simm.s32 $0xC540  }
0x5c: {  	[tilespmem:s17], [sflag:$0x4] =	stream.indirect.gather [hbm4b:s4+s18], $0x40, s15, s18, $0xb8;
	[tilespmem:$0x1AF40] =	vst v63  }
0x5d: {  	s19 =	simm.s32 $0x1C0;
	s20 =	simm.s32 $0xD540  }
0x5e: {  	[tilespmem:s20], [sflag:$0x4] =	stream.indirect.gather [hbm4b:s4+s18], $0x40, s19, s18, $0xb8;
	[tilespmem:$0x1AF40] =	vst v63  }
0x5f: {  	s21 =	rddreg [dreg:$0x6];
	s22 =	simm.s32 $0x64C0;
	s14 =	simm.s32 $0x0  }
0x60: {  	[tilespmem:s22], [sflag:$0x4] =	stream.linear.gather [hbm4b:s21+s10], $0x40, $0x38;
	[tilespmem:$0x1AF40] =	vst v63  }
.LBB2_4:
0x61: {  	s19 =	smul.u32 $0x5, s14;
	_ =	sdelay $0x1  }
0x62: {  	s17 =	sadd.s32 $0x4, s19  }
0x63: {  	s6 =	sshll.u32 s17, $0x7  }
0x64: {  	s7 =	simm.s32 $0xE540;
	s6 =	sand.u32 $0x3FFFFF80, s6  }
0x65: {  	[tilespmem:s7], [sflag:$0x5] =	stream.indirect.gather [hbm4b:s4+s18], $0x40, s6, s18, $0xb8;
	[tilespmem:$0x1AF40] =	vst v63  }
0x66: {  	s22 =	simm.s32 $0xF540;
	s8 =	sshll.u32 s17, $0x3;
	s6 =	sor.u32 $0x40, s6  }
0x67: {  	[tilespmem:s22], [sflag:$0x5] =	stream.indirect.gather [hbm4b:s4+s18], $0x40, s6, s18, $0xb8;
	[tilespmem:$0x1AF40] =	vst v63  }
0x68: {  	s6 =	sadd.s32 s5, s8  }
0x69: {  	[tilespmem:s23], [sflag:$0x5] =	stream.linear.gather [hbm4b:s6+s3], $0x40, $0x38;
	[tilespmem:$0x1AF40] =	vst v63  }
0x6a: {  	_ =	swait.ge [sflag:s24], $0x1000  }
0x6b: {  	[sflag:s24] =	ssyncset.done $0x0  }
0x6c: {  	[sflag:s24] =	ssyncadd.s32 $0xFFFFF000  }
0x6d: {  	_ =	swait.ge [sflag:s24], $0x1000  }
0x6e: {  	[sflag:s24] =	ssyncset.done $0x0  }
0x6f: {  	[sflag:s24] =	ssyncadd.s32 $0xFFFFF000  }
0x70: {  	_ =	swait.ge [sflag:s24], $0x40  }
0x71: {  	p0 =	seq.s32 s14, $0x0;
	[sflag:s24] =	ssyncset.done $0x0  }
0x72: {  	s6 =	simm.s32 @!p0 $0x6;
	[sflag:s24] =	ssyncadd.s32 $0xFFFFFFC0  }
0x73: {  	_ =	swait.ge @!p0 [sflag:s6], $0x2000  }
0x74: {  	[sflag:s6] =	ssyncset.done @!p0 $0x0  }
0x75: {  	[sflag:s6] =	ssyncadd.s32 @!p0 $0xFFFFE000  }
0x76: {  	s8 =	simm.s32 $0x6560;
	v8 =	vld [tilespmem:$0x6400]  }
0x77: {  	v5 =	vmov s10;
	v6 =	vld [tilespmem:s8+$0xFFFFFFE0]  }
0x78: {  	v13 =	vand.u32 $0x7F, v5  }
0x79: {  	v9 =	vadd.s32 v0, v13;
	_ =	sdelay $0x1  }
0x7a: {  	s15 =	simm.s32 $0x1;
	s20 =	simm.s32 $0x65A0;
	v10 =	vld [tilespmem:$0x6410]  }
0x7b: {  	v5 =	vmov s15;
	v11 =	vld [tilespmem:s20+$0xFFFFFFE0];
	v12 =	vadd.f32 v6, v8  }
0x7c: {  	v7 =	vld [tilespmem:$0x6420];
	v6 =	vand.u32 $0x7F, v5  }
0x7d: {  	v5 =	vld [tilespmem:$0x6430];
	v14 =	vadd.s32 v0, v6;
	[tilespmem:v9+s25+$0x0] =	vst.idx.msk $0xffff, v12  }
0x7e: {  	v12 =	vld [tilespmem:s8+$0xFFFFFFF0];
	_ =	sdelay $0x1  }
0x7f: {  	s21 =	simm.s32 $0x2;
	s15 =	simm.s32 $0x65E0;
	v15 =	vadd.s32 v2, v13;
	v11 =	vadd.f32 v11, v8  }
0x80: {  	v16 =	vld [tilespmem:s15+$0xFFFFFFE0];
	v9 =	vmov s21  }
0x81: {  	v9 =	vand.u32 $0x7F, v9;
	[tilespmem:v14+s25+$0x0] =	vst.idx.msk $0xffff, v11  }
0x82: {  	v11 =	vadd.s32 v0, v9;
	v14 =	vld [tilespmem:s20+$0xFFFFFFF0];
	v12 =	vadd.f32 v12, v10;
	_ =	sdelay $0x1  }
0x83: {  	[tilespmem:v15+s25+$0x0] =	vst.idx.msk $0xffff, v12  }
0x84: {  	s22 =	simm.s32 $0x3;
	s6 =	simm.s32 $0x6620;
	v17 =	vadd.s32 v2, v6;
	v12 =	vadd.f32 v16, v8;
	v15 =	vld [tilespmem:s8+$0x0]  }
0x85: {  	v18 =	vld [tilespmem:s6+$0xFFFFFFE0];
	v16 =	vmov s22  }
0x86: {  	[tilespmem:v11+s25+$0x0] =	vst.idx.msk $0xffff, v12;
	v12 =	vadd.f32 v14, v10;
	v11 =	vand.u32 $0x7F, v16;
	v14 =	vadd.s32 v3, v13  }
0x87: {  	v19 =	vadd.s32 v0, v11  }
0x88: {  	v16 =	vld [tilespmem:s15+$0xFFFFFFF0]  }
0x89: {  	[tilespmem:v17+s25+$0x0] =	vst.idx.msk $0xffff, v12;
	v12 =	vadd.f32 v15, v7  }
0x8a: {  	s7 =	simm.s32 $0x6660;
	s21 =	simm.s32 $0x4;
	v20 =	vadd.s32 v2, v9;
	v21 =	vld [tilespmem:s20+$0x0];
	v15 =	vadd.f32 v18, v8  }
0x8b: {  	v22 =	vld [tilespmem:s7+$0xFFFFFFE0];
	v17 =	vmov s21;
	[tilespmem:v14+s25+$0x0] =	vst.idx.msk $0xffff, v12  }
0x8c: {  	v12 =	vand.u32 $0x7F, v17;
	[tilespmem:v19+s25+$0x0] =	vst.idx.msk $0xffff, v15;
	v15 =	vadd.s32 v3, v6;
	v14 =	vld [tilespmem:s8+$0x10]  }
0x8d: {  	v16 =	vadd.f32 v16, v10;
	v17 =	vadd.s32 v0, v12  }
0x8e: {  	v13 =	vadd.s32 v4, v13;
	v18 =	vld [tilespmem:s6+$0xFFFFFFF0]  }
0x8f: {  	[tilespmem:v20+s25+$0x0] =	vst.idx.msk $0xffff, v16;
	v20 =	vadd.f32 v21, v7  }
0x90: {  	s21 =	simm.s32 $0x66A0;
	v19 =	vadd.s32 v2, v11;
	s8 =	simm.s32 $0x5;
	v21 =	vadd.f32 v22, v8;
	v16 =	vld [tilespmem:s15+$0x0]  }
.LBB2_5:
0x91: {  	v22 =	vmov s8;
	v23 =	vld [tilespmem:s21+$0xFFFFFFE0];
	[tilespmem:v15+s25+$0x0] =	vst.idx.msk $0xffff, v20;
	v20 =	vadd.f32 v14, v5;
	p1 =	sne.s32 s8, $0x7F  }
.Ltmp1:
0x92: {  	s8 =	sadd.s32 $0x1, s8;
	v15 =	vadd.s32 v3, v9;
	v22 =	vand.u32 $0x7F, v22;
	[tilespmem:v17+s25+$0x0] =	vst.idx.msk $0xffff, v21;
	v14 =	vld [tilespmem:s20+$0x10];
	(pc) =	sbr.rel @p1 .LBB2_5-.Ltmp1, $4  }
0x93: {  	s20 =	smov.u32 s15;
	s15 =	smov.u32 s6;
	s6 =	smov.u32 s7;
	v17 =	vadd.s32 v0, v22;
	v21 =	vadd.f32 v18, v10;
	[tilespmem:v13+s25+$0x0] =	vst.idx.msk $0xffff, v20  }
0x94: {  	s7 =	smov.u32 s21;
	v13 =	vadd.s32 v4, v6;
	v6 =	vmovc v9;
	v9 =	vmovc v11;
	v11 =	vmov v12;
	v12 =	vmov v22;
	v18 =	vld [tilespmem:s6+$0xFFFFFFF0]  }
0x95: {  	[tilespmem:v19+s25+$0x0] =	vst.idx.msk $0xffff, v21;
	v20 =	vadd.f32 v16, v7  }
0x96: {  	s21 =	sadd.s32 $0x40, s21;
	v19 =	vadd.s32 v2, v11;
	v21 =	vadd.f32 v23, v8;
	v16 =	vld [tilespmem:s15+$0x0]  }
0x97: {  	_ =	sdelay $0x3  }
0x98: {  	[tilespmem:v17+s25+$0x0] =	vst.idx.msk $0xffff, v21  }
0x99: {  	v8 =	vld [tilespmem:s7+$0xFFFFFFF0];
	_ =	sdelay $0x1  }
0x9a: {  	v56 =	vadd.s32 v2, v12  }
0x9b: {  	v18 =	vadd.f32 v18, v10;
	_ =	sdelay $0x1  }
0x9c: {  	[tilespmem:v19+s25+$0x0] =	vst.idx.msk $0xffff, v18;
	v8 =	vadd.f32 v8, v10  }
0x9d: {  	v57 =	vld [tilespmem:s6+$0x0]  }
0x9e: {  	[tilespmem:v56+s25+$0x0] =	vst.idx.msk $0xffff, v8  }
0x9f: {  	v59 =	vadd.s32 v3, v11;
	v17 =	vld [tilespmem:s7+$0x0]  }
0xa0: {  	v58 =	vadd.s32 v3, v9  }
0xa1: {  	v60 =	vadd.s32 v3, v12  }
0xa2: {  	[tilespmem:v15+s25+$0x0] =	vst.idx.msk $0xffff, v20;
	v10 =	vadd.f32 v57, v7  }
0xa3: {  	v15 =	vld [tilespmem:s20+$0x10];
	v16 =	vadd.f32 v16, v7  }
0xa4: {  	[tilespmem:v59+s25+$0x0] =	vst.idx.msk $0xffff, v10;
	v7 =	vadd.f32 v17, v7  }
0xa5: {  	v6 =	vadd.s32 v4, v6;
	[tilespmem:v58+s25+$0x0] =	vst.idx.msk $0xffff, v16;
	v10 =	vld [tilespmem:s6+$0x10]  }
0xa6: {  	v8 =	vld [tilespmem:s15+$0x10];
	[tilespmem:v60+s25+$0x0] =	vst.idx.msk $0xffff, v7  }
0xa7: {  	v62 =	vadd.s32 v4, v11;
	v61 =	vld [tilespmem:s7+$0x10]  }
0xa8: {  	v15 =	vadd.f32 v15, v5;
	v7 =	vadd.s32 v4, v9  }
0xa9: {  	v14 =	vadd.f32 v14, v5;
	v63 =	vadd.s32 v4, v12  }
0xaa: {  	s20 =	smul.u32 $0x140000, s14;
	[tilespmem:v6+s25+$0x0] =	vst.idx.msk $0xffff, v15;
	v6 =	vadd.f32 v10, v5  }
0xab: {  	[tilespmem:v13+s25+$0x0] =	vst.idx.msk $0xffff, v14;
	v8 =	vadd.f32 v8, v5  }
0xac: {  	s7 =	sor.u32 s9, s20;
	[tilespmem:v62+s25+$0x0] =	vst.idx.msk $0xffff, v6;
	v5 =	vadd.f32 v61, v5  }
0xad: {  	s6 =	sshrl.u32 s7, $0x3;
	[tilespmem:v7+s25+$0x0] =	vst.idx.msk $0xffff, v8  }
0xae: {  	s8 =	simm.s32 $0x10540;
	s7 =	sadd.s32 s2, s6;
	[tilespmem:v63+s25+$0x0] =	vst.idx.msk $0xffff, v5  }
0xaf: {  	[hbm4b:s7+s3] =	stream.linear.scatter [tilespmem:s8], [sflag:$0x6], $0x80, $0x38;
	[tilespmem:$0x1AF40] =	vst v63  }
0xb0: {  	s15 =	simm.s32 $0x105C8;
	s8 =	sadd.s32 $0x10, s7  }
0xb1: {  	[hbm4b:s8+s3] =	stream.linear.scatter [tilespmem:s15], [sflag:$0x6], $0x80, $0x38;
	[tilespmem:$0x1AF40] =	vst v63  }
0xb2: {  	s21 =	simm.s32 $0x10650;
	s22 =	sadd.s32 $0x20, s7  }
0xb3: {  	[hbm4b:s22+s3] =	stream.linear.scatter [tilespmem:s21], [sflag:$0x6], $0x80, $0x38;
	[tilespmem:$0x1AF40] =	vst v63  }
0xb4: {  	s8 =	simm.s32 $0x106D8;
	s15 =	sadd.s32 $0x30, s7  }
0xb5: {  	[hbm4b:s15+s3] =	stream.linear.scatter [tilespmem:s8], [sflag:$0x6], $0x80, $0x38;
	[tilespmem:$0x1AF40] =	vst v63  }
0xb6: {  	s21 =	simm.s32 $0x10760;
	s22 =	sadd.s32 $0x40, s7  }
0xb7: {  	[hbm4b:s22+s3] =	stream.linear.scatter [tilespmem:s21], [sflag:$0x6], $0x80, $0x38;
	[tilespmem:$0x1AF40] =	vst v63  }
0xb8: {  	s6 =	simm.s32 $0x440;
	s8 =	simm.s32 $0x107E8;
	s15 =	sadd.s32 $0x50, s7  }
0xb9: {  	[hbm4b:s15+s3] =	stream.linear.scatter [tilespmem:s8], [sflag:$0x6], $0x80, $0x38;
	[tilespmem:$0x1AF40] =	vst v63  }
0xba: {  	s21 =	simm.s32 $0x10870;
	s22 =	sadd.s32 $0x60, s7;
	s8 =	simm.s32 $0x2200  }
0xbb: {  	[hbm4b:s22+s3] =	stream.linear.scatter [tilespmem:s21], [sflag:$0x6], $0x80, $0x38;
	[tilespmem:$0x1AF40] =	vst v63  }
0xbc: {  	s15 =	simm.s32 $0x108F8;
	s21 =	sadd.s32 $0x70, s7;
	s7 =	sadd.s32 $0x1000, s7  }
.LBB2_7:
0xbd: {  	[hbm4b:s21+s3] =	stream.linear.scatter [tilespmem:s15], [sflag:$0x6], $0x80, $0x38;
	[tilespmem:$0x1AF40] =	vst v63  }
0xbe: {  	s15 =	smov.u32 s6;
	s6 =	smov.u32 s8  }
0xbf: {  	s22 =	sadd.s32 $0x1100, s8;
	s6 =	sshra.s32 s6, $0x2;
	s21 =	sadd.s32 $0x10540, s15  }
0xc0: {  	[hbm4b:s7+s3] =	stream.linear.scatter [tilespmem:s21], [sflag:$0x6], $0x80, $0x38;
	[tilespmem:$0x1AF40] =	vst v63  }
0xc1: {  	p1 =	sne.s32 s8, $0x7700;
	s8 =	sadd.s32 $0x105C8, s15;
	s21 =	sadd.s32 $0x10, s7  }
0xc2: {  	[hbm4b:s21+s3] =	stream.linear.scatter [tilespmem:s8], [sflag:$0x6], $0x80, $0x38;
	[tilespmem:$0x1AF40] =	vst v63  }
0xc3: {  	s8 =	sadd.s32 $0x10650, s15;
	s21 =	sadd.s32 $0x20, s7  }
0xc4: {  	[hbm4b:s21+s3] =	stream.linear.scatter [tilespmem:s8], [sflag:$0x6], $0x80, $0x38;
	[tilespmem:$0x1AF40] =	vst v63  }
0xc5: {  	s8 =	sadd.s32 $0x106D8, s15;
	s21 =	sadd.s32 $0x30, s7  }
0xc6: {  	[hbm4b:s21+s3] =	stream.linear.scatter [tilespmem:s8], [sflag:$0x6], $0x80, $0x38;
	[tilespmem:$0x1AF40] =	vst v63  }
0xc7: {  	s8 =	sadd.s32 $0x10760, s15;
	s21 =	sadd.s32 $0x40, s7  }
0xc8: {  	[hbm4b:s21+s3] =	stream.linear.scatter [tilespmem:s8], [sflag:$0x6], $0x80, $0x38;
	[tilespmem:$0x1AF40] =	vst v63  }
.Ltmp2:
0xc9: {  	s8 =	sadd.s32 $0x107E8, s15;
	s21 =	sadd.s32 $0x50, s7;
	(pc) =	sbr.rel @p1 .LBB2_7-.Ltmp2, $4  }
0xca: {  	[hbm4b:s21+s3] =	stream.linear.scatter [tilespmem:s8], [sflag:$0x6], $0x80, $0x38;
	[tilespmem:$0x1AF40] =	vst v63  }
0xcb: {  	s8 =	sadd.s32 $0x10870, s15;
	s21 =	sadd.s32 $0x60, s7;
	s15 =	sadd.s32 $0x108F8, s15  }
0xcc: {  	[hbm4b:s21+s3] =	stream.linear.scatter [tilespmem:s8], [sflag:$0x6], $0x80, $0x38;
	[tilespmem:$0x1AF40] =	vst v63  }
0xcd: {  	s21 =	sadd.s32 $0x70, s7;
	s7 =	sadd.s32 $0x1000, s7;
	s8 =	smov.u32 s22  }
0xce: {  	[hbm4b:s21+s3] =	stream.linear.scatter [tilespmem:s15], [sflag:$0x6], $0x80, $0x38;
	[tilespmem:$0x1AF40] =	vst v63  }
0xcf: {  	s8 =	sadd.s32 $0x10540, s6  }
0xd0: {  	[hbm4b:s7+s3] =	stream.linear.scatter [tilespmem:s8], [sflag:$0x6], $0x80, $0x38;
	[tilespmem:$0x1AF40] =	vst v63  }
0xd1: {  	s21 =	sadd.s32 $0x105C8, s6;
	s22 =	sadd.s32 $0x10, s7  }
0xd2: {  	[hbm4b:s22+s3] =	stream.linear.scatter [tilespmem:s21], [sflag:$0x6], $0x80, $0x38;
	[tilespmem:$0x1AF40] =	vst v63  }
0xd3: {  	s21 =	sadd.s32 $0x10650, s6;
	s22 =	sadd.s32 $0x20, s7  }
0xd4: {  	[hbm4b:s22+s3] =	stream.linear.scatter [tilespmem:s21], [sflag:$0x6], $0x80, $0x38;
	[tilespmem:$0x1AF40] =	vst v63  }
0xd5: {  	s21 =	sadd.s32 $0x106D8, s6;
	s22 =	sadd.s32 $0x30, s7  }
0xd6: {  	[hbm4b:s22+s3] =	stream.linear.scatter [tilespmem:s21], [sflag:$0x6], $0x80, $0x38;
	[tilespmem:$0x1AF40] =	vst v63  }
0xd7: {  	s15 =	sadd.s32 $0x108F8, s6;
	s21 =	sadd.s32 $0x10760, s6;
	s22 =	sadd.s32 $0x40, s7  }
0xd8: {  	[hbm4b:s22+s3] =	stream.linear.scatter [tilespmem:s21], [sflag:$0x6], $0x80, $0x38;
	[tilespmem:$0x1AF40] =	vst v63  }
0xd9: {  	p1 =	seq.s32 s14, $0x27;
	s21 =	sadd.s32 $0x107E8, s6;
	s22 =	sadd.s32 $0x50, s7  }
0xda: {  	[hbm4b:s22+s3] =	stream.linear.scatter [tilespmem:s21], [sflag:$0x6], $0x80, $0x38;
	[tilespmem:$0x1AF40] =	vst v63  }
0xdb: {  	s21 =	sadd.s32 $0x10870, s6;
	s22 =	sadd.s32 $0x60, s7;
	s6 =	sadd.s32 @!p1 $0x5, s19  }
0xdc: {  	[hbm4b:s22+s3] =	stream.linear.scatter [tilespmem:s21], [sflag:$0x6], $0x80, $0x38;
	[tilespmem:$0x1AF40] =	vst v63  }
0xdd: {  	s21 =	sadd.s32 $0x70, s7;
	s7 =	sshll.u32 @!p1 s6, $0x7  }
0xde: {  	[hbm4b:s21+s3] =	stream.linear.scatter [tilespmem:s15], [sflag:$0x6], $0x80, $0x38;
	[tilespmem:$0x1AF40] =	vst v63  }
0xdf: {  	s8 =	simm.s32 @!p1 $0x40;
	s7 =	sand.u32 @!p1 $0x3FFFFF80, s7;
	s15 =	simm.s32 @!p1 $0x6540  }
0xe0: {  	[tilespmem:s15], [sflag:$0x1] =	stream.indirect.gather @!p1 [hbm4b:s4+s8], $0x40, s7, s8, $0xb8;
	[tilespmem:$0x1AF40] =	vst v63  }
0xe1: {  	s6 =	sshll.u32 @!p1 s6, $0x3;
	s7 =	sor.u32 @!p1 $0x40, s7;
	s15 =	simm.s32 @!p1 $0x7540  }
0xe2: {  	[tilespmem:s15], [sflag:$0x1] =	stream.indirect.gather @!p1 [hbm4b:s4+s8], $0x40, s7, s8, $0xb8;
	[tilespmem:$0x1AF40] =	vst v63  }
0xe3: {  	s6 =	sadd.s32 @!p1 s5, s6;
	s7 =	simm.s32 @!p1 $0x0;
	s8 =	simm.s32 @!p1 $0x6400  }
0xe4: {  	[tilespmem:s8], [sflag:$0x1] =	stream.linear.gather @!p1 [hbm4b:s6+s7], $0x40, $0x38;
	[tilespmem:$0x1AF40] =	vst v63  }
0xe5: {  	_ =	swait.ge [sflag:s26], $0x1000  }
0xe6: {  	[sflag:s26] =	ssyncset.done $0x0  }
0xe7: {  	[sflag:s26] =	ssyncadd.s32 $0xFFFFF000  }
0xe8: {  	_ =	swait.ge [sflag:s26], $0x1000  }
0xe9: {  	[sflag:s26] =	ssyncset.done $0x0  }
0xea: {  	[sflag:s26] =	ssyncadd.s32 $0xFFFFF000  }
0xeb: {  	_ =	swait.ge [sflag:s26], $0x40  }
0xec: {  	[sflag:s26] =	ssyncset.done $0x0  }
0xed: {  	s6 =	simm.s32 @!p0 $0x7;
	[sflag:s26] =	ssyncadd.s32 $0xFFFFFFC0  }
0xee: {  	_ =	swait.ge @!p0 [sflag:s6], $0x2000  }
0xef: {  	[sflag:s6] =	ssyncset.done @!p0 $0x0  }
0xf0: {  	[sflag:s6] =	ssyncadd.s32 @!p0 $0xFFFFE000  }
0xf1: {  	s22 =	simm.s32 $0x0;
	s21 =	simm.s32 $0x8560;
	v8 =	vld [tilespmem:$0x6440]  }
0xf2: {  	v5 =	vmov s22;
	v6 =	vld [tilespmem:s21+$0xFFFFFFE0]  }
0xf3: {  	v13 =	vand.u32 $0x7F, v5  }
0xf4: {  	v9 =	vadd.s32 v0, v13;
	_ =	sdelay $0x1  }
0xf5: {  	s15 =	simm.s32 $0x85A0;
	s7 =	simm.s32 $0x1;
	v10 =	vld [tilespmem:$0x6450]  }
0xf6: {  	v5 =	vmov s7;
	v11 =	vld [tilespmem:s15+$0xFFFFFFE0];
	v12 =	vadd.f32 v6, v8  }
0xf7: {  	v7 =	vld [tilespmem:$0x6460];
	v6 =	vand.u32 $0x7F, v5  }
0xf8: {  	v5 =	vld [tilespmem:$0x6470];
	v14 =	vadd.s32 v0, v6;
	[tilespmem:v9+s28+$0x0] =	vst.idx.msk $0xffff, v12  }
0xf9: {  	v12 =	vld [tilespmem:s21+$0xFFFFFFF0];
	_ =	sdelay $0x1  }
0xfa: {  	v15 =	vadd.s32 v2, v13;
	s8 =	simm.s32 $0x2;
	s6 =	simm.s32 $0x85E0;
	v11 =	vadd.f32 v11, v8  }
0xfb: {  	v16 =	vld [tilespmem:s6+$0xFFFFFFE0];
	v9 =	vmov s8  }
0xfc: {  	v9 =	vand.u32 $0x7F, v9;
	[tilespmem:v14+s28+$0x0] =	vst.idx.msk $0xffff, v11  }
0xfd: {  	v11 =	vadd.s32 v0, v9;
	v14 =	vld [tilespmem:s15+$0xFFFFFFF0];
	v12 =	vadd.f32 v12, v10;
	_ =	sdelay $0x1  }
0xfe: {  	[tilespmem:v15+s28+$0x0] =	vst.idx.msk $0xffff, v12  }
0xff: {  	s22 =	simm.s32 $0x3;
	s7 =	simm.s32 $0x8620;
	v17 =	vadd.s32 v2, v6;
	v12 =	vadd.f32 v16, v8;
	v15 =	vld [tilespmem:s21+$0x0]  }
0x100: {  	v18 =	vld [tilespmem:s7+$0xFFFFFFE0];
	v16 =	vmov s22  }
0x101: {  	[tilespmem:v11+s28+$0x0] =	vst.idx.msk $0xffff, v12;
	v12 =	vadd.f32 v14, v10;
	v11 =	vand.u32 $0x7F, v16;
	v14 =	vadd.s32 v3, v13  }
0x102: {  	v19 =	vadd.s32 v0, v11  }
0x103: {  	v16 =	vld [tilespmem:s6+$0xFFFFFFF0]  }
0x104: {  	[tilespmem:v17+s28+$0x0] =	vst.idx.msk $0xffff, v12;
	v12 =	vadd.f32 v15, v7  }
0x105: {  	s8 =	simm.s32 $0x8660;
	v20 =	vadd.s32 v2, v9;
	s22 =	simm.s32 $0x4;
	v21 =	vld [tilespmem:s15+$0x0];
	v15 =	vadd.f32 v18, v8  }
0x106: {  	v22 =	vld [tilespmem:s8+$0xFFFFFFE0];
	v17 =	vmov s22;
	[tilespmem:v14+s28+$0x0] =	vst.idx.msk $0xffff, v12  }
0x107: {  	v12 =	vand.u32 $0x7F, v17;
	[tilespmem:v19+s28+$0x0] =	vst.idx.msk $0xffff, v15;
	v15 =	vadd.s32 v3, v6;
	v14 =	vld [tilespmem:s21+$0x10]  }
0x108: {  	v16 =	vadd.f32 v16, v10;
	v17 =	vadd.s32 v0, v12  }
0x109: {  	v13 =	vadd.s32 v4, v13;
	v18 =	vld [tilespmem:s7+$0xFFFFFFF0]  }
0x10a: {  	[tilespmem:v20+s28+$0x0] =	vst.idx.msk $0xffff, v16;
	v20 =	vadd.f32 v21, v7  }
0x10b: {  	s22 =	simm.s32 $0x86A0;
	v19 =	vadd.s32 v2, v11;
	s21 =	simm.s32 $0x5;
	v21 =	vadd.f32 v22, v8;
	v16 =	vld [tilespmem:s6+$0x0]  }
.LBB2_9:
0x10c: {  	v22 =	vmov s21;
	v23 =	vld [tilespmem:s22+$0xFFFFFFE0];
	[tilespmem:v15+s28+$0x0] =	vst.idx.msk $0xffff, v20;
	v20 =	vadd.f32 v14, v5;
	p2 =	sne.s32 s21, $0x7F  }
.Ltmp3:
0x10d: {  	s21 =	sadd.s32 $0x1, s21;
	v15 =	vadd.s32 v3, v9;
	v22 =	vand.u32 $0x7F, v22;
	[tilespmem:v17+s28+$0x0] =	vst.idx.msk $0xffff, v21;
	v14 =	vld [tilespmem:s15+$0x10];
	(pc) =	sbr.rel @p2 .LBB2_9-.Ltmp3, $4  }
0x10e: {  	s15 =	smov.u32 s6;
	s6 =	smov.u32 s7;
	s7 =	smov.u32 s8;
	v17 =	vadd.s32 v0, v22;
	v21 =	vadd.f32 v18, v10;
	[tilespmem:v13+s28+$0x0] =	vst.idx.msk $0xffff, v20  }
0x10f: {  	s8 =	smov.u32 s22;
	v13 =	vadd.s32 v4, v6;
	v6 =	vmovc v9;
	v9 =	vmovc v11;
	v11 =	vmov v12;
	v12 =	vmov v22;
	v18 =	vld [tilespmem:s7+$0xFFFFFFF0]  }
0x110: {  	[tilespmem:v19+s28+$0x0] =	vst.idx.msk $0xffff, v21;
	v20 =	vadd.f32 v16, v7  }
0x111: {  	s22 =	sadd.s32 $0x40, s22;
	v19 =	vadd.s32 v2, v11;
	v21 =	vadd.f32 v23, v8;
	v16 =	vld [tilespmem:s6+$0x0]  }
0x112: {  	_ =	sdelay $0x3  }
0x113: {  	[tilespmem:v17+s28+$0x0] =	vst.idx.msk $0xffff, v21  }
0x114: {  	v8 =	vld [tilespmem:s8+$0xFFFFFFF0];
	_ =	sdelay $0x1  }
0x115: {  	v56 =	vadd.s32 v2, v12  }
0x116: {  	v18 =	vadd.f32 v18, v10;
	_ =	sdelay $0x1  }
0x117: {  	[tilespmem:v19+s28+$0x0] =	vst.idx.msk $0xffff, v18;
	v8 =	vadd.f32 v8, v10  }
0x118: {  	v57 =	vld [tilespmem:s7+$0x0]  }
0x119: {  	[tilespmem:v56+s28+$0x0] =	vst.idx.msk $0xffff, v8  }
0x11a: {  	v59 =	vadd.s32 v3, v11;
	v17 =	vld [tilespmem:s8+$0x0]  }
0x11b: {  	v58 =	vadd.s32 v3, v9  }
0x11c: {  	v60 =	vadd.s32 v3, v12  }
0x11d: {  	[tilespmem:v15+s28+$0x0] =	vst.idx.msk $0xffff, v20;
	v10 =	vadd.f32 v57, v7  }
0x11e: {  	v15 =	vld [tilespmem:s15+$0x10];
	v16 =	vadd.f32 v16, v7  }
0x11f: {  	[tilespmem:v59+s28+$0x0] =	vst.idx.msk $0xffff, v10;
	v7 =	vadd.f32 v17, v7  }
0x120: {  	v6 =	vadd.s32 v4, v6;
	[tilespmem:v58+s28+$0x0] =	vst.idx.msk $0xffff, v16;
	v10 =	vld [tilespmem:s7+$0x10]  }
0x121: {  	v8 =	vld [tilespmem:s6+$0x10];
	[tilespmem:v60+s28+$0x0] =	vst.idx.msk $0xffff, v7  }
0x122: {  	v62 =	vadd.s32 v4, v11;
	v61 =	vld [tilespmem:s8+$0x10]  }
0x123: {  	v15 =	vadd.f32 v15, v5;
	v7 =	vadd.s32 v4, v9  }
0x124: {  	v14 =	vadd.f32 v14, v5;
	v63 =	vadd.s32 v4, v12  }
0x125: {  	[tilespmem:v6+s28+$0x0] =	vst.idx.msk $0xffff, v15;
	v6 =	vadd.f32 v10, v5  }
0x126: {  	[tilespmem:v13+s28+$0x0] =	vst.idx.msk $0xffff, v14;
	v8 =	vadd.f32 v8, v5  }
0x127: {  	s21 =	sadd.s32 s11, s20;
	[tilespmem:v62+s28+$0x0] =	vst.idx.msk $0xffff, v6;
	v5 =	vadd.f32 v61, v5  }
0x128: {  	s6 =	sshrl.u32 s21, $0x3;
	[tilespmem:v7+s28+$0x0] =	vst.idx.msk $0xffff, v8  }
0x129: {  	s22 =	simm.s32 $0x12740;
	s7 =	sadd.s32 s2, s6;
	[tilespmem:v63+s28+$0x0] =	vst.idx.msk $0xffff, v5  }
0x12a: {  	[hbm4b:s7+s3] =	stream.linear.scatter [tilespmem:s22], [sflag:$0x7], $0x80, $0x38;
	[tilespmem:$0x1AF40] =	vst v63  }
0x12b: {  	s15 =	sadd.s32 $0x10, s7;
	s8 =	simm.s32 $0x127C8  }
0x12c: {  	[hbm4b:s15+s3] =	stream.linear.scatter [tilespmem:s8], [sflag:$0x7], $0x80, $0x38;
	[tilespmem:$0x1AF40] =	vst v63  }
0x12d: {  	s21 =	simm.s32 $0x12850;
	s22 =	sadd.s32 $0x20, s7  }
0x12e: {  	[hbm4b:s22+s3] =	stream.linear.scatter [tilespmem:s21], [sflag:$0x7], $0x80, $0x38;
	[tilespmem:$0x1AF40] =	vst v63  }
0x12f: {  	s8 =	simm.s32 $0x128D8;
	s15 =	sadd.s32 $0x30, s7  }
0x130: {  	[hbm4b:s15+s3] =	stream.linear.scatter [tilespmem:s8], [sflag:$0x7], $0x80, $0x38;
	[tilespmem:$0x1AF40] =	vst v63  }
0x131: {  	s21 =	simm.s32 $0x12960;
	s22 =	sadd.s32 $0x40, s7  }
0x132: {  	[hbm4b:s22+s3] =	stream.linear.scatter [tilespmem:s21], [sflag:$0x7], $0x80, $0x38;
	[tilespmem:$0x1AF40] =	vst v63  }
0x133: {  	s6 =	simm.s32 $0x440;
	s8 =	simm.s32 $0x129E8;
	s15 =	sadd.s32 $0x50, s7  }
0x134: {  	[hbm4b:s15+s3] =	stream.linear.scatter [tilespmem:s8], [sflag:$0x7], $0x80, $0x38;
	[tilespmem:$0x1AF40] =	vst v63  }
0x135: {  	s21 =	simm.s32 $0x12A70;
	s22 =	sadd.s32 $0x60, s7;
	s8 =	simm.s32 $0x2200  }
0x136: {  	[hbm4b:s22+s3] =	stream.linear.scatter [tilespmem:s21], [sflag:$0x7], $0x80, $0x38;
	[tilespmem:$0x1AF40] =	vst v63  }
0x137: {  	s15 =	simm.s32 $0x12AF8;
	s21 =	sadd.s32 $0x70, s7;
	s7 =	sadd.s32 $0x1000, s7  }
.LBB2_11:
0x138: {  	[hbm4b:s21+s3] =	stream.linear.scatter [tilespmem:s15], [sflag:$0x7], $0x80, $0x38;
	[tilespmem:$0x1AF40] =	vst v63  }
0x139: {  	s15 =	smov.u32 s6;
	s6 =	smov.u32 s8  }
0x13a: {  	s22 =	sadd.s32 $0x1100, s8;
	s6 =	sshra.s32 s6, $0x2;
	s21 =	sadd.s32 $0x12740, s15  }
0x13b: {  	[hbm4b:s7+s3] =	stream.linear.scatter [tilespmem:s21], [sflag:$0x7], $0x80, $0x38;
	[tilespmem:$0x1AF40] =	vst v63  }
0x13c: {  	p2 =	sne.s32 s8, $0x7700;
	s8 =	sadd.s32 $0x127C8, s15;
	s21 =	sadd.s32 $0x10, s7  }
0x13d: {  	[hbm4b:s21+s3] =	stream.linear.scatter [tilespmem:s8], [sflag:$0x7], $0x80, $0x38;
	[tilespmem:$0x1AF40] =	vst v63  }
0x13e: {  	s8 =	sadd.s32 $0x12850, s15;
	s21 =	sadd.s32 $0x20, s7  }
0x13f: {  	[hbm4b:s21+s3] =	stream.linear.scatter [tilespmem:s8], [sflag:$0x7], $0x80, $0x38;
	[tilespmem:$0x1AF40] =	vst v63  }
0x140: {  	s8 =	sadd.s32 $0x128D8, s15;
	s21 =	sadd.s32 $0x30, s7  }
0x141: {  	[hbm4b:s21+s3] =	stream.linear.scatter [tilespmem:s8], [sflag:$0x7], $0x80, $0x38;
	[tilespmem:$0x1AF40] =	vst v63  }
0x142: {  	s8 =	sadd.s32 $0x12960, s15;
	s21 =	sadd.s32 $0x40, s7  }
0x143: {  	[hbm4b:s21+s3] =	stream.linear.scatter [tilespmem:s8], [sflag:$0x7], $0x80, $0x38;
	[tilespmem:$0x1AF40] =	vst v63  }
.Ltmp4:
0x144: {  	s8 =	sadd.s32 $0x129E8, s15;
	s21 =	sadd.s32 $0x50, s7;
	(pc) =	sbr.rel @p2 .LBB2_11-.Ltmp4, $4  }
0x145: {  	[hbm4b:s21+s3] =	stream.linear.scatter [tilespmem:s8], [sflag:$0x7], $0x80, $0x38;
	[tilespmem:$0x1AF40] =	vst v63  }
0x146: {  	s8 =	sadd.s32 $0x12A70, s15;
	s21 =	sadd.s32 $0x60, s7;
	s15 =	sadd.s32 $0x12AF8, s15  }
0x147: {  	[hbm4b:s21+s3] =	stream.linear.scatter [tilespmem:s8], [sflag:$0x7], $0x80, $0x38;
	[tilespmem:$0x1AF40] =	vst v63  }
0x148: {  	s21 =	sadd.s32 $0x70, s7;
	s7 =	sadd.s32 $0x1000, s7;
	s8 =	smov.u32 s22  }
0x149: {  	[hbm4b:s21+s3] =	stream.linear.scatter [tilespmem:s15], [sflag:$0x7], $0x80, $0x38;
	[tilespmem:$0x1AF40] =	vst v63  }
0x14a: {  	s8 =	sadd.s32 $0x12740, s6  }
0x14b: {  	[hbm4b:s7+s3] =	stream.linear.scatter [tilespmem:s8], [sflag:$0x7], $0x80, $0x38;
	[tilespmem:$0x1AF40] =	vst v63  }
0x14c: {  	s21 =	sadd.s32 $0x127C8, s6;
	s22 =	sadd.s32 $0x10, s7  }
0x14d: {  	[hbm4b:s22+s3] =	stream.linear.scatter [tilespmem:s21], [sflag:$0x7], $0x80, $0x38;
	[tilespmem:$0x1AF40] =	vst v63  }
0x14e: {  	s21 =	sadd.s32 $0x12850, s6;
	s22 =	sadd.s32 $0x20, s7  }
0x14f: {  	[hbm4b:s22+s3] =	stream.linear.scatter [tilespmem:s21], [sflag:$0x7], $0x80, $0x38;
	[tilespmem:$0x1AF40] =	vst v63  }
0x150: {  	s21 =	sadd.s32 $0x128D8, s6;
	s22 =	sadd.s32 $0x30, s7  }
0x151: {  	[hbm4b:s22+s3] =	stream.linear.scatter [tilespmem:s21], [sflag:$0x7], $0x80, $0x38;
	[tilespmem:$0x1AF40] =	vst v63  }
0x152: {  	s21 =	sadd.s32 $0x12960, s6;
	s22 =	sadd.s32 $0x40, s7  }
0x153: {  	[hbm4b:s22+s3] =	stream.linear.scatter [tilespmem:s21], [sflag:$0x7], $0x80, $0x38;
	[tilespmem:$0x1AF40] =	vst v63  }
0x154: {  	s15 =	sadd.s32 $0x12AF8, s6;
	s21 =	sadd.s32 $0x129E8, s6;
	s22 =	sadd.s32 $0x50, s7  }
0x155: {  	[hbm4b:s22+s3] =	stream.linear.scatter [tilespmem:s21], [sflag:$0x7], $0x80, $0x38;
	[tilespmem:$0x1AF40] =	vst v63  }
0x156: {  	s21 =	sadd.s32 $0x12A70, s6;
	s22 =	sadd.s32 $0x60, s7;
	s6 =	sadd.s32 @!p1 $0x6, s19  }
0x157: {  	[hbm4b:s22+s3] =	stream.linear.scatter [tilespmem:s21], [sflag:$0x7], $0x80, $0x38;
	[tilespmem:$0x1AF40] =	vst v63  }
0x158: {  	s21 =	sadd.s32 $0x70, s7;
	s7 =	sshll.u32 @!p1 s6, $0x7  }
0x159: {  	[hbm4b:s21+s3] =	stream.linear.scatter [tilespmem:s15], [sflag:$0x7], $0x80, $0x38;
	[tilespmem:$0x1AF40] =	vst v63  }
0x15a: {  	s8 =	simm.s32 @!p1 $0x40;
	s7 =	sand.u32 @!p1 $0x3FFFFF80, s7;
	s15 =	simm.s32 @!p1 $0x8540  }
0x15b: {  	[tilespmem:s15], [sflag:$0x2] =	stream.indirect.gather @!p1 [hbm4b:s4+s8], $0x40, s7, s8, $0xb8;
	[tilespmem:$0x1AF40] =	vst v63  }
0x15c: {  	s6 =	sshll.u32 @!p1 s6, $0x3;
	s7 =	sor.u32 @!p1 $0x40, s7;
	s15 =	simm.s32 @!p1 $0x9540  }
0x15d: {  	[tilespmem:s15], [sflag:$0x2] =	stream.indirect.gather @!p1 [hbm4b:s4+s8], $0x40, s7, s8, $0xb8;
	[tilespmem:$0x1AF40] =	vst v63  }
0x15e: {  	s6 =	sadd.s32 @!p1 s5, s6;
	s7 =	simm.s32 @!p1 $0x0;
	s8 =	simm.s32 @!p1 $0x6440  }
0x15f: {  	[tilespmem:s8], [sflag:$0x2] =	stream.linear.gather @!p1 [hbm4b:s6+s7], $0x40, $0x38;
	[tilespmem:$0x1AF40] =	vst v63  }
0x160: {  	_ =	swait.ge [sflag:s29], $0x1000  }
0x161: {  	[sflag:s29] =	ssyncset.done $0x0  }
0x162: {  	[sflag:s29] =	ssyncadd.s32 $0xFFFFF000  }
0x163: {  	_ =	swait.ge [sflag:s29], $0x1000  }
0x164: {  	[sflag:s29] =	ssyncset.done $0x0  }
0x165: {  	[sflag:s29] =	ssyncadd.s32 $0xFFFFF000  }
0x166: {  	_ =	swait.ge [sflag:s29], $0x40  }
0x167: {  	[sflag:s29] =	ssyncset.done $0x0  }
0x168: {  	s6 =	simm.s32 @!p0 $0x8;
	[sflag:s29] =	ssyncadd.s32 $0xFFFFFFC0  }
0x169: {  	_ =	swait.ge @!p0 [sflag:s6], $0x2000  }
0x16a: {  	[sflag:s6] =	ssyncset.done @!p0 $0x0  }
0x16b: {  	[sflag:s6] =	ssyncadd.s32 @!p0 $0xFFFFE000  }
0x16c: {  	s22 =	simm.s32 $0x0;
	s21 =	simm.s32 $0xA560;
	v8 =	vld [tilespmem:$0x6480]  }
0x16d: {  	v5 =	vmov s22;
	v6 =	vld [tilespmem:s21+$0xFFFFFFE0]  }
0x16e: {  	v13 =	vand.u32 $0x7F, v5  }
0x16f: {  	v9 =	vadd.s32 v0, v13;
	_ =	sdelay $0x1  }
0x170: {  	s15 =	simm.s32 $0xA5A0;
	s7 =	simm.s32 $0x1;
	v10 =	vld [tilespmem:$0x6490]  }
0x171: {  	v5 =	vmov s7;
	v11 =	vld [tilespmem:s15+$0xFFFFFFE0];
	v12 =	vadd.f32 v6, v8  }
0x172: {  	v7 =	vld [tilespmem:$0x64A0];
	v6 =	vand.u32 $0x7F, v5  }
0x173: {  	v5 =	vld [tilespmem:$0x64B0];
	v14 =	vadd.s32 v0, v6;
	[tilespmem:v9+s30+$0x0] =	vst.idx.msk $0xffff, v12  }
0x174: {  	v12 =	vld [tilespmem:s21+$0xFFFFFFF0];
	_ =	sdelay $0x1  }
0x175: {  	v15 =	vadd.s32 v2, v13;
	s8 =	simm.s32 $0x2;
	s6 =	simm.s32 $0xA5E0;
	v11 =	vadd.f32 v11, v8  }
0x176: {  	v16 =	vld [tilespmem:s6+$0xFFFFFFE0];
	v9 =	vmov s8  }
0x177: {  	v9 =	vand.u32 $0x7F, v9;
	[tilespmem:v14+s30+$0x0] =	vst.idx.msk $0xffff, v11  }
0x178: {  	v11 =	vadd.s32 v0, v9;
	v14 =	vld [tilespmem:s15+$0xFFFFFFF0];
	v12 =	vadd.f32 v12, v10;
	_ =	sdelay $0x1  }
0x179: {  	[tilespmem:v15+s30+$0x0] =	vst.idx.msk $0xffff, v12  }
0x17a: {  	s22 =	simm.s32 $0x3;
	s7 =	simm.s32 $0xA620;
	v17 =	vadd.s32 v2, v6;
	v12 =	vadd.f32 v16, v8;
	v15 =	vld [tilespmem:s21+$0x0]  }
0x17b: {  	v18 =	vld [tilespmem:s7+$0xFFFFFFE0];
	v16 =	vmov s22  }
0x17c: {  	[tilespmem:v11+s30+$0x0] =	vst.idx.msk $0xffff, v12;
	v12 =	vadd.f32 v14, v10;
	v11 =	vand.u32 $0x7F, v16;
	v14 =	vadd.s32 v3, v13  }
0x17d: {  	v19 =	vadd.s32 v0, v11  }
0x17e: {  	v16 =	vld [tilespmem:s6+$0xFFFFFFF0]  }
0x17f: {  	[tilespmem:v17+s30+$0x0] =	vst.idx.msk $0xffff, v12;
	v12 =	vadd.f32 v15, v7  }
0x180: {  	s8 =	simm.s32 $0xA660;
	v20 =	vadd.s32 v2, v9;
	s22 =	simm.s32 $0x4;
	v21 =	vld [tilespmem:s15+$0x0];
	v15 =	vadd.f32 v18, v8  }
0x181: {  	v22 =	vld [tilespmem:s8+$0xFFFFFFE0];
	v17 =	vmov s22;
	[tilespmem:v14+s30+$0x0] =	vst.idx.msk $0xffff, v12  }
0x182: {  	v12 =	vand.u32 $0x7F, v17;
	[tilespmem:v19+s30+$0x0] =	vst.idx.msk $0xffff, v15;
	v15 =	vadd.s32 v3, v6;
	v14 =	vld [tilespmem:s21+$0x10]  }
0x183: {  	v16 =	vadd.f32 v16, v10;
	v17 =	vadd.s32 v0, v12  }
0x184: {  	v13 =	vadd.s32 v4, v13;
	v18 =	vld [tilespmem:s7+$0xFFFFFFF0]  }
0x185: {  	[tilespmem:v20+s30+$0x0] =	vst.idx.msk $0xffff, v16;
	v20 =	vadd.f32 v21, v7  }
0x186: {  	s22 =	simm.s32 $0xA6A0;
	v19 =	vadd.s32 v2, v11;
	s21 =	simm.s32 $0x5;
	v21 =	vadd.f32 v22, v8;
	v16 =	vld [tilespmem:s6+$0x0]  }
.LBB2_13:
0x187: {  	v22 =	vmov s21;
	v23 =	vld [tilespmem:s22+$0xFFFFFFE0];
	[tilespmem:v15+s30+$0x0] =	vst.idx.msk $0xffff, v20;
	v20 =	vadd.f32 v14, v5;
	p2 =	sne.s32 s21, $0x7F  }
.Ltmp5:
0x188: {  	s21 =	sadd.s32 $0x1, s21;
	v15 =	vadd.s32 v3, v9;
	v22 =	vand.u32 $0x7F, v22;
	[tilespmem:v17+s30+$0x0] =	vst.idx.msk $0xffff, v21;
	v14 =	vld [tilespmem:s15+$0x10];
	(pc) =	sbr.rel @p2 .LBB2_13-.Ltmp5, $4  }
0x189: {  	s15 =	smov.u32 s6;
	s6 =	smov.u32 s7;
	s7 =	smov.u32 s8;
	v17 =	vadd.s32 v0, v22;
	v21 =	vadd.f32 v18, v10;
	[tilespmem:v13+s30+$0x0] =	vst.idx.msk $0xffff, v20  }
0x18a: {  	s8 =	smov.u32 s22;
	v13 =	vadd.s32 v4, v6;
	v6 =	vmovc v9;
	v9 =	vmovc v11;
	v11 =	vmov v12;
	v12 =	vmov v22;
	v18 =	vld [tilespmem:s7+$0xFFFFFFF0]  }
0x18b: {  	[tilespmem:v19+s30+$0x0] =	vst.idx.msk $0xffff, v21;
	v20 =	vadd.f32 v16, v7  }
0x18c: {  	s22 =	sadd.s32 $0x40, s22;
	v19 =	vadd.s32 v2, v11;
	v21 =	vadd.f32 v23, v8;
	v16 =	vld [tilespmem:s6+$0x0]  }
0x18d: {  	_ =	sdelay $0x3  }
0x18e: {  	[tilespmem:v17+s30+$0x0] =	vst.idx.msk $0xffff, v21  }
0x18f: {  	v8 =	vld [tilespmem:s8+$0xFFFFFFF0];
	_ =	sdelay $0x1  }
0x190: {  	v56 =	vadd.s32 v2, v12  }
0x191: {  	v18 =	vadd.f32 v18, v10;
	_ =	sdelay $0x1  }
0x192: {  	[tilespmem:v19+s30+$0x0] =	vst.idx.msk $0xffff, v18;
	v8 =	vadd.f32 v8, v10  }
0x193: {  	v57 =	vld [tilespmem:s7+$0x0]  }
0x194: {  	[tilespmem:v56+s30+$0x0] =	vst.idx.msk $0xffff, v8  }
0x195: {  	v59 =	vadd.s32 v3, v11;
	v17 =	vld [tilespmem:s8+$0x0]  }
0x196: {  	v58 =	vadd.s32 v3, v9  }
0x197: {  	v60 =	vadd.s32 v3, v12  }
0x198: {  	[tilespmem:v15+s30+$0x0] =	vst.idx.msk $0xffff, v20;
	v10 =	vadd.f32 v57, v7  }
0x199: {  	v15 =	vld [tilespmem:s15+$0x10];
	v16 =	vadd.f32 v16, v7  }
0x19a: {  	[tilespmem:v59+s30+$0x0] =	vst.idx.msk $0xffff, v10;
	v7 =	vadd.f32 v17, v7  }
0x19b: {  	v6 =	vadd.s32 v4, v6;
	[tilespmem:v58+s30+$0x0] =	vst.idx.msk $0xffff, v16;
	v10 =	vld [tilespmem:s7+$0x10]  }
0x19c: {  	v8 =	vld [tilespmem:s6+$0x10];
	[tilespmem:v60+s30+$0x0] =	vst.idx.msk $0xffff, v7  }
0x19d: {  	v62 =	vadd.s32 v4, v11;
	v61 =	vld [tilespmem:s8+$0x10]  }
0x19e: {  	v15 =	vadd.f32 v15, v5;
	v7 =	vadd.s32 v4, v9  }
0x19f: {  	v14 =	vadd.f32 v14, v5;
	v63 =	vadd.s32 v4, v12  }
0x1a0: {  	[tilespmem:v6+s30+$0x0] =	vst.idx.msk $0xffff, v15;
	v6 =	vadd.f32 v10, v5  }
0x1a1: {  	[tilespmem:v13+s30+$0x0] =	vst.idx.msk $0xffff, v14;
	v8 =	vadd.f32 v8, v5  }
0x1a2: {  	s21 =	sadd.s32 s12, s20;
	[tilespmem:v62+s30+$0x0] =	vst.idx.msk $0xffff, v6;
	v5 =	vadd.f32 v61, v5  }
0x1a3: {  	s6 =	sshrl.u32 s21, $0x3;
	[tilespmem:v7+s30+$0x0] =	vst.idx.msk $0xffff, v8  }
0x1a4: {  	s22 =	simm.s32 $0x14940;
	s7 =	sadd.s32 s2, s6;
	[tilespmem:v63+s30+$0x0] =	vst.idx.msk $0xffff, v5  }
0x1a5: {  	[hbm4b:s7+s3] =	stream.linear.scatter [tilespmem:s22], [sflag:$0x8], $0x80, $0x38;
	[tilespmem:$0x1AF40] =	vst v63  }
0x1a6: {  	s15 =	sadd.s32 $0x10, s7;
	s8 =	simm.s32 $0x149C8  }
0x1a7: {  	[hbm4b:s15+s3] =	stream.linear.scatter [tilespmem:s8], [sflag:$0x8], $0x80, $0x38;
	[tilespmem:$0x1AF40] =	vst v63  }
0x1a8: {  	s21 =	simm.s32 $0x14A50;
	s22 =	sadd.s32 $0x20, s7  }
0x1a9: {  	[hbm4b:s22+s3] =	stream.linear.scatter [tilespmem:s21], [sflag:$0x8], $0x80, $0x38;
	[tilespmem:$0x1AF40] =	vst v63  }
0x1aa: {  	s8 =	simm.s32 $0x14AD8;
	s15 =	sadd.s32 $0x30, s7  }
0x1ab: {  	[hbm4b:s15+s3] =	stream.linear.scatter [tilespmem:s8], [sflag:$0x8], $0x80, $0x38;
	[tilespmem:$0x1AF40] =	vst v63  }
0x1ac: {  	s21 =	simm.s32 $0x14B60;
	s22 =	sadd.s32 $0x40, s7  }
0x1ad: {  	[hbm4b:s22+s3] =	stream.linear.scatter [tilespmem:s21], [sflag:$0x8], $0x80, $0x38;
	[tilespmem:$0x1AF40] =	vst v63  }
0x1ae: {  	s6 =	simm.s32 $0x440;
	s8 =	simm.s32 $0x14BE8;
	s15 =	sadd.s32 $0x50, s7  }
0x1af: {  	[hbm4b:s15+s3] =	stream.linear.scatter [tilespmem:s8], [sflag:$0x8], $0x80, $0x38;
	[tilespmem:$0x1AF40] =	vst v63  }
0x1b0: {  	s21 =	simm.s32 $0x14C70;
	s22 =	sadd.s32 $0x60, s7;
	s8 =	simm.s32 $0x2200  }
0x1b1: {  	[hbm4b:s22+s3] =	stream.linear.scatter [tilespmem:s21], [sflag:$0x8], $0x80, $0x38;
	[tilespmem:$0x1AF40] =	vst v63  }
0x1b2: {  	s15 =	simm.s32 $0x14CF8;
	s21 =	sadd.s32 $0x70, s7;
	s7 =	sadd.s32 $0x1000, s7  }
.LBB2_15:
0x1b3: {  	[hbm4b:s21+s3] =	stream.linear.scatter [tilespmem:s15], [sflag:$0x8], $0x80, $0x38;
	[tilespmem:$0x1AF40] =	vst v63  }
0x1b4: {  	s15 =	smov.u32 s6;
	s6 =	smov.u32 s8  }
0x1b5: {  	s22 =	sadd.s32 $0x1100, s8;
	s6 =	sshra.s32 s6, $0x2;
	s21 =	sadd.s32 $0x14940, s15  }
0x1b6: {  	[hbm4b:s7+s3] =	stream.linear.scatter [tilespmem:s21], [sflag:$0x8], $0x80, $0x38;
	[tilespmem:$0x1AF40] =	vst v63  }
0x1b7: {  	p2 =	sne.s32 s8, $0x7700;
	s8 =	sadd.s32 $0x149C8, s15;
	s21 =	sadd.s32 $0x10, s7  }
0x1b8: {  	[hbm4b:s21+s3] =	stream.linear.scatter [tilespmem:s8], [sflag:$0x8], $0x80, $0x38;
	[tilespmem:$0x1AF40] =	vst v63  }
0x1b9: {  	s8 =	sadd.s32 $0x14A50, s15;
	s21 =	sadd.s32 $0x20, s7  }
0x1ba: {  	[hbm4b:s21+s3] =	stream.linear.scatter [tilespmem:s8], [sflag:$0x8], $0x80, $0x38;
	[tilespmem:$0x1AF40] =	vst v63  }
0x1bb: {  	s8 =	sadd.s32 $0x14AD8, s15;
	s21 =	sadd.s32 $0x30, s7  }
0x1bc: {  	[hbm4b:s21+s3] =	stream.linear.scatter [tilespmem:s8], [sflag:$0x8], $0x80, $0x38;
	[tilespmem:$0x1AF40] =	vst v63  }
0x1bd: {  	s8 =	sadd.s32 $0x14B60, s15;
	s21 =	sadd.s32 $0x40, s7  }
0x1be: {  	[hbm4b:s21+s3] =	stream.linear.scatter [tilespmem:s8], [sflag:$0x8], $0x80, $0x38;
	[tilespmem:$0x1AF40] =	vst v63  }
.Ltmp6:
0x1bf: {  	s8 =	sadd.s32 $0x14BE8, s15;
	s21 =	sadd.s32 $0x50, s7;
	(pc) =	sbr.rel @p2 .LBB2_15-.Ltmp6, $4  }
0x1c0: {  	[hbm4b:s21+s3] =	stream.linear.scatter [tilespmem:s8], [sflag:$0x8], $0x80, $0x38;
	[tilespmem:$0x1AF40] =	vst v63  }
0x1c1: {  	s8 =	sadd.s32 $0x14C70, s15;
	s21 =	sadd.s32 $0x60, s7;
	s15 =	sadd.s32 $0x14CF8, s15  }
0x1c2: {  	[hbm4b:s21+s3] =	stream.linear.scatter [tilespmem:s8], [sflag:$0x8], $0x80, $0x38;
	[tilespmem:$0x1AF40] =	vst v63  }
0x1c3: {  	s21 =	sadd.s32 $0x70, s7;
	s7 =	sadd.s32 $0x1000, s7;
	s8 =	smov.u32 s22  }
0x1c4: {  	[hbm4b:s21+s3] =	stream.linear.scatter [tilespmem:s15], [sflag:$0x8], $0x80, $0x38;
	[tilespmem:$0x1AF40] =	vst v63  }
0x1c5: {  	s8 =	sadd.s32 $0x14940, s6  }
0x1c6: {  	[hbm4b:s7+s3] =	stream.linear.scatter [tilespmem:s8], [sflag:$0x8], $0x80, $0x38;
	[tilespmem:$0x1AF40] =	vst v63  }
0x1c7: {  	s21 =	sadd.s32 $0x149C8, s6;
	s22 =	sadd.s32 $0x10, s7  }
0x1c8: {  	[hbm4b:s22+s3] =	stream.linear.scatter [tilespmem:s21], [sflag:$0x8], $0x80, $0x38;
	[tilespmem:$0x1AF40] =	vst v63  }
0x1c9: {  	s21 =	sadd.s32 $0x14A50, s6;
	s22 =	sadd.s32 $0x20, s7  }
0x1ca: {  	[hbm4b:s22+s3] =	stream.linear.scatter [tilespmem:s21], [sflag:$0x8], $0x80, $0x38;
	[tilespmem:$0x1AF40] =	vst v63  }
0x1cb: {  	s21 =	sadd.s32 $0x14AD8, s6;
	s22 =	sadd.s32 $0x30, s7  }
0x1cc: {  	[hbm4b:s22+s3] =	stream.linear.scatter [tilespmem:s21], [sflag:$0x8], $0x80, $0x38;
	[tilespmem:$0x1AF40] =	vst v63  }
0x1cd: {  	s21 =	sadd.s32 $0x14B60, s6;
	s22 =	sadd.s32 $0x40, s7  }
0x1ce: {  	[hbm4b:s22+s3] =	stream.linear.scatter [tilespmem:s21], [sflag:$0x8], $0x80, $0x38;
	[tilespmem:$0x1AF40] =	vst v63  }
0x1cf: {  	s15 =	sadd.s32 $0x14CF8, s6;
	s21 =	sadd.s32 $0x14BE8, s6;
	s22 =	sadd.s32 $0x50, s7  }
0x1d0: {  	[hbm4b:s22+s3] =	stream.linear.scatter [tilespmem:s21], [sflag:$0x8], $0x80, $0x38;
	[tilespmem:$0x1AF40] =	vst v63  }
0x1d1: {  	s21 =	sadd.s32 $0x14C70, s6;
	s22 =	sadd.s32 $0x60, s7;
	s6 =	sadd.s32 @!p1 $0x7, s19  }
0x1d2: {  	[hbm4b:s22+s3] =	stream.linear.scatter [tilespmem:s21], [sflag:$0x8], $0x80, $0x38;
	[tilespmem:$0x1AF40] =	vst v63  }
0x1d3: {  	s21 =	sadd.s32 $0x70, s7;
	s7 =	sshll.u32 @!p1 s6, $0x7  }
0x1d4: {  	[hbm4b:s21+s3] =	stream.linear.scatter [tilespmem:s15], [sflag:$0x8], $0x80, $0x38;
	[tilespmem:$0x1AF40] =	vst v63  }
0x1d5: {  	s8 =	simm.s32 @!p1 $0x40;
	s7 =	sand.u32 @!p1 $0x3FFFFF80, s7;
	s15 =	simm.s32 @!p1 $0xA540  }
0x1d6: {  	[tilespmem:s15], [sflag:$0x3] =	stream.indirect.gather @!p1 [hbm4b:s4+s8], $0x40, s7, s8, $0xb8;
	[tilespmem:$0x1AF40] =	vst v63  }
0x1d7: {  	s6 =	sshll.u32 @!p1 s6, $0x3;
	s7 =	sor.u32 @!p1 $0x40, s7;
	s15 =	simm.s32 @!p1 $0xB540  }
0x1d8: {  	[tilespmem:s15], [sflag:$0x3] =	stream.indirect.gather @!p1 [hbm4b:s4+s8], $0x40, s7, s8, $0xb8;
	[tilespmem:$0x1AF40] =	vst v63  }
0x1d9: {  	s6 =	sadd.s32 @!p1 s5, s6;
	s7 =	simm.s32 @!p1 $0x0;
	s8 =	simm.s32 @!p1 $0x6480  }
0x1da: {  	[tilespmem:s8], [sflag:$0x3] =	stream.linear.gather @!p1 [hbm4b:s6+s7], $0x40, $0x38;
	[tilespmem:$0x1AF40] =	vst v63  }
0x1db: {  	_ =	swait.ge [sflag:s31], $0x1000  }
0x1dc: {  	[sflag:s31] =	ssyncset.done $0x0  }
0x1dd: {  	[sflag:s31] =	ssyncadd.s32 $0xFFFFF000  }
0x1de: {  	_ =	swait.ge [sflag:s31], $0x1000  }
0x1df: {  	[sflag:s31] =	ssyncset.done $0x0  }
0x1e0: {  	[sflag:s31] =	ssyncadd.s32 $0xFFFFF000  }
0x1e1: {  	_ =	swait.ge [sflag:s31], $0x40  }
0x1e2: {  	[sflag:s31] =	ssyncset.done $0x0  }
0x1e3: {  	s6 =	simm.s32 @!p0 $0x9;
	[sflag:s31] =	ssyncadd.s32 $0xFFFFFFC0  }
0x1e4: {  	_ =	swait.ge @!p0 [sflag:s6], $0x2000  }
0x1e5: {  	[sflag:s6] =	ssyncset.done @!p0 $0x0  }
0x1e6: {  	[sflag:s6] =	ssyncadd.s32 @!p0 $0xFFFFE000  }
0x1e7: {  	s22 =	simm.s32 $0x0;
	s21 =	simm.s32 $0xC560;
	v8 =	vld [tilespmem:$0x64C0]  }
0x1e8: {  	v5 =	vmov s22;
	v6 =	vld [tilespmem:s21+$0xFFFFFFE0]  }
0x1e9: {  	v13 =	vand.u32 $0x7F, v5  }
0x1ea: {  	v9 =	vadd.s32 v0, v13;
	_ =	sdelay $0x1  }
0x1eb: {  	s15 =	simm.s32 $0xC5A0;
	s7 =	simm.s32 $0x1;
	v10 =	vld [tilespmem:$0x64D0]  }
0x1ec: {  	v5 =	vmov s7;
	v11 =	vld [tilespmem:s15+$0xFFFFFFE0];
	v12 =	vadd.f32 v6, v8  }
0x1ed: {  	v7 =	vld [tilespmem:$0x64E0];
	v6 =	vand.u32 $0x7F, v5  }
0x1ee: {  	v5 =	vld [tilespmem:$0x64F0];
	v14 =	vadd.s32 v0, v6;
	[tilespmem:v9+s0+$0x0] =	vst.idx.msk $0xffff, v12  }
0x1ef: {  	v12 =	vld [tilespmem:s21+$0xFFFFFFF0];
	_ =	sdelay $0x1  }
0x1f0: {  	v15 =	vadd.s32 v2, v13;
	s8 =	simm.s32 $0x2;
	s6 =	simm.s32 $0xC5E0;
	v11 =	vadd.f32 v11, v8  }
0x1f1: {  	v16 =	vld [tilespmem:s6+$0xFFFFFFE0];
	v9 =	vmov s8  }
0x1f2: {  	v9 =	vand.u32 $0x7F, v9;
	[tilespmem:v14+s0+$0x0] =	vst.idx.msk $0xffff, v11  }
0x1f3: {  	v11 =	vadd.s32 v0, v9;
	v14 =	vld [tilespmem:s15+$0xFFFFFFF0];
	v12 =	vadd.f32 v12, v10;
	_ =	sdelay $0x1  }
0x1f4: {  	[tilespmem:v15+s0+$0x0] =	vst.idx.msk $0xffff, v12  }
0x1f5: {  	s22 =	simm.s32 $0x3;
	s7 =	simm.s32 $0xC620;
	v17 =	vadd.s32 v2, v6;
	v12 =	vadd.f32 v16, v8;
	v15 =	vld [tilespmem:s21+$0x0]  }
0x1f6: {  	v18 =	vld [tilespmem:s7+$0xFFFFFFE0];
	v16 =	vmov s22  }
0x1f7: {  	[tilespmem:v11+s0+$0x0] =	vst.idx.msk $0xffff, v12;
	v12 =	vadd.f32 v14, v10;
	v11 =	vand.u32 $0x7F, v16;
	v14 =	vadd.s32 v3, v13  }
0x1f8: {  	v19 =	vadd.s32 v0, v11  }
0x1f9: {  	v16 =	vld [tilespmem:s6+$0xFFFFFFF0]  }
0x1fa: {  	[tilespmem:v17+s0+$0x0] =	vst.idx.msk $0xffff, v12;
	v12 =	vadd.f32 v15, v7  }
0x1fb: {  	s8 =	simm.s32 $0xC660;
	v20 =	vadd.s32 v2, v9;
	s22 =	simm.s32 $0x4;
	v21 =	vld [tilespmem:s15+$0x0];
	v15 =	vadd.f32 v18, v8  }
0x1fc: {  	v22 =	vld [tilespmem:s8+$0xFFFFFFE0];
	v17 =	vmov s22;
	[tilespmem:v14+s0+$0x0] =	vst.idx.msk $0xffff, v12  }
0x1fd: {  	v12 =	vand.u32 $0x7F, v17;
	[tilespmem:v19+s0+$0x0] =	vst.idx.msk $0xffff, v15;
	v15 =	vadd.s32 v3, v6;
	v14 =	vld [tilespmem:s21+$0x10]  }
0x1fe: {  	v16 =	vadd.f32 v16, v10;
	v17 =	vadd.s32 v0, v12  }
0x1ff: {  	v13 =	vadd.s32 v4, v13;
	v18 =	vld [tilespmem:s7+$0xFFFFFFF0]  }
0x200: {  	[tilespmem:v20+s0+$0x0] =	vst.idx.msk $0xffff, v16;
	v20 =	vadd.f32 v21, v7  }
0x201: {  	s22 =	simm.s32 $0xC6A0;
	v19 =	vadd.s32 v2, v11;
	s21 =	simm.s32 $0x5;
	v21 =	vadd.f32 v22, v8;
	v16 =	vld [tilespmem:s6+$0x0]  }
.LBB2_17:
0x202: {  	v22 =	vmov s21;
	v23 =	vld [tilespmem:s22+$0xFFFFFFE0];
	[tilespmem:v15+s0+$0x0] =	vst.idx.msk $0xffff, v20;
	v20 =	vadd.f32 v14, v5;
	p2 =	sne.s32 s21, $0x7F  }
.Ltmp7:
0x203: {  	s21 =	sadd.s32 $0x1, s21;
	v15 =	vadd.s32 v3, v9;
	v22 =	vand.u32 $0x7F, v22;
	[tilespmem:v17+s0+$0x0] =	vst.idx.msk $0xffff, v21;
	v14 =	vld [tilespmem:s15+$0x10];
	(pc) =	sbr.rel @p2 .LBB2_17-.Ltmp7, $4  }
0x204: {  	s15 =	smov.u32 s6;
	s6 =	smov.u32 s7;
	s7 =	smov.u32 s8;
	v17 =	vadd.s32 v0, v22;
	v21 =	vadd.f32 v18, v10;
	[tilespmem:v13+s0+$0x0] =	vst.idx.msk $0xffff, v20  }
0x205: {  	s8 =	smov.u32 s22;
	v13 =	vadd.s32 v4, v6;
	v6 =	vmovc v9;
	v9 =	vmovc v11;
	v11 =	vmov v12;
	v12 =	vmov v22;
	v18 =	vld [tilespmem:s7+$0xFFFFFFF0]  }
0x206: {  	[tilespmem:v19+s0+$0x0] =	vst.idx.msk $0xffff, v21;
	v20 =	vadd.f32 v16, v7  }
0x207: {  	s22 =	sadd.s32 $0x40, s22;
	v19 =	vadd.s32 v2, v11;
	v21 =	vadd.f32 v23, v8;
	v16 =	vld [tilespmem:s6+$0x0]  }
0x208: {  	_ =	sdelay $0x3  }
0x209: {  	[tilespmem:v17+s0+$0x0] =	vst.idx.msk $0xffff, v21  }
0x20a: {  	v8 =	vld [tilespmem:s8+$0xFFFFFFF0];
	_ =	sdelay $0x1  }
0x20b: {  	v56 =	vadd.s32 v2, v12  }
0x20c: {  	v18 =	vadd.f32 v18, v10;
	_ =	sdelay $0x1  }
0x20d: {  	[tilespmem:v19+s0+$0x0] =	vst.idx.msk $0xffff, v18;
	v8 =	vadd.f32 v8, v10  }
0x20e: {  	v57 =	vld [tilespmem:s7+$0x0]  }
0x20f: {  	[tilespmem:v56+s0+$0x0] =	vst.idx.msk $0xffff, v8  }
0x210: {  	v59 =	vadd.s32 v3, v11;
	v17 =	vld [tilespmem:s8+$0x0]  }
0x211: {  	v58 =	vadd.s32 v3, v9  }
0x212: {  	v60 =	vadd.s32 v3, v12  }
0x213: {  	[tilespmem:v15+s0+$0x0] =	vst.idx.msk $0xffff, v20;
	v10 =	vadd.f32 v57, v7  }
0x214: {  	v15 =	vld [tilespmem:s15+$0x10];
	v16 =	vadd.f32 v16, v7  }
0x215: {  	[tilespmem:v59+s0+$0x0] =	vst.idx.msk $0xffff, v10;
	v7 =	vadd.f32 v17, v7  }
0x216: {  	v6 =	vadd.s32 v4, v6;
	[tilespmem:v58+s0+$0x0] =	vst.idx.msk $0xffff, v16;
	v10 =	vld [tilespmem:s7+$0x10]  }
0x217: {  	v8 =	vld [tilespmem:s6+$0x10];
	[tilespmem:v60+s0+$0x0] =	vst.idx.msk $0xffff, v7  }
0x218: {  	v62 =	vadd.s32 v4, v11;
	v61 =	vld [tilespmem:s8+$0x10]  }
0x219: {  	v15 =	vadd.f32 v15, v5;
	v7 =	vadd.s32 v4, v9  }
0x21a: {  	v14 =	vadd.f32 v14, v5;
	v63 =	vadd.s32 v4, v12  }
0x21b: {  	[tilespmem:v6+s0+$0x0] =	vst.idx.msk $0xffff, v15;
	v6 =	vadd.f32 v10, v5  }
0x21c: {  	[tilespmem:v13+s0+$0x0] =	vst.idx.msk $0xffff, v14;
	v8 =	vadd.f32 v8, v5  }
0x21d: {  	s7 =	sadd.s32 s13, s20;
	[tilespmem:v62+s0+$0x0] =	vst.idx.msk $0xffff, v6;
	v5 =	vadd.f32 v61, v5  }
0x21e: {  	s6 =	sshrl.u32 s7, $0x3;
	[tilespmem:v7+s0+$0x0] =	vst.idx.msk $0xffff, v8  }
0x21f: {  	s7 =	sadd.s32 s2, s6;
	s8 =	simm.s32 $0x16B40;
	[tilespmem:v63+s0+$0x0] =	vst.idx.msk $0xffff, v5  }
0x220: {  	[hbm4b:s7+s3] =	stream.linear.scatter [tilespmem:s8], [sflag:$0x9], $0x80, $0x38;
	[tilespmem:$0x1AF40] =	vst v63  }
0x221: {  	s15 =	simm.s32 $0x16BC8;
	s20 =	sadd.s32 $0x10, s7  }
0x222: {  	[hbm4b:s20+s3] =	stream.linear.scatter [tilespmem:s15], [sflag:$0x9], $0x80, $0x38;
	[tilespmem:$0x1AF40] =	vst v63  }
0x223: {  	s21 =	simm.s32 $0x16C50;
	s6 =	simm.s32 $0x440;
	s22 =	sadd.s32 $0x20, s7  }
0x224: {  	[hbm4b:s22+s3] =	stream.linear.scatter [tilespmem:s21], [sflag:$0x9], $0x80, $0x38;
	[tilespmem:$0x1AF40] =	vst v63  }
0x225: {  	s8 =	simm.s32 $0x2200;
	s15 =	simm.s32 $0x16CD8;
	s20 =	sadd.s32 $0x30, s7  }
0x226: {  	[hbm4b:s20+s3] =	stream.linear.scatter [tilespmem:s15], [sflag:$0x9], $0x80, $0x38;
	[tilespmem:$0x1AF40] =	vst v63  }
0x227: {  	s21 =	simm.s32 $0x16D60;
	s22 =	sadd.s32 $0x40, s7;
	s15 =	simm.s32 $0x16DE8  }
0x228: {  	[hbm4b:s22+s3] =	stream.linear.scatter [tilespmem:s21], [sflag:$0x9], $0x80, $0x38;
	[tilespmem:$0x1AF40] =	vst v63  }
0x229: {  	s20 =	sadd.s32 $0x50, s7;
	s21 =	simm.s32 $0x16E70;
	s22 =	sadd.s32 $0x60, s7  }
0x22a: {  	[hbm4b:s20+s3] =	stream.linear.scatter [tilespmem:s15], [sflag:$0x9], $0x80, $0x38;
	[tilespmem:$0x1AF40] =	vst v63  }
0x22b: {  	s15 =	simm.s32 $0x16EF8;
	s20 =	sadd.s32 $0x70, s7;
	s7 =	sadd.s32 $0x1000, s7  }
0x22c: {  	[hbm4b:s22+s3] =	stream.linear.scatter [tilespmem:s21], [sflag:$0x9], $0x80, $0x38;
	[tilespmem:$0x1AF40] =	vst v63  }
.LBB2_19:
0x22d: {  	[hbm4b:s20+s3] =	stream.linear.scatter [tilespmem:s15], [sflag:$0x9], $0x80, $0x38;
	[tilespmem:$0x1AF40] =	vst v63  }
0x22e: {  	s15 =	smov.u32 s6;
	s6 =	smov.u32 s8  }
0x22f: {  	s21 =	sadd.s32 $0x1100, s8;
	s6 =	sshra.s32 s6, $0x2;
	s20 =	sadd.s32 $0x16B40, s15  }
0x230: {  	[hbm4b:s7+s3] =	stream.linear.scatter [tilespmem:s20], [sflag:$0x9], $0x80, $0x38;
	[tilespmem:$0x1AF40] =	vst v63  }
0x231: {  	p2 =	sne.s32 s8, $0x7700;
	s8 =	sadd.s32 $0x16BC8, s15;
	s20 =	sadd.s32 $0x10, s7  }
0x232: {  	[hbm4b:s20+s3] =	stream.linear.scatter [tilespmem:s8], [sflag:$0x9], $0x80, $0x38;
	[tilespmem:$0x1AF40] =	vst v63  }
0x233: {  	s8 =	sadd.s32 $0x16C50, s15;
	s20 =	sadd.s32 $0x20, s7  }
0x234: {  	[hbm4b:s20+s3] =	stream.linear.scatter [tilespmem:s8], [sflag:$0x9], $0x80, $0x38;
	[tilespmem:$0x1AF40] =	vst v63  }
0x235: {  	s8 =	sadd.s32 $0x16CD8, s15;
	s20 =	sadd.s32 $0x30, s7  }
0x236: {  	[hbm4b:s20+s3] =	stream.linear.scatter [tilespmem:s8], [sflag:$0x9], $0x80, $0x38;
	[tilespmem:$0x1AF40] =	vst v63  }
0x237: {  	s8 =	sadd.s32 $0x16D60, s15;
	s20 =	sadd.s32 $0x40, s7  }
0x238: {  	[hbm4b:s20+s3] =	stream.linear.scatter [tilespmem:s8], [sflag:$0x9], $0x80, $0x38;
	[tilespmem:$0x1AF40] =	vst v63  }
.Ltmp8:
0x239: {  	s8 =	sadd.s32 $0x16DE8, s15;
	s20 =	sadd.s32 $0x50, s7;
	(pc) =	sbr.rel @p2 .LBB2_19-.Ltmp8, $4  }
0x23a: {  	[hbm4b:s20+s3] =	stream.linear.scatter [tilespmem:s8], [sflag:$0x9], $0x80, $0x38;
	[tilespmem:$0x1AF40] =	vst v63  }
0x23b: {  	s8 =	sadd.s32 $0x16E70, s15;
	s20 =	sadd.s32 $0x60, s7;
	s15 =	sadd.s32 $0x16EF8, s15  }
0x23c: {  	[hbm4b:s20+s3] =	stream.linear.scatter [tilespmem:s8], [sflag:$0x9], $0x80, $0x38;
	[tilespmem:$0x1AF40] =	vst v63  }
0x23d: {  	s20 =	sadd.s32 $0x70, s7;
	s7 =	sadd.s32 $0x1000, s7;
	s8 =	smov.u32 s21  }
0x23e: {  	[hbm4b:s20+s3] =	stream.linear.scatter [tilespmem:s15], [sflag:$0x9], $0x80, $0x38;
	[tilespmem:$0x1AF40] =	vst v63  }
0x23f: {  	s8 =	sadd.s32 $0x16B40, s6  }
0x240: {  	[hbm4b:s7+s3] =	stream.linear.scatter [tilespmem:s8], [sflag:$0x9], $0x80, $0x38;
	[tilespmem:$0x1AF40] =	vst v63  }
0x241: {  	s21 =	sadd.s32 $0x16BC8, s6;
	s22 =	sadd.s32 $0x10, s7  }
0x242: {  	[hbm4b:s22+s3] =	stream.linear.scatter [tilespmem:s21], [sflag:$0x9], $0x80, $0x38;
	[tilespmem:$0x1AF40] =	vst v63  }
0x243: {  	s15 =	sadd.s32 $0x16C50, s6;
	s20 =	sadd.s32 $0x20, s7  }
0x244: {  	[hbm4b:s20+s3] =	stream.linear.scatter [tilespmem:s15], [sflag:$0x9], $0x80, $0x38;
	[tilespmem:$0x1AF40] =	vst v63  }
0x245: {  	s21 =	sadd.s32 $0x16CD8, s6;
	s22 =	sadd.s32 $0x30, s7  }
0x246: {  	[hbm4b:s22+s3] =	stream.linear.scatter [tilespmem:s21], [sflag:$0x9], $0x80, $0x38;
	[tilespmem:$0x1AF40] =	vst v63  }
0x247: {  	s15 =	sadd.s32 $0x16D60, s6;
	s20 =	sadd.s32 $0x40, s7  }
0x248: {  	[hbm4b:s20+s3] =	stream.linear.scatter [tilespmem:s15], [sflag:$0x9], $0x80, $0x38;
	[tilespmem:$0x1AF40] =	vst v63  }
0x249: {  	s21 =	sadd.s32 $0x16DE8, s6;
	s22 =	sadd.s32 $0x50, s7;
	s15 =	sadd.s32 $0x16E70, s6  }
0x24a: {  	[hbm4b:s22+s3] =	stream.linear.scatter [tilespmem:s21], [sflag:$0x9], $0x80, $0x38;
	[tilespmem:$0x1AF40] =	vst v63  }
0x24b: {  	s20 =	sadd.s32 $0x60, s7;
	s21 =	sadd.s32 $0x16EF8, s6;
	s6 =	sadd.s32 @!p1 $0x8, s19  }
0x24c: {  	[hbm4b:s20+s3] =	stream.linear.scatter [tilespmem:s15], [sflag:$0x9], $0x80, $0x38;
	[tilespmem:$0x1AF40] =	vst v63  }
0x24d: {  	s22 =	sadd.s32 $0x70, s7;
	s7 =	sshll.u32 @!p1 s6, $0x7  }
0x24e: {  	[hbm4b:s22+s3] =	stream.linear.scatter [tilespmem:s21], [sflag:$0x9], $0x80, $0x38;
	[tilespmem:$0x1AF40] =	vst v63  }
0x24f: {  	s8 =	simm.s32 @!p1 $0x40;
	s7 =	sand.u32 @!p1 $0x3FFFFF80, s7;
	s15 =	simm.s32 @!p1 $0xC540  }
0x250: {  	[tilespmem:s15], [sflag:$0x4] =	stream.indirect.gather @!p1 [hbm4b:s4+s8], $0x40, s7, s8, $0xb8;
	[tilespmem:$0x1AF40] =	vst v63  }
0x251: {  	s6 =	sshll.u32 @!p1 s6, $0x3;
	s7 =	sor.u32 @!p1 $0x40, s7;
	s15 =	simm.s32 @!p1 $0xD540  }
0x252: {  	[tilespmem:s15], [sflag:$0x4] =	stream.indirect.gather @!p1 [hbm4b:s4+s8], $0x40, s7, s8, $0xb8;
	[tilespmem:$0x1AF40] =	vst v63  }
0x253: {  	s6 =	sadd.s32 @!p1 s5, s6;
	s7 =	simm.s32 @!p1 $0x0;
	s8 =	simm.s32 @!p1 $0x64C0  }
0x254: {  	[tilespmem:s8], [sflag:$0x4] =	stream.linear.gather @!p1 [hbm4b:s6+s7], $0x40, $0x38;
	[tilespmem:$0x1AF40] =	vst v63  }
0x255: {  	_ =	swait.ge [sflag:s1], $0x1000  }
0x256: {  	[sflag:s1] =	ssyncset.done $0x0  }
0x257: {  	[sflag:s1] =	ssyncadd.s32 $0xFFFFF000  }
0x258: {  	_ =	swait.ge [sflag:s1], $0x1000  }
0x259: {  	[sflag:s1] =	ssyncset.done $0x0  }
0x25a: {  	[sflag:s1] =	ssyncadd.s32 $0xFFFFF000  }
0x25b: {  	_ =	swait.ge [sflag:s1], $0x40  }
0x25c: {  	[sflag:s1] =	ssyncset.done $0x0  }
0x25d: {  	s6 =	simm.s32 @!p0 $0xA;
	[sflag:s1] =	ssyncadd.s32 $0xFFFFFFC0  }
0x25e: {  	_ =	swait.ge @!p0 [sflag:s6], $0x2000  }
0x25f: {  	[sflag:s6] =	ssyncset.done @!p0 $0x0  }
0x260: {  	[sflag:s6] =	ssyncadd.s32 @!p0 $0xFFFFE000  }
0x261: {  	s19 =	simm.s32 $0xE560;
	s7 =	simm.s32 $0x0;
	v8 =	vld [tilespmem:$0x6500]  }
0x262: {  	v5 =	vmov s7;
	v6 =	vld [tilespmem:s19+$0xFFFFFFE0]  }
0x263: {  	v13 =	vand.u32 $0x7F, v5  }
0x264: {  	v9 =	vadd.s32 v0, v13;
	_ =	sdelay $0x1  }
0x265: {  	s15 =	simm.s32 $0xE5A0;
	s8 =	simm.s32 $0x1;
	v10 =	vld [tilespmem:$0x6510]  }
0x266: {  	v5 =	vmov s8;
	v11 =	vld [tilespmem:s15+$0xFFFFFFE0];
	v12 =	vadd.f32 v6, v8  }
0x267: {  	v7 =	vld [tilespmem:$0x6520];
	v6 =	vand.u32 $0x7F, v5  }
0x268: {  	v5 =	vld [tilespmem:$0x6530];
	v14 =	vadd.s32 v0, v6;
	[tilespmem:v9+s16+$0x0] =	vst.idx.msk $0xffff, v12  }
0x269: {  	v12 =	vld [tilespmem:s19+$0xFFFFFFF0];
	_ =	sdelay $0x1  }
0x26a: {  	s20 =	simm.s32 $0x2;
	v15 =	vadd.s32 v2, v13;
	s6 =	simm.s32 $0xE5E0;
	v11 =	vadd.f32 v11, v8  }
0x26b: {  	v16 =	vld [tilespmem:s6+$0xFFFFFFE0];
	v9 =	vmov s20  }
0x26c: {  	v9 =	vand.u32 $0x7F, v9;
	[tilespmem:v14+s16+$0x0] =	vst.idx.msk $0xffff, v11  }
0x26d: {  	v11 =	vadd.s32 v0, v9;
	v14 =	vld [tilespmem:s15+$0xFFFFFFF0];
	v12 =	vadd.f32 v12, v10;
	_ =	sdelay $0x1  }
0x26e: {  	[tilespmem:v15+s16+$0x0] =	vst.idx.msk $0xffff, v12  }
0x26f: {  	s21 =	simm.s32 $0x3;
	s7 =	simm.s32 $0xE620;
	v17 =	vadd.s32 v2, v6;
	v12 =	vadd.f32 v16, v8;
	v15 =	vld [tilespmem:s19+$0x0]  }
0x270: {  	v18 =	vld [tilespmem:s7+$0xFFFFFFE0];
	v16 =	vmov s21  }
0x271: {  	[tilespmem:v11+s16+$0x0] =	vst.idx.msk $0xffff, v12;
	v12 =	vadd.f32 v14, v10;
	v11 =	vand.u32 $0x7F, v16;
	v14 =	vadd.s32 v3, v13  }
0x272: {  	v19 =	vadd.s32 v0, v11  }
0x273: {  	v16 =	vld [tilespmem:s6+$0xFFFFFFF0]  }
0x274: {  	[tilespmem:v17+s16+$0x0] =	vst.idx.msk $0xffff, v12;
	v12 =	vadd.f32 v15, v7  }
0x275: {  	s22 =	simm.s32 $0x4;
	s8 =	simm.s32 $0xE660;
	v20 =	vadd.s32 v2, v9;
	v21 =	vld [tilespmem:s15+$0x0];
	v15 =	vadd.f32 v18, v8  }
0x276: {  	v22 =	vld [tilespmem:s8+$0xFFFFFFE0];
	v17 =	vmov s22;
	[tilespmem:v14+s16+$0x0] =	vst.idx.msk $0xffff, v12  }
0x277: {  	v12 =	vand.u32 $0x7F, v17;
	[tilespmem:v19+s16+$0x0] =	vst.idx.msk $0xffff, v15;
	v15 =	vadd.s32 v3, v6;
	v14 =	vld [tilespmem:s19+$0x10]  }
0x278: {  	v16 =	vadd.f32 v16, v10;
	v17 =	vadd.s32 v0, v12  }
0x279: {  	v13 =	vadd.s32 v4, v13;
	v18 =	vld [tilespmem:s7+$0xFFFFFFF0]  }
0x27a: {  	[tilespmem:v20+s16+$0x0] =	vst.idx.msk $0xffff, v16;
	v20 =	vadd.f32 v21, v7  }
0x27b: {  	s20 =	simm.s32 $0xE6A0;
	v19 =	vadd.s32 v2, v11;
	s19 =	simm.s32 $0x5;
	v21 =	vadd.f32 v22, v8;
	v16 =	vld [tilespmem:s6+$0x0]  }
.LBB2_21:
0x27c: {  	v22 =	vmov s19;
	v23 =	vld [tilespmem:s20+$0xFFFFFFE0];
	[tilespmem:v15+s16+$0x0] =	vst.idx.msk $0xffff, v20;
	v20 =	vadd.f32 v14, v5;
	p0 =	sne.s32 s19, $0x7F  }
.Ltmp9:
0x27d: {  	s19 =	sadd.s32 $0x1, s19;
	v15 =	vadd.s32 v3, v9;
	v22 =	vand.u32 $0x7F, v22;
	[tilespmem:v17+s16+$0x0] =	vst.idx.msk $0xffff, v21;
	v14 =	vld [tilespmem:s15+$0x10];
	(pc) =	sbr.rel @p0 .LBB2_21-.Ltmp9, $4  }
0x27e: {  	s15 =	smov.u32 s6;
	s6 =	smov.u32 s7;
	s7 =	smov.u32 s8;
	v17 =	vadd.s32 v0, v22;
	v21 =	vadd.f32 v18, v10;
	[tilespmem:v13+s16+$0x0] =	vst.idx.msk $0xffff, v20  }
0x27f: {  	s8 =	smov.u32 s20;
	v13 =	vadd.s32 v4, v6;
	v6 =	vmovc v9;
	v9 =	vmovc v11;
	v11 =	vmov v12;
	v12 =	vmov v22;
	v18 =	vld [tilespmem:s7+$0xFFFFFFF0]  }
0x280: {  	[tilespmem:v19+s16+$0x0] =	vst.idx.msk $0xffff, v21;
	v20 =	vadd.f32 v16, v7  }
0x281: {  	s20 =	sadd.s32 $0x40, s20;
	v19 =	vadd.s32 v2, v11;
	v21 =	vadd.f32 v23, v8;
	v16 =	vld [tilespmem:s6+$0x0]  }
0x282: {  	_ =	sdelay $0x3  }
0x283: {  	[tilespmem:v17+s16+$0x0] =	vst.idx.msk $0xffff, v21  }
0x284: {  	v8 =	vld [tilespmem:s8+$0xFFFFFFF0];
	_ =	sdelay $0x1  }
0x285: {  	v56 =	vadd.s32 v2, v12  }
0x286: {  	v18 =	vadd.f32 v18, v10;
	_ =	sdelay $0x1  }
0x287: {  	[tilespmem:v19+s16+$0x0] =	vst.idx.msk $0xffff, v18;
	v8 =	vadd.f32 v8, v10  }
0x288: {  	v57 =	vld [tilespmem:s7+$0x0]  }
0x289: {  	[tilespmem:v56+s16+$0x0] =	vst.idx.msk $0xffff, v8  }
0x28a: {  	v59 =	vadd.s32 v3, v11;
	v17 =	vld [tilespmem:s8+$0x0]  }
0x28b: {  	v58 =	vadd.s32 v3, v9  }
0x28c: {  	v60 =	vadd.s32 v3, v12  }
0x28d: {  	[tilespmem:v15+s16+$0x0] =	vst.idx.msk $0xffff, v20;
	v10 =	vadd.f32 v57, v7  }
0x28e: {  	v15 =	vld [tilespmem:s15+$0x10];
	v16 =	vadd.f32 v16, v7  }
0x28f: {  	[tilespmem:v59+s16+$0x0] =	vst.idx.msk $0xffff, v10;
	v7 =	vadd.f32 v17, v7  }
0x290: {  	v6 =	vadd.s32 v4, v6;
	[tilespmem:v58+s16+$0x0] =	vst.idx.msk $0xffff, v16;
	v10 =	vld [tilespmem:s7+$0x10]  }
0x291: {  	v8 =	vld [tilespmem:s6+$0x10];
	[tilespmem:v60+s16+$0x0] =	vst.idx.msk $0xffff, v7  }
0x292: {  	v62 =	vadd.s32 v4, v11;
	v61 =	vld [tilespmem:s8+$0x10]  }
0x293: {  	v15 =	vadd.f32 v15, v5;
	v7 =	vadd.s32 v4, v9  }
0x294: {  	v14 =	vadd.f32 v14, v5;
	v63 =	vadd.s32 v4, v12  }
0x295: {  	[tilespmem:v6+s16+$0x0] =	vst.idx.msk $0xffff, v15;
	v6 =	vadd.f32 v10, v5  }
0x296: {  	[tilespmem:v13+s16+$0x0] =	vst.idx.msk $0xffff, v14;
	s7 =	sshll.u32 s17, $0x12;
	v8 =	vadd.f32 v8, v5  }
0x297: {  	s6 =	sor.u32 s9, s7;
	[tilespmem:v62+s16+$0x0] =	vst.idx.msk $0xffff, v6;
	v5 =	vadd.f32 v61, v5  }
0x298: {  	s6 =	sshrl.u32 s6, $0x3;
	[tilespmem:v7+s16+$0x0] =	vst.idx.msk $0xffff, v8  }
0x299: {  	s7 =	sadd.s32 s2, s6;
	s8 =	simm.s32 $0x18D40;
	[tilespmem:v63+s16+$0x0] =	vst.idx.msk $0xffff, v5  }
0x29a: {  	[hbm4b:s7+s3] =	stream.linear.scatter [tilespmem:s8], [sflag:$0xA], $0x80, $0x38;
	[tilespmem:$0x1AF40] =	vst v63  }
0x29b: {  	s15 =	simm.s32 $0x18DC8;
	s17 =	sadd.s32 $0x10, s7  }
0x29c: {  	[hbm4b:s17+s3] =	stream.linear.scatter [tilespmem:s15], [sflag:$0xA], $0x80, $0x38;
	[tilespmem:$0x1AF40] =	vst v63  }
0x29d: {  	s19 =	simm.s32 $0x18E50;
	s21 =	simm.s32 $0x18ED8;
	s20 =	sadd.s32 $0x20, s7  }
0x29e: {  	[hbm4b:s20+s3] =	stream.linear.scatter [tilespmem:s19], [sflag:$0xA], $0x80, $0x38;
	[tilespmem:$0x1AF40] =	vst v63  }
0x29f: {  	s6 =	simm.s32 $0x440;
	s22 =	sadd.s32 $0x30, s7;
	s8 =	simm.s32 $0x2200  }
0x2a0: {  	[hbm4b:s22+s3] =	stream.linear.scatter [tilespmem:s21], [sflag:$0xA], $0x80, $0x38;
	[tilespmem:$0x1AF40] =	vst v63  }
0x2a1: {  	s15 =	simm.s32 $0x18F60;
	s17 =	sadd.s32 $0x40, s7;
	s19 =	simm.s32 $0x18FE8  }
0x2a2: {  	[hbm4b:s17+s3] =	stream.linear.scatter [tilespmem:s15], [sflag:$0xA], $0x80, $0x38;
	[tilespmem:$0x1AF40] =	vst v63  }
0x2a3: {  	s20 =	sadd.s32 $0x50, s7;
	s21 =	simm.s32 $0x19070;
	s22 =	sadd.s32 $0x60, s7  }
0x2a4: {  	[hbm4b:s20+s3] =	stream.linear.scatter [tilespmem:s19], [sflag:$0xA], $0x80, $0x38;
	[tilespmem:$0x1AF40] =	vst v63  }
0x2a5: {  	s15 =	simm.s32 $0x190F8;
	s17 =	sadd.s32 $0x70, s7;
	s7 =	sadd.s32 $0x1000, s7  }
0x2a6: {  	[hbm4b:s22+s3] =	stream.linear.scatter [tilespmem:s21], [sflag:$0xA], $0x80, $0x38;
	[tilespmem:$0x1AF40] =	vst v63  }
.LBB2_23:
0x2a7: {  	[hbm4b:s17+s3] =	stream.linear.scatter [tilespmem:s15], [sflag:$0xA], $0x80, $0x38;
	[tilespmem:$0x1AF40] =	vst v63  }
0x2a8: {  	s15 =	smov.u32 s6;
	s6 =	smov.u32 s8  }
0x2a9: {  	s19 =	sadd.s32 $0x1100, s8;
	s6 =	sshra.s32 s6, $0x2;
	s17 =	sadd.s32 $0x18D40, s15  }
0x2aa: {  	[hbm4b:s7+s3] =	stream.linear.scatter [tilespmem:s17], [sflag:$0xA], $0x80, $0x38;
	[tilespmem:$0x1AF40] =	vst v63  }
0x2ab: {  	p0 =	sne.s32 s8, $0x7700;
	s8 =	sadd.s32 $0x18DC8, s15;
	s17 =	sadd.s32 $0x10, s7  }
0x2ac: {  	[hbm4b:s17+s3] =	stream.linear.scatter [tilespmem:s8], [sflag:$0xA], $0x80, $0x38;
	[tilespmem:$0x1AF40] =	vst v63  }
0x2ad: {  	s8 =	sadd.s32 $0x18E50, s15;
	s17 =	sadd.s32 $0x20, s7  }
0x2ae: {  	[hbm4b:s17+s3] =	stream.linear.scatter [tilespmem:s8], [sflag:$0xA], $0x80, $0x38;
	[tilespmem:$0x1AF40] =	vst v63  }
0x2af: {  	s8 =	sadd.s32 $0x18ED8, s15;
	s17 =	sadd.s32 $0x30, s7  }
0x2b0: {  	[hbm4b:s17+s3] =	stream.linear.scatter [tilespmem:s8], [sflag:$0xA], $0x80, $0x38;
	[tilespmem:$0x1AF40] =	vst v63  }
0x2b1: {  	s8 =	sadd.s32 $0x18F60, s15;
	s17 =	sadd.s32 $0x40, s7  }
0x2b2: {  	[hbm4b:s17+s3] =	stream.linear.scatter [tilespmem:s8], [sflag:$0xA], $0x80, $0x38;
	[tilespmem:$0x1AF40] =	vst v63  }
.Ltmp10:
0x2b3: {  	s8 =	sadd.s32 $0x18FE8, s15;
	s17 =	sadd.s32 $0x50, s7;
	(pc) =	sbr.rel @p0 .LBB2_23-.Ltmp10, $4  }
0x2b4: {  	[hbm4b:s17+s3] =	stream.linear.scatter [tilespmem:s8], [sflag:$0xA], $0x80, $0x38;
	[tilespmem:$0x1AF40] =	vst v63  }
0x2b5: {  	s8 =	sadd.s32 $0x19070, s15;
	s17 =	sadd.s32 $0x60, s7;
	s15 =	sadd.s32 $0x190F8, s15  }
0x2b6: {  	[hbm4b:s17+s3] =	stream.linear.scatter [tilespmem:s8], [sflag:$0xA], $0x80, $0x38;
	[tilespmem:$0x1AF40] =	vst v63  }
0x2b7: {  	s17 =	sadd.s32 $0x70, s7;
	s7 =	sadd.s32 $0x1000, s7;
	s8 =	smov.u32 s19  }
0x2b8: {  	[hbm4b:s17+s3] =	stream.linear.scatter [tilespmem:s15], [sflag:$0xA], $0x80, $0x38;
	[tilespmem:$0x1AF40] =	vst v63  }
0x2b9: {  	s8 =	sadd.s32 $0x18D40, s6  }
0x2ba: {  	[hbm4b:s7+s3] =	stream.linear.scatter [tilespmem:s8], [sflag:$0xA], $0x80, $0x38;
	[tilespmem:$0x1AF40] =	vst v63  }
0x2bb: {  	s21 =	sadd.s32 $0x18DC8, s6;
	s22 =	sadd.s32 $0x10, s7  }
0x2bc: {  	[hbm4b:s22+s3] =	stream.linear.scatter [tilespmem:s21], [sflag:$0xA], $0x80, $0x38;
	[tilespmem:$0x1AF40] =	vst v63  }
0x2bd: {  	s15 =	sadd.s32 $0x18E50, s6;
	s17 =	sadd.s32 $0x20, s7  }
0x2be: {  	[hbm4b:s17+s3] =	stream.linear.scatter [tilespmem:s15], [sflag:$0xA], $0x80, $0x38;
	[tilespmem:$0x1AF40] =	vst v63  }
0x2bf: {  	s19 =	sadd.s32 $0x18ED8, s6;
	s20 =	sadd.s32 $0x30, s7  }
0x2c0: {  	[hbm4b:s20+s3] =	stream.linear.scatter [tilespmem:s19], [sflag:$0xA], $0x80, $0x38;
	[tilespmem:$0x1AF40] =	vst v63  }
0x2c1: {  	s14 =	sadd.s32 $0x1, s14;
	s21 =	sadd.s32 $0x18F60, s6;
	s22 =	sadd.s32 $0x40, s7  }
0x2c2: {  	[hbm4b:s22+s3] =	stream.linear.scatter [tilespmem:s21], [sflag:$0xA], $0x80, $0x38;
	[tilespmem:$0x1AF40] =	vst v63  }
0x2c3: {  	p0 =	sne.s32 s14, $0x28;
	s15 =	sadd.s32 $0x18FE8, s6;
	s17 =	sadd.s32 $0x50, s7  }
0x2c4: {  	[hbm4b:s17+s3] =	stream.linear.scatter [tilespmem:s15], [sflag:$0xA], $0x80, $0x38;
	[tilespmem:$0x1AF40] =	vst v63  }
.Ltmp11:
0x2c5: {  	_ = 	snop;
	(pc) =	sbr.rel @p0 .LBB2_4-.Ltmp11, $4  }
0x2c6: {  	s19 =	sadd.s32 $0x19070, s6;
	s20 =	sadd.s32 $0x60, s7  }
0x2c7: {  	[hbm4b:s20+s3] =	stream.linear.scatter [tilespmem:s19], [sflag:$0xA], $0x80, $0x38;
	[tilespmem:$0x1AF40] =	vst v63  }
0x2c8: {  	s21 =	sadd.s32 $0x190F8, s6;
	s22 =	sadd.s32 $0x70, s7  }
0x2c9: {  	[hbm4b:s22+s3] =	stream.linear.scatter [tilespmem:s21], [sflag:$0xA], $0x80, $0x38;
	[tilespmem:$0x1AF40] =	vst v63  }
0x2ca: {  	s6 =	simm.s32 $0x6  }
0x2cb: {  	_ =	swait.ge [sflag:s6], $0x2000  }
0x2cc: {  	[sflag:s6] =	ssyncset.done $0x0  }
0x2cd: {  	s19 =	simm.s32 $0x7;
	[sflag:s6] =	ssyncadd.s32 $0xFFFFE000  }
0x2ce: {  	_ =	swait.ge [sflag:s19], $0x2000  }
0x2cf: {  	[sflag:s19] =	ssyncset.done $0x0  }
0x2d0: {  	s20 =	simm.s32 $0x8;
	[sflag:s19] =	ssyncadd.s32 $0xFFFFE000  }
0x2d1: {  	_ =	swait.ge [sflag:s20], $0x2000  }
0x2d2: {  	[sflag:s20] =	ssyncset.done $0x0  }
0x2d3: {  	s21 =	simm.s32 $0x9;
	[sflag:s20] =	ssyncadd.s32 $0xFFFFE000  }
0x2d4: {  	_ =	swait.ge [sflag:s21], $0x2000  }
0x2d5: {  	[sflag:s21] =	ssyncset.done $0x0  }
0x2d6: {  	s7 =	simm.s32 $0xA;
	[sflag:s21] =	ssyncadd.s32 $0xFFFFE000  }
0x2d7: {  	_ =	swait.ge [sflag:s7], $0x2000  }
0x2d8: {  	s10 =	rddreg [dreg:$0x8]  }
0x2d9: {  	s22 =	rddreg [dreg:$0x7];
	s10 =	sadd.s32 $0x1, s10  }
0x2da: {  	p0 =	sne.s32 s10, s22  }
.Ltmp12:
0x2db: {  	_ = 	snop;
	(pc) =	sbr.rel @p0 .LBB2_1-.Ltmp12, $3  }
0x2dc: {  	_ =	sdelay $0x1  }
0x2dd: {  	[sflag:s7] =	ssyncset.done $0x0  }
0x2de: {  	s8 =	simm.s32 $0x80;
	[sflag:s7] =	ssyncadd.s32 $0xFFFFE000  }
0x2df: {  	_ =	sfence.sel $0x180000  }
0x2e0: {  	[bflag:$0x0] =	sbarrier.arrive $0xFFFF  }
0x2e1: {  	_ =	strace $0x90000047  }
0x2e2: {  	s0 =	stileid.u32;
	[bflag:$0x2] =	sbarrier.arrive $0xFFFF  }
0x2e3: {  	p0 =	sne.s32 s0, $0x0;
	s0 =	rddreg [dreg:$0x2]  }
0x2e4: {  	s0 =	sadd.s32 @!p0 $0x100000, s0  }
0x2e5: {  	[sflag:s0] =	ssyncadd.tile.s32 @!p0 $0x1;
	_ =	shalt  }
.Lfunc_end2:
_tile_overlayer_lowered:
.L_overlay_start_2:
0x2e6: {  	(tag) =	ssettag $0x2  }
0x2e7: {  	s0 =	rddreg [dreg:$0x0];
	s2 =	stileid.u32  }
0x2e8: {  	s1 =	rddreg [dreg:$0x1];
	p0 =	sne.s32 s2, $0x0  }
0x2e9: {  	s3 =	rddreg [dreg:$0x2];
	[bflag:$0x3] =	sbarrier.arrive $0xFFFF;
	s2 =	simm.s32 @!p0 $0x1C0B  }
0x2ea: {  	[timem:s3], [sflag:s2] =	dma.local @!p0 [hbm:s0], s1  }
0x2eb: {  	s0 =	simm.s32 @!p0 $0xB  }
0x2ec: {  	_ =	swait.ge @!p0 [sflag:s0], s1  }
0x2ed: {  	s1 =	ssub.s32 @!p0 $0x0, s1;
	[sflag:s0] =	ssyncset.done @!p0 $0x0  }
0x2ee: {  	[sflag:s0] =	ssyncadd.s32 @!p0 s1  }
0x2ef: {  	[bflag:$0x3] =	sbarrier.arrive $0xFFFF  }
0x2f0: {  	_ =	shalt  }

</sc_bundles>
